<compile_context>
chip_gen: v7x
topology: tpu7x:2x2x1
jax: 0.10.2.dev20260603
libtpu: 0.0.44.dev20260713+nightly
codegen_flags: <defaults>
</compile_context>

<pallas_src>
import jax
import jax.numpy as jnp
from jax import lax
from jax.experimental import pallas as pl
from jax.experimental.pallas import tpu as pltpu
from jax.experimental.pallas import tpu_sc as plsc

N = 10000
E = 320000
D_IN = 128
D_H = 64
MLP_H = 128

NC = 2
NS = 16
DH_C = D_H // NC
BLK = 128
N_PAD = 10016
RPT = N_PAD // NS
BPT = 160
HALF = BPT // 2
E_PAD = NS * BPT * BLK
NBLK_TOT = E_PAD // BLK
NROW_REAL = E // 256
NROW_PAD = 30
CNT_W = 16
NBUF = 2
K = 2
SPT = BPT // K
SHALF = SPT // 2


def _sc_aggregate(with_counts):
    mesh = plsc.VectorSubcoreMesh(core_axis_name="c", subcore_axis_name="s")
    out_type = [jax.ShapeDtypeStruct((NC, N_PAD, DH_C), jnp.float32)]
    scratch = [
        pltpu.VMEM((SPT, K * BLK), jnp.int32),
        pltpu.VMEM((SPT, K * BLK), jnp.int32),
        [pltpu.VMEM((K * BLK, DH_C), jnp.float32) for _ in range(NBUF)],
        [pltpu.SemaphoreType.DMA for _ in range(NBUF)],
        [pltpu.SemaphoreType.DMA for _ in range(NBUF)],
        pltpu.VMEM_SHARED((N_PAD, DH_C), jnp.float32),
        pltpu.VMEM_SHARED((N_PAD, DH_C), jnp.float32),
    ]
    if with_counts:
        out_type.append(
            jax.ShapeDtypeStruct((NC, N_PAD, CNT_W), jnp.float32))
        scratch += [
            pltpu.VMEM((K * BLK, CNT_W), jnp.float32),
            pltpu.VMEM_SHARED((N_PAD, CNT_W), jnp.float32),
            [pltpu.SemaphoreType.DMA for _ in range(NBUF)],
        ]

    def body(y_hbm, ei_hbm, pads_hbm, padd_hbm, z32_hbm, z16_hbm, ones_hbm,
             acc_out, *rest):
        it = iter(rest)
        cnt_out = next(it) if with_counts else None
        src_v = next(it)
        dst_v = next(it)
        rows = next(it)
        gsem = next(it)
        ssem = next(it)
        acc_sh = next(it)
        y_sh = next(it)
        if with_counts:
            ones_v = next(it)
            cnt_sh = next(it)
            csem = next(it)
        cid = lax.axis_index("c")
        sid = lax.axis_index("s")

        ro = pl.multiple_of(sid * RPT, RPT)
        pltpu.sync_copy(y_hbm.at[cid, pl.ds(ro, RPT)], y_sh.at[pl.ds(ro, RPT)])
        pltpu.sync_copy(z32_hbm, acc_sh.at[pl.ds(ro, RPT)])
        if with_counts:
            pltpu.sync_copy(z16_hbm, cnt_sh.at[pl.ds(ro, RPT)])
            pltpu.sync_copy(ones_hbm, ones_v)
        bbase = pl.multiple_of(sid * SPT, SPT)
        real = NROW_REAL - (NS - 1) * SPT

        @pl.when(sid < NS - 1)
        def _():
            pltpu.sync_copy(ei_hbm.at[0, pl.ds(bbase, SPT)], src_v)
            pltpu.sync_copy(ei_hbm.at[1, pl.ds(bbase, SPT)], dst_v)

        @pl.when(sid == NS - 1)
        def _():
            lastb = pl.multiple_of((NS - 1) * SPT, SPT)
            pltpu.sync_copy(ei_hbm.at[0, pl.ds(lastb, real)],
                            src_v.at[pl.ds(0, real)])
            pltpu.sync_copy(ei_hbm.at[1, pl.ds(lastb, real)],
                            dst_v.at[pl.ds(0, real)])
            pltpu.sync_copy(pads_hbm, src_v.at[pl.ds(real, NROW_PAD)])
            pltpu.sync_copy(padd_hbm, dst_v.at[pl.ds(real, NROW_PAD)])

        plsc.subcore_barrier()

        def start_gather(sb, j):
            pltpu.async_copy(y_sh.at[src_v.at[sb]], rows[j], gsem[j])

        def wait_gather(j):
            pltpu.make_async_copy(y_sh.at[src_v.at[0]], rows[j],
                                  gsem[j]).wait()

        def run_phase(base, count_core):
            do_cnt = with_counts and count_core is not None
            if do_cnt:
                on = cid == count_core

            def start_scatter(sb, j):
                idx = dst_v.at[sb]
                pltpu.async_copy(rows[j], acc_sh.at[idx], ssem[j], add=True)
                if do_cnt:
                    @pl.when(on)
                    def _():
                        pltpu.async_copy(ones_v, cnt_sh.at[idx],
                                         csem[j], add=True)

            def wait_scatter(j):
                idx0 = dst_v.at[0]
                pltpu.make_async_copy(rows[j], acc_sh.at[idx0],
                                      ssem[j]).wait()
                if do_cnt:
                    @pl.when(on)
                    def _():
                        pltpu.make_async_copy(ones_v, cnt_sh.at[idx0],
                                              csem[j]).wait()

            for j in range(NBUF):
                start_gather(base + j, j)

            def step(k, carry):
                b = base + k * NBUF
                for j in range(NBUF):
                    wait_gather(j)
                    start_scatter(b + j, j)
                for j in range(NBUF):
                    wait_scatter(j)
                    start_gather(b + NBUF + j, j)
                return carry

            lax.fori_loop(0, SHALF // NBUF - 1, step, 0)

            tail = base + SHALF - NBUF
            for j in range(NBUF):
                wait_gather(j)
                start_scatter(tail + j, j)
            for j in range(NBUF):
                wait_scatter(j)

        run_phase(0, 0 if with_counts else None)
        run_phase(SHALF, 1 if with_counts else None)

        plsc.subcore_barrier()

        pltpu.sync_copy(acc_sh.at[pl.ds(ro, RPT)],
                        acc_out.at[cid, pl.ds(ro, RPT)])
        if with_counts:
            pltpu.sync_copy(cnt_sh.at[pl.ds(ro, RPT)],
                            cnt_out.at[cid, pl.ds(ro, RPT)])

    return pl.kernel(body, out_type=out_type, mesh=mesh,
                     scratch_types=scratch,
                     compiler_params=pltpu.CompilerParams(
                         use_tc_tiling_on_sc=False))


def _tc_pre(x, Wl, Wr):
    n, _ = x.shape

    def body(x_ref, wl_ref, wr_ref, ypad_ref, z_ref):
        xv = x_ref[...]
        y = jnp.dot(xv, wl_ref[...], preferred_element_type=jnp.float32)
        zeros = jnp.zeros((N_PAD - n, DH_C), jnp.float32)
        for c in range(NC):
            ypad_ref[c, 0:n, :] = y[:, c * DH_C:(c + 1) * DH_C]
            ypad_ref[c, n:N_PAD, :] = zeros
        z_ref[...] = jnp.dot(xv, wr_ref[...],
                             preferred_element_type=jnp.float32)

    return pl.pallas_call(
        body,
        out_shape=[jax.ShapeDtypeStruct((NC, N_PAD, DH_C), jnp.float32),
                   jax.ShapeDtypeStruct((n, D_H), jnp.float32)],
    )(x, Wl, Wr)


def _mean_ln_silu(acc_ref, cnt_ref, z_ref, bl_ref, g_ref, be_ref):
    agg = jnp.concatenate(
        [acc_ref[c, 0:N, :] for c in range(NC)], axis=1)
    c = (cnt_ref[0, 0:N, 0:1] + cnt_ref[1, 0:N, 0:1])
    mean = agg / jnp.maximum(c, 1.0)
    t = mean + bl_ref[...] + z_ref[...]
    mu = jnp.mean(t, axis=-1, keepdims=True)
    var = jnp.mean((t - mu) ** 2, axis=-1, keepdims=True)
    h = (t - mu) / jnp.sqrt(var + 1e-5) * g_ref[...] + be_ref[...]
    return h * jax.nn.sigmoid(h)


def _tc_mid(acc, cnt, z, bl, g, be, Wl_next, Wr_next):

    def body(acc_ref, cnt_ref, z_ref, bl_ref, g_ref, be_ref, wl_ref, wr_ref,
             ypad_ref, znext_ref):
        h = _mean_ln_silu(acc_ref, cnt_ref, z_ref, bl_ref, g_ref, be_ref)
        y = jnp.dot(h, wl_ref[...], preferred_element_type=jnp.float32)
        zeros = jnp.zeros((N_PAD - N, DH_C), jnp.float32)
        for c in range(NC):
            ypad_ref[c, 0:N, :] = y[:, c * DH_C:(c + 1) * DH_C]
            ypad_ref[c, N:N_PAD, :] = zeros
        znext_ref[...] = jnp.dot(h, wr_ref[...],
                                 preferred_element_type=jnp.float32)

    return pl.pallas_call(
        body,
        out_shape=[jax.ShapeDtypeStruct((NC, N_PAD, DH_C), jnp.float32),
                   jax.ShapeDtypeStruct((N, D_H), jnp.float32)],
    )(acc, cnt, z, bl, g, be, Wl_next, Wr_next)


def _tc_post(acc, cnt, z, bl, g, be, Wm1, bm1, Wm2, bm2):

    def body(acc_ref, cnt_ref, z_ref, bl_ref, g_ref, be_ref,
             wm1_ref, bm1_ref, wm2_ref, bm2_ref, out_ref):
        h = _mean_ln_silu(acc_ref, cnt_ref, z_ref, bl_ref, g_ref, be_ref)
        m = jnp.dot(h, wm1_ref[...], preferred_element_type=jnp.float32)
        m = jnp.maximum(m + bm1_ref[...], 0.0)
        out_ref[...] = (jnp.dot(m, wm2_ref[...],
                                preferred_element_type=jnp.float32)
                        + bm2_ref[...])

    return pl.pallas_call(
        body,
        out_shape=jax.ShapeDtypeStruct((N, 1), jnp.float32),
    )(acc, cnt, z, bl, g, be, Wm1, bm1, Wm2, bm2)


@jax.jit
def kernel(x, edge_index, W0l, b0l, W0r, g0, be0, W1l, b1l, W1r, g1, be1,
           Wm1, bm1, Wm2, bm2):
    ei3 = edge_index.reshape(2, NROW_REAL, K * BLK)
    padidx = (N + jnp.arange(NROW_PAD * K * BLK, dtype=jnp.int32)
              % (N_PAD - N)).reshape(NROW_PAD, K * BLK)

    z32 = jnp.zeros((RPT, DH_C), jnp.float32)
    z16 = jnp.zeros((RPT, CNT_W), jnp.float32)
    ones = jnp.ones((K * BLK, CNT_W), jnp.float32)

    b0l_r = b0l.reshape(1, D_H)
    g0_r = g0.reshape(1, D_H)
    be0_r = be0.reshape(1, D_H)
    b1l_r = b1l.reshape(1, D_H)
    g1_r = g1.reshape(1, D_H)
    be1_r = be1.reshape(1, D_H)
    bm1_r = bm1.reshape(1, MLP_H)
    bm2_r = bm2.reshape(1, 1)

    agg0_fn = _sc_aggregate(with_counts=True)
    agg1_fn = _sc_aggregate(with_counts=False)

    y0_pad, z0 = _tc_pre(x, W0l, W0r)
    acc0, cnt = agg0_fn(y0_pad, ei3, padidx, padidx, z32, z16, ones)
    y1_pad, z1 = _tc_mid(acc0, cnt, z0, b0l_r, g0_r, be0_r, W1l, W1r)

    acc1, = agg1_fn(y1_pad, ei3, padidx, padidx, z32, z16, ones)

    return _tc_post(acc1, cnt, z1, b1l_r, g1_r, be1_r,
                    Wm1, bm1_r, Wm2, bm2_r)

# --- scband reference (transcript-rebuilt; emitter-appended) ---
"""Pipeline reference for scband-graph-sagenet-38079180046954 (READ-ONLY COPY).

The authoritative reference and input builder live on the scoring server;
editing this copy changes nothing except your own understanding.
"""

import jax, jax.numpy as jnp
import numpy as np

N = 10000
E = 320000
D_IN = 128
D_H = 64
MLP_H = 128


def _layernorm(x, g, b):
    mu = jnp.mean(x, axis=-1, keepdims=True)
    var = jnp.mean((x - mu) ** 2, axis=-1, keepdims=True)
    return (x - mu) / jnp.sqrt(var + 1e-5) * g + b


def _sage_layer(x, src, dst, Wl, bl, Wr):
    # PyG SAGEConv with aggr='mean': out = lin_l(mean_{j in N(i)} x_j) + lin_r(x_i)
    msg = jnp.take(x, src, axis=0)
    agg = jax.ops.segment_sum(msg, dst, num_segments=x.shape[0])
    cnt = jax.ops.segment_sum(jnp.ones((src.shape[0],), x.dtype), dst, num_segments=x.shape[0])
    mean = agg / jnp.maximum(cnt, 1.0)[:, None]
    return mean @ Wl + bl + x @ Wr


def setup_inputs(seed: int = 0) -> dict:
    key = jax.random.key(seed)
    ks = jax.random.split(key, 16)
    x = jax.random.normal(ks[0], (N, D_IN), dtype=jnp.float32)
    edge_index = jax.random.randint(ks[1], (2, E), 0, N, dtype=jnp.int32)
    s = 0.05
    return {
        "x": x,
        "edge_index": edge_index,
        "W0l": jax.random.normal(ks[2], (D_IN, D_H), dtype=jnp.float32) * s,
        "b0l": jnp.zeros((D_H,), dtype=jnp.float32),
        "W0r": jax.random.normal(ks[3], (D_IN, D_H), dtype=jnp.float32) * s,
        "g0": jnp.ones((D_H,), dtype=jnp.float32),
        "be0": jnp.zeros((D_H,), dtype=jnp.float32),
        "W1l": jax.random.normal(ks[4], (D_H, D_H), dtype=jnp.float32) * s,
        "b1l": jnp.zeros((D_H,), dtype=jnp.float32),
        "W1r": jax.random.normal(ks[5], (D_H, D_H), dtype=jnp.float32) * s,
        "g1": jnp.ones((D_H,), dtype=jnp.float32),
        "be1": jnp.zeros((D_H,), dtype=jnp.float32),
        "Wm1": jax.random.normal(ks[6], (D_H, MLP_H), dtype=jnp.float32) * s,
        "bm1": jnp.zeros((MLP_H,), dtype=jnp.float32),
        "Wm2": jax.random.normal(ks[7], (MLP_H, 1), dtype=jnp.float32) * s,
        "bm2": jnp.zeros((1,), dtype=jnp.float32),
    }


def reference(x, edge_index, W0l, b0l, W0r, g0, be0, W1l, b1l, W1r, g1, be1, Wm1, bm1, Wm2, bm2):
    src = edge_index[0]
    dst = edge_index[1]
    # layer 0
    h = _sage_layer(x, src, dst, W0l, b0l, W0r)
    h = _layernorm(h, g0, be0)
    h = jax.nn.silu(h)
    # (dropout inactive in eval mode)
    # layer 1
    h = _sage_layer(h, src, dst, W1l, b1l, W1r)
    h = _layernorm(h, g1, be1)
    h = jax.nn.silu(h)
    # MLP regressor head
    h = jax.nn.relu(h @ Wm1 + bm1)
    out = h @ Wm2 + bm2
    return out

if __name__ == "__main__":
    import jax
    _d = setup_inputs()
    print(jax.jit(kernel)(*tuple(_d.values())))

</pallas_src>

<mosaic_0001>
#map = affine_map<(d0, d1) -> (0, 0, 0)>
#map1 = affine_map<(d0, d1) -> (0, 0)>
module attributes {stable_mosaic.version = 14 : i64} {
  func.func @body(%arg0: i32, %arg1: i32, %arg2: memref<2x10016x32xf32, #tpu.memory_space<hbm>>, %arg3: memref<2x1250x256xi32, #tpu.memory_space<hbm>>, %arg4: memref<30x256xi32, #tpu.memory_space<hbm>>, %arg5: memref<30x256xi32, #tpu.memory_space<hbm>>, %arg6: memref<626x32xf32, #tpu.memory_space<hbm>>, %arg7: memref<626x16xf32, #tpu.memory_space<hbm>>, %arg8: memref<256x16xf32, #tpu.memory_space<hbm>>, %arg9: memref<2x10016x32xf32, #tpu.memory_space<hbm>>, %arg10: memref<2x10016x16xf32, #tpu.memory_space<hbm>>, %arg11: memref<80x256xi32, #tpu.memory_space<vmem>>, %arg12: memref<80x256xi32, #tpu.memory_space<vmem>>, %arg13: memref<256x32xf32, #tpu.memory_space<vmem>>, %arg14: memref<256x32xf32, #tpu.memory_space<vmem>>, %arg15: memref<!tpu.dma_semaphore, #tpu.memory_space<semaphore_mem>>, %arg16: memref<!tpu.dma_semaphore, #tpu.memory_space<semaphore_mem>>, %arg17: memref<!tpu.dma_semaphore, #tpu.memory_space<semaphore_mem>>, %arg18: memref<!tpu.dma_semaphore, #tpu.memory_space<semaphore_mem>>, %arg19: memref<10016x32xf32, #tpu.memory_space<vmem_shared>>, %arg20: memref<10016x32xf32, #tpu.memory_space<vmem_shared>>, %arg21: memref<256x16xf32, #tpu.memory_space<vmem>>, %arg22: memref<10016x16xf32, #tpu.memory_space<vmem_shared>>, %arg23: memref<!tpu.dma_semaphore, #tpu.memory_space<semaphore_mem>>, %arg24: memref<!tpu.dma_semaphore, #tpu.memory_space<semaphore_mem>>) attributes {dimension_semantics = [#tpu.dimension_semantics<core_parallel>, #tpu.dimension_semantics<subcore_parallel>], iteration_bounds = array<i64: 2, 16>, scalar_prefetch = 0 : i64, scratch_operands = 14 : i64, tpu.core_type = #tpu.core_type<sc_vector_subcore>, window_params = [{transform_indices = #map}, {transform_indices = #map}, {transform_indices = #map1}, {transform_indices = #map1}, {transform_indices = #map1}, {transform_indices = #map1}, {transform_indices = #map1}, {transform_indices = #map}, {transform_indices = #map}]} {
    %mul3A = arith.constant 626 : i32
    %mul3A_0 = arith.muli %arg1, %mul3A : i32
    %multiple_of3A = tpu.assume_multiple %mul3A_0, 626 : i32
    "tpu.region"() ({
      %run_scoped3A = tpu.sem_alloc : memref<!tpu.dma_semaphore, #tpu.memory_space<semaphore_mem>>
      %dma_start3A_168 = arith.constant 0 : i32
      %dma_start3A_169 = tpu.memref_slice %arg20[%multiple_of3A, %dma_start3A_168] : memref<10016x32xf32, #tpu.memory_space<vmem_shared>> -> memref<626x32xf32, #tpu.memory_space<vmem_shared>>
      %dma_start3A_170 = arith.constant 0 : i32
      %dma_start3A_171 = tpu.memref_slice %arg2[%arg0, %multiple_of3A, %dma_start3A_170] : memref<2x10016x32xf32, #tpu.memory_space<hbm>> -> memref<1x626x32xf32, #tpu.memory_space<hbm>>
      %dma_start3A_172 = tpu.memref_squeeze %dma_start3A_171 : memref<1x626x32xf32, #tpu.memory_space<hbm>> -> memref<626x32xf32, #tpu.memory_space<hbm>>
      tpu.enqueue_dma source(%dma_start3A_172 : memref<626x32xf32, #tpu.memory_space<hbm>>) target(%dma_start3A_169 : memref<626x32xf32, #tpu.memory_space<vmem_shared>>) target_semaphore(%run_scoped3A : memref<!tpu.dma_semaphore, #tpu.memory_space<semaphore_mem>>)
      %dma_wait3A_173 = arith.constant 0 : i32
      %dma_wait3A_174 = tpu.memref_slice %arg20[%multiple_of3A, %dma_wait3A_173] : memref<10016x32xf32, #tpu.memory_space<vmem_shared>> -> memref<626x32xf32, #tpu.memory_space<vmem_shared>>
      %dma_wait3A_175 = arith.constant 0 : i32
      %dma_wait3A_176 = tpu.memref_slice %arg2[%arg0, %multiple_of3A, %dma_wait3A_175] : memref<2x10016x32xf32, #tpu.memory_space<hbm>> -> memref<1x626x32xf32, #tpu.memory_space<hbm>>
      %dma_wait3A_177 = tpu.memref_squeeze %dma_wait3A_176 : memref<1x626x32xf32, #tpu.memory_space<hbm>> -> memref<626x32xf32, #tpu.memory_space<hbm>>
      tpu.wait_dma2 semaphore(%run_scoped3A : memref<!tpu.dma_semaphore, #tpu.memory_space<semaphore_mem>>) src(%dma_wait3A_177 : memref<626x32xf32, #tpu.memory_space<hbm>>) dst(%dma_wait3A_174 : memref<626x32xf32, #tpu.memory_space<vmem_shared>>)
      tpu.yield
    }) : () -> ()
    "tpu.region"() ({
      %run_scoped3A = tpu.sem_alloc : memref<!tpu.dma_semaphore, #tpu.memory_space<semaphore_mem>>
      %dma_start3A_168 = arith.constant 0 : i32
      %dma_start3A_169 = tpu.memref_slice %arg19[%multiple_of3A, %dma_start3A_168] : memref<10016x32xf32, #tpu.memory_space<vmem_shared>> -> memref<626x32xf32, #tpu.memory_space<vmem_shared>>
      tpu.enqueue_dma source(%arg6 : memref<626x32xf32, #tpu.memory_space<hbm>>) target(%dma_start3A_169 : memref<626x32xf32, #tpu.memory_space<vmem_shared>>) target_semaphore(%run_scoped3A : memref<!tpu.dma_semaphore, #tpu.memory_space<semaphore_mem>>)
      %dma_wait3A_170 = arith.constant 0 : i32
      %dma_wait3A_171 = tpu.memref_slice %arg19[%multiple_of3A, %dma_wait3A_170] : memref<10016x32xf32, #tpu.memory_space<vmem_shared>> -> memref<626x32xf32, #tpu.memory_space<vmem_shared>>
      tpu.wait_dma2 semaphore(%run_scoped3A : memref<!tpu.dma_semaphore, #tpu.memory_space<semaphore_mem>>) src(%arg6 : memref<626x32xf32, #tpu.memory_space<hbm>>) dst(%dma_wait3A_171 : memref<626x32xf32, #tpu.memory_space<vmem_shared>>)
      tpu.yield
    }) : () -> ()
    "tpu.region"() ({
      %run_scoped3A = tpu.sem_alloc : memref<!tpu.dma_semaphore, #tpu.memory_space<semaphore_mem>>
      %dma_start3A_168 = arith.constant 0 : i32
      %dma_start3A_169 = tpu.memref_slice %arg22[%multiple_of3A, %dma_start3A_168] : memref<10016x16xf32, #tpu.memory_space<vmem_shared>> -> memref<626x16xf32, #tpu.memory_space<vmem_shared>>
      tpu.enqueue_dma source(%arg7 : memref<626x16xf32, #tpu.memory_space<hbm>>) target(%dma_start3A_169 : memref<626x16xf32, #tpu.memory_space<vmem_shared>>) target_semaphore(%run_scoped3A : memref<!tpu.dma_semaphore, #tpu.memory_space<semaphore_mem>>)
      %dma_wait3A_170 = arith.constant 0 : i32
      %dma_wait3A_171 = tpu.memref_slice %arg22[%multiple_of3A, %dma_wait3A_170] : memref<10016x16xf32, #tpu.memory_space<vmem_shared>> -> memref<626x16xf32, #tpu.memory_space<vmem_shared>>
      tpu.wait_dma2 semaphore(%run_scoped3A : memref<!tpu.dma_semaphore, #tpu.memory_space<semaphore_mem>>) src(%arg7 : memref<626x16xf32, #tpu.memory_space<hbm>>) dst(%dma_wait3A_171 : memref<626x16xf32, #tpu.memory_space<vmem_shared>>)
      tpu.yield
    }) : () -> ()
    "tpu.region"() ({
      %run_scoped3A = tpu.sem_alloc : memref<!tpu.dma_semaphore, #tpu.memory_space<semaphore_mem>>
      tpu.enqueue_dma source(%arg8 : memref<256x16xf32, #tpu.memory_space<hbm>>) target(%arg21 : memref<256x16xf32, #tpu.memory_space<vmem>>) target_semaphore(%run_scoped3A : memref<!tpu.dma_semaphore, #tpu.memory_space<semaphore_mem>>)
      tpu.wait_dma2 semaphore(%run_scoped3A : memref<!tpu.dma_semaphore, #tpu.memory_space<semaphore_mem>>) src(%arg8 : memref<256x16xf32, #tpu.memory_space<hbm>>) dst(%arg21 : memref<256x16xf32, #tpu.memory_space<vmem>>)
      tpu.yield
    }) : () -> ()
    %mul3A_1 = arith.constant 80 : i32
    %mul3A_2 = arith.muli %arg1, %mul3A_1 : i32
    %multiple_of3A_3 = tpu.assume_multiple %mul3A_2, 80 : i32
    %lt3A = arith.constant 15 : i32
    %lt3A_4 = arith.cmpi slt, %arg1, %lt3A : i32
    %convert_element_type3A = arith.extui %lt3A_4 : i1 to i32
    %cond3A = arith.constant 0 : i32
    %cond3A_5 = arith.cmpi ne, %convert_element_type3A, %cond3A : i32
    scf.if %cond3A_5 {
      %run_scoped3A = arith.constant 0 : i32
      "tpu.region"() ({
        %run_scoped3A_169 = tpu.sem_alloc : memref<!tpu.dma_semaphore, #tpu.memory_space<semaphore_mem>>
        %dma_start3A_170 = arith.constant 0 : i32
        %dma_start3A_171 = tpu.memref_slice %arg3[%run_scoped3A, %multiple_of3A_3, %dma_start3A_170] : memref<2x1250x256xi32, #tpu.memory_space<hbm>> -> memref<1x80x256xi32, #tpu.memory_space<hbm>>
        %dma_start3A_172 = tpu.memref_squeeze %dma_start3A_171 : memref<1x80x256xi32, #tpu.memory_space<hbm>> -> memref<80x256xi32, #tpu.memory_space<hbm>>
        %dma_start3A_173 = arith.constant 0 : i32
        %dma_start3A_174 = tpu.memref_slice %arg3[%run_scoped3A, %multiple_of3A_3, %dma_start3A_173] : memref<2x1250x256xi32, #tpu.memory_space<hbm>> -> memref<1x80x256xi32, #tpu.memory_space<hbm>>
        %dma_start3A_175 = tpu.memref_squeeze %dma_start3A_174 : memref<1x80x256xi32, #tpu.memory_space<hbm>> -> memref<80x256xi32, #tpu.memory_space<hbm>>
        tpu.enqueue_dma source(%dma_start3A_175 : memref<80x256xi32, #tpu.memory_space<hbm>>) target(%arg11 : memref<80x256xi32, #tpu.memory_space<vmem>>) target_semaphore(%run_scoped3A_169 : memref<!tpu.dma_semaphore, #tpu.memory_space<semaphore_mem>>)
        %dma_wait3A_176 = arith.constant 0 : i32
        %dma_wait3A_177 = tpu.memref_slice %arg3[%run_scoped3A, %multiple_of3A_3, %dma_wait3A_176] : memref<2x1250x256xi32, #tpu.memory_space<hbm>> -> memref<1x80x256xi32, #tpu.memory_space<hbm>>
        %dma_wait3A_178 = tpu.memref_squeeze %dma_wait3A_177 : memref<1x80x256xi32, #tpu.memory_space<hbm>> -> memref<80x256xi32, #tpu.memory_space<hbm>>
        %dma_wait3A_179 = arith.constant 0 : i32
        %dma_wait3A_180 = tpu.memref_slice %arg3[%run_scoped3A, %multiple_of3A_3, %dma_wait3A_179] : memref<2x1250x256xi32, #tpu.memory_space<hbm>> -> memref<1x80x256xi32, #tpu.memory_space<hbm>>
        %dma_wait3A_181 = tpu.memref_squeeze %dma_wait3A_180 : memref<1x80x256xi32, #tpu.memory_space<hbm>> -> memref<80x256xi32, #tpu.memory_space<hbm>>
        tpu.wait_dma2 semaphore(%run_scoped3A_169 : memref<!tpu.dma_semaphore, #tpu.memory_space<semaphore_mem>>) src(%dma_wait3A_181 : memref<80x256xi32, #tpu.memory_space<hbm>>) dst(%arg11 : memref<80x256xi32, #tpu.memory_space<vmem>>)
        tpu.yield
      }) : () -> ()
      %run_scoped3A_168 = arith.constant 1 : i32
      "tpu.region"() ({
        %run_scoped3A_169 = tpu.sem_alloc : memref<!tpu.dma_semaphore, #tpu.memory_space<semaphore_mem>>
        %dma_start3A_170 = arith.constant 0 : i32
        %dma_start3A_171 = tpu.memref_slice %arg3[%run_scoped3A_168, %multiple_of3A_3, %dma_start3A_170] : memref<2x1250x256xi32, #tpu.memory_space<hbm>> -> memref<1x80x256xi32, #tpu.memory_space<hbm>>
        %dma_start3A_172 = tpu.memref_squeeze %dma_start3A_171 : memref<1x80x256xi32, #tpu.memory_space<hbm>> -> memref<80x256xi32, #tpu.memory_space<hbm>>
        %dma_start3A_173 = arith.constant 0 : i32
        %dma_start3A_174 = tpu.memref_slice %arg3[%run_scoped3A_168, %multiple_of3A_3, %dma_start3A_173] : memref<2x1250x256xi32, #tpu.memory_space<hbm>> -> memref<1x80x256xi32, #tpu.memory_space<hbm>>
        %dma_start3A_175 = tpu.memref_squeeze %dma_start3A_174 : memref<1x80x256xi32, #tpu.memory_space<hbm>> -> memref<80x256xi32, #tpu.memory_space<hbm>>
        tpu.enqueue_dma source(%dma_start3A_175 : memref<80x256xi32, #tpu.memory_space<hbm>>) target(%arg12 : memref<80x256xi32, #tpu.memory_space<vmem>>) target_semaphore(%run_scoped3A_169 : memref<!tpu.dma_semaphore, #tpu.memory_space<semaphore_mem>>)
        %dma_wait3A_176 = arith.constant 0 : i32
        %dma_wait3A_177 = tpu.memref_slice %arg3[%run_scoped3A_168, %multiple_of3A_3, %dma_wait3A_176] : memref<2x1250x256xi32, #tpu.memory_space<hbm>> -> memref<1x80x256xi32, #tpu.memory_space<hbm>>
        %dma_wait3A_178 = tpu.memref_squeeze %dma_wait3A_177 : memref<1x80x256xi32, #tpu.memory_space<hbm>> -> memref<80x256xi32, #tpu.memory_space<hbm>>
        %dma_wait3A_179 = arith.constant 0 : i32
        %dma_wait3A_180 = tpu.memref_slice %arg3[%run_scoped3A_168, %multiple_of3A_3, %dma_wait3A_179] : memref<2x1250x256xi32, #tpu.memory_space<hbm>> -> memref<1x80x256xi32, #tpu.memory_space<hbm>>
        %dma_wait3A_181 = tpu.memref_squeeze %dma_wait3A_180 : memref<1x80x256xi32, #tpu.memory_space<hbm>> -> memref<80x256xi32, #tpu.memory_space<hbm>>
        tpu.wait_dma2 semaphore(%run_scoped3A_169 : memref<!tpu.dma_semaphore, #tpu.memory_space<semaphore_mem>>) src(%dma_wait3A_181 : memref<80x256xi32, #tpu.memory_space<hbm>>) dst(%arg12 : memref<80x256xi32, #tpu.memory_space<vmem>>)
        tpu.yield
      }) : () -> ()
    } else {
    }
    %eq3A = arith.constant 15 : i32
    %eq3A_6 = arith.cmpi eq, %arg1, %eq3A : i32
    %convert_element_type3A_7 = arith.extui %eq3A_6 : i1 to i32
    %cond3A_8 = arith.constant 0 : i32
    %cond3A_9 = arith.cmpi ne, %convert_element_type3A_7, %cond3A_8 : i32
    scf.if %cond3A_9 {
      %multiple_of3A_168 = arith.constant 1200 : i32
      %multiple_of3A_169 = tpu.assume_multiple %multiple_of3A_168, 80 : i32
      %run_scoped3A = arith.constant 0 : i32
      "tpu.region"() ({
        %run_scoped3A_171 = tpu.sem_alloc : memref<!tpu.dma_semaphore, #tpu.memory_space<semaphore_mem>>
        %dma_start3A_172 = arith.constant 0 : i32
        %dma_start3A_173 = arith.constant 0 : i32
        %dma_start3A_174 = tpu.memref_slice %arg11[%dma_start3A_172, %dma_start3A_173] : memref<80x256xi32, #tpu.memory_space<vmem>> -> memref<50x256xi32, #tpu.memory_space<vmem>>
        %dma_start3A_175 = arith.constant 0 : i32
        %dma_start3A_176 = tpu.memref_slice %arg3[%run_scoped3A, %multiple_of3A_169, %dma_start3A_175] : memref<2x1250x256xi32, #tpu.memory_space<hbm>> -> memref<1x50x256xi32, #tpu.memory_space<hbm>>
        %dma_start3A_177 = tpu.memref_squeeze %dma_start3A_176 : memref<1x50x256xi32, #tpu.memory_space<hbm>> -> memref<50x256xi32, #tpu.memory_space<hbm>>
        %dma_start3A_178 = arith.constant 0 : i32
        %dma_start3A_179 = arith.constant 0 : i32
        %dma_start3A_180 = tpu.memref_slice %arg11[%dma_start3A_178, %dma_start3A_179] : memref<80x256xi32, #tpu.memory_space<vmem>> -> memref<50x256xi32, #tpu.memory_space<vmem>>
        %dma_start3A_181 = arith.constant 0 : i32
        %dma_start3A_182 = tpu.memref_slice %arg3[%run_scoped3A, %multiple_of3A_169, %dma_start3A_181] : memref<2x1250x256xi32, #tpu.memory_space<hbm>> -> memref<1x50x256xi32, #tpu.memory_space<hbm>>
        %dma_start3A_183 = tpu.memref_squeeze %dma_start3A_182 : memref<1x50x256xi32, #tpu.memory_space<hbm>> -> memref<50x256xi32, #tpu.memory_space<hbm>>
        tpu.enqueue_dma source(%dma_start3A_183 : memref<50x256xi32, #tpu.memory_space<hbm>>) target(%dma_start3A_180 : memref<50x256xi32, #tpu.memory_space<vmem>>) target_semaphore(%run_scoped3A_171 : memref<!tpu.dma_semaphore, #tpu.memory_space<semaphore_mem>>)
        %dma_wait3A_184 = arith.constant 0 : i32
        %dma_wait3A_185 = arith.constant 0 : i32
        %dma_wait3A_186 = tpu.memref_slice %arg11[%dma_wait3A_184, %dma_wait3A_185] : memref<80x256xi32, #tpu.memory_space<vmem>> -> memref<50x256xi32, #tpu.memory_space<vmem>>
        %dma_wait3A_187 = arith.constant 0 : i32
        %dma_wait3A_188 = tpu.memref_slice %arg3[%run_scoped3A, %multiple_of3A_169, %dma_wait3A_187] : memref<2x1250x256xi32, #tpu.memory_space<hbm>> -> memref<1x50x256xi32, #tpu.memory_space<hbm>>
        %dma_wait3A_189 = tpu.memref_squeeze %dma_wait3A_188 : memref<1x50x256xi32, #tpu.memory_space<hbm>> -> memref<50x256xi32, #tpu.memory_space<hbm>>
        %dma_wait3A_190 = arith.constant 0 : i32
        %dma_wait3A_191 = arith.constant 0 : i32
        %dma_wait3A_192 = tpu.memref_slice %arg11[%dma_wait3A_190, %dma_wait3A_191] : memref<80x256xi32, #tpu.memory_space<vmem>> -> memref<50x256xi32, #tpu.memory_space<vmem>>
        %dma_wait3A_193 = arith.constant 0 : i32
        %dma_wait3A_194 = tpu.memref_slice %arg3[%run_scoped3A, %multiple_of3A_169, %dma_wait3A_193] : memref<2x1250x256xi32, #tpu.memory_space<hbm>> -> memref<1x50x256xi32, #tpu.memory_space<hbm>>
        %dma_wait3A_195 = tpu.memref_squeeze %dma_wait3A_194 : memref<1x50x256xi32, #tpu.memory_space<hbm>> -> memref<50x256xi32, #tpu.memory_space<hbm>>
        tpu.wait_dma2 semaphore(%run_scoped3A_171 : memref<!tpu.dma_semaphore, #tpu.memory_space<semaphore_mem>>) src(%dma_wait3A_195 : memref<50x256xi32, #tpu.memory_space<hbm>>) dst(%dma_wait3A_192 : memref<50x256xi32, #tpu.memory_space<vmem>>)
        tpu.yield
      }) : () -> ()
      %run_scoped3A_170 = arith.constant 1 : i32
      "tpu.region"() ({
        %run_scoped3A_171 = tpu.sem_alloc : memref<!tpu.dma_semaphore, #tpu.memory_space<semaphore_mem>>
        %dma_start3A_172 = arith.constant 0 : i32
        %dma_start3A_173 = arith.constant 0 : i32
        %dma_start3A_174 = tpu.memref_slice %arg12[%dma_start3A_172, %dma_start3A_173] : memref<80x256xi32, #tpu.memory_space<vmem>> -> memref<50x256xi32, #tpu.memory_space<vmem>>
        %dma_start3A_175 = arith.constant 0 : i32
        %dma_start3A_176 = tpu.memref_slice %arg3[%run_scoped3A_170, %multiple_of3A_169, %dma_start3A_175] : memref<2x1250x256xi32, #tpu.memory_space<hbm>> -> memref<1x50x256xi32, #tpu.memory_space<hbm>>
        %dma_start3A_177 = tpu.memref_squeeze %dma_start3A_176 : memref<1x50x256xi32, #tpu.memory_space<hbm>> -> memref<50x256xi32, #tpu.memory_space<hbm>>
        %dma_start3A_178 = arith.constant 0 : i32
        %dma_start3A_179 = arith.constant 0 : i32
        %dma_start3A_180 = tpu.memref_slice %arg12[%dma_start3A_178, %dma_start3A_179] : memref<80x256xi32, #tpu.memory_space<vmem>> -> memref<50x256xi32, #tpu.memory_space<vmem>>
        %dma_start3A_181 = arith.constant 0 : i32
        %dma_start3A_182 = tpu.memref_slice %arg3[%run_scoped3A_170, %multiple_of3A_169, %dma_start3A_181] : memref<2x1250x256xi32, #tpu.memory_space<hbm>> -> memref<1x50x256xi32, #tpu.memory_space<hbm>>
        %dma_start3A_183 = tpu.memref_squeeze %dma_start3A_182 : memref<1x50x256xi32, #tpu.memory_space<hbm>> -> memref<50x256xi32, #tpu.memory_space<hbm>>
        tpu.enqueue_dma source(%dma_start3A_183 : memref<50x256xi32, #tpu.memory_space<hbm>>) target(%dma_start3A_180 : memref<50x256xi32, #tpu.memory_space<vmem>>) target_semaphore(%run_scoped3A_171 : memref<!tpu.dma_semaphore, #tpu.memory_space<semaphore_mem>>)
        %dma_wait3A_184 = arith.constant 0 : i32
        %dma_wait3A_185 = arith.constant 0 : i32
        %dma_wait3A_186 = tpu.memref_slice %arg12[%dma_wait3A_184, %dma_wait3A_185] : memref<80x256xi32, #tpu.memory_space<vmem>> -> memref<50x256xi32, #tpu.memory_space<vmem>>
        %dma_wait3A_187 = arith.constant 0 : i32
        %dma_wait3A_188 = tpu.memref_slice %arg3[%run_scoped3A_170, %multiple_of3A_169, %dma_wait3A_187] : memref<2x1250x256xi32, #tpu.memory_space<hbm>> -> memref<1x50x256xi32, #tpu.memory_space<hbm>>
        %dma_wait3A_189 = tpu.memref_squeeze %dma_wait3A_188 : memref<1x50x256xi32, #tpu.memory_space<hbm>> -> memref<50x256xi32, #tpu.memory_space<hbm>>
        %dma_wait3A_190 = arith.constant 0 : i32
        %dma_wait3A_191 = arith.constant 0 : i32
        %dma_wait3A_192 = tpu.memref_slice %arg12[%dma_wait3A_190, %dma_wait3A_191] : memref<80x256xi32, #tpu.memory_space<vmem>> -> memref<50x256xi32, #tpu.memory_space<vmem>>
        %dma_wait3A_193 = arith.constant 0 : i32
        %dma_wait3A_194 = tpu.memref_slice %arg3[%run_scoped3A_170, %multiple_of3A_169, %dma_wait3A_193] : memref<2x1250x256xi32, #tpu.memory_space<hbm>> -> memref<1x50x256xi32, #tpu.memory_space<hbm>>
        %dma_wait3A_195 = tpu.memref_squeeze %dma_wait3A_194 : memref<1x50x256xi32, #tpu.memory_space<hbm>> -> memref<50x256xi32, #tpu.memory_space<hbm>>
        tpu.wait_dma2 semaphore(%run_scoped3A_171 : memref<!tpu.dma_semaphore, #tpu.memory_space<semaphore_mem>>) src(%dma_wait3A_195 : memref<50x256xi32, #tpu.memory_space<hbm>>) dst(%dma_wait3A_192 : memref<50x256xi32, #tpu.memory_space<vmem>>)
        tpu.yield
      }) : () -> ()
      "tpu.region"() ({
        %run_scoped3A_171 = tpu.sem_alloc : memref<!tpu.dma_semaphore, #tpu.memory_space<semaphore_mem>>
        %dma_start3A_172 = arith.constant 50 : i32
        %dma_start3A_173 = arith.constant 0 : i32
        %dma_start3A_174 = tpu.memref_slice %arg11[%dma_start3A_172, %dma_start3A_173] : memref<80x256xi32, #tpu.memory_space<vmem>> -> memref<30x256xi32, #tpu.memory_space<vmem>>
        %dma_start3A_175 = arith.constant 50 : i32
        %dma_start3A_176 = arith.constant 0 : i32
        %dma_start3A_177 = tpu.memref_slice %arg11[%dma_start3A_175, %dma_start3A_176] : memref<80x256xi32, #tpu.memory_space<vmem>> -> memref<30x256xi32, #tpu.memory_space<vmem>>
        tpu.enqueue_dma source(%arg4 : memref<30x256xi32, #tpu.memory_space<hbm>>) target(%dma_start3A_177 : memref<30x256xi32, #tpu.memory_space<vmem>>) target_semaphore(%run_scoped3A_171 : memref<!tpu.dma_semaphore, #tpu.memory_space<semaphore_mem>>)
        %dma_wait3A_178 = arith.constant 50 : i32
        %dma_wait3A_179 = arith.constant 0 : i32
        %dma_wait3A_180 = tpu.memref_slice %arg11[%dma_wait3A_178, %dma_wait3A_179] : memref<80x256xi32, #tpu.memory_space<vmem>> -> memref<30x256xi32, #tpu.memory_space<vmem>>
        %dma_wait3A_181 = arith.constant 50 : i32
        %dma_wait3A_182 = arith.constant 0 : i32
        %dma_wait3A_183 = tpu.memref_slice %arg11[%dma_wait3A_181, %dma_wait3A_182] : memref<80x256xi32, #tpu.memory_space<vmem>> -> memref<30x256xi32, #tpu.memory_space<vmem>>
        tpu.wait_dma2 semaphore(%run_scoped3A_171 : memref<!tpu.dma_semaphore, #tpu.memory_space<semaphore_mem>>) src(%arg4 : memref<30x256xi32, #tpu.memory_space<hbm>>) dst(%dma_wait3A_183 : memref<30x256xi32, #tpu.memory_space<vmem>>)
        tpu.yield
      }) : () -> ()
      "tpu.region"() ({
        %run_scoped3A_171 = tpu.sem_alloc : memref<!tpu.dma_semaphore, #tpu.memory_space<semaphore_mem>>
        %dma_start3A_172 = arith.constant 50 : i32
        %dma_start3A_173 = arith.constant 0 : i32
        %dma_start3A_174 = tpu.memref_slice %arg12[%dma_start3A_172, %dma_start3A_173] : memref<80x256xi32, #tpu.memory_space<vmem>> -> memref<30x256xi32, #tpu.memory_space<vmem>>
        %dma_start3A_175 = arith.constant 50 : i32
        %dma_start3A_176 = arith.constant 0 : i32
        %dma_start3A_177 = tpu.memref_slice %arg12[%dma_start3A_175, %dma_start3A_176] : memref<80x256xi32, #tpu.memory_space<vmem>> -> memref<30x256xi32, #tpu.memory_space<vmem>>
        tpu.enqueue_dma source(%arg5 : memref<30x256xi32, #tpu.memory_space<hbm>>) target(%dma_start3A_177 : memref<30x256xi32, #tpu.memory_space<vmem>>) target_semaphore(%run_scoped3A_171 : memref<!tpu.dma_semaphore, #tpu.memory_space<semaphore_mem>>)
        %dma_wait3A_178 = arith.constant 50 : i32
        %dma_wait3A_179 = arith.constant 0 : i32
        %dma_wait3A_180 = tpu.memref_slice %arg12[%dma_wait3A_178, %dma_wait3A_179] : memref<80x256xi32, #tpu.memory_space<vmem>> -> memref<30x256xi32, #tpu.memory_space<vmem>>
        %dma_wait3A_181 = arith.constant 50 : i32
        %dma_wait3A_182 = arith.constant 0 : i32
        %dma_wait3A_183 = tpu.memref_slice %arg12[%dma_wait3A_181, %dma_wait3A_182] : memref<80x256xi32, #tpu.memory_space<vmem>> -> memref<30x256xi32, #tpu.memory_space<vmem>>
        tpu.wait_dma2 semaphore(%run_scoped3A_171 : memref<!tpu.dma_semaphore, #tpu.memory_space<semaphore_mem>>) src(%arg5 : memref<30x256xi32, #tpu.memory_space<hbm>>) dst(%dma_wait3A_183 : memref<30x256xi32, #tpu.memory_space<vmem>>)
        tpu.yield
      }) : () -> ()
    } else {
    }
    %barrier3A = arith.constant 0 : index
    tpu.barrier barrier_id(%barrier3A)
    %eq3A_10 = arith.constant 0 : i32
    %eq3A_11 = arith.cmpi eq, %arg0, %eq3A_10 : i32
    %dma_start3A = arith.constant 0 : i32
    %dma_start3A_12 = arith.constant 0 : i32
    %dma_start3A_13 = tpu.memref_slice %arg11[%dma_start3A, %dma_start3A_12] : memref<80x256xi32, #tpu.memory_space<vmem>> -> memref<1x256xi32, #tpu.memory_space<vmem>>
    %dma_start3A_14 = tpu.memref_squeeze %dma_start3A_13 : memref<1x256xi32, #tpu.memory_space<vmem>> -> memref<256xi32, #tpu.memory_space<vmem>>
    %dma_start3A_15 = arith.constant 0 : i32
    %dma_start3A_16 = arith.constant 0 : i32
    %dma_start3A_17 = tpu.memref_slice %arg20[%dma_start3A_15, %dma_start3A_16] : memref<10016x32xf32, #tpu.memory_space<vmem_shared>> -> memref<10016x32xf32, #tpu.memory_space<vmem_shared>>
    tpu.enqueue_indirect_dma source(%dma_start3A_17 : memref<10016x32xf32, #tpu.memory_space<vmem_shared>>) target(%arg13 : memref<256x32xf32, #tpu.memory_space<vmem>>) offsets(%dma_start3A_14 : memref<256xi32, #tpu.memory_space<vmem>>) semaphore(%arg15 : memref<!tpu.dma_semaphore, #tpu.memory_space<semaphore_mem>>)
    %dma_start3A_18 = arith.constant 1 : i32
    %dma_start3A_19 = arith.constant 0 : i32
    %dma_start3A_20 = tpu.memref_slice %arg11[%dma_start3A_18, %dma_start3A_19] : memref<80x256xi32, #tpu.memory_space<vmem>> -> memref<1x256xi32, #tpu.memory_space<vmem>>
    %dma_start3A_21 = tpu.memref_squeeze %dma_start3A_20 : memref<1x256xi32, #tpu.memory_space<vmem>> -> memref<256xi32, #tpu.memory_space<vmem>>
    %dma_start3A_22 = arith.constant 0 : i32
    %dma_start3A_23 = arith.constant 0 : i32
    %dma_start3A_24 = tpu.memref_slice %arg20[%dma_start3A_22, %dma_start3A_23] : memref<10016x32xf32, #tpu.memory_space<vmem_shared>> -> memref<10016x32xf32, #tpu.memory_space<vmem_shared>>
    tpu.enqueue_indirect_dma source(%dma_start3A_24 : memref<10016x32xf32, #tpu.memory_space<vmem_shared>>) target(%arg14 : memref<256x32xf32, #tpu.memory_space<vmem>>) offsets(%dma_start3A_21 : memref<256xi32, #tpu.memory_space<vmem>>) semaphore(%arg16 : memref<!tpu.dma_semaphore, #tpu.memory_space<semaphore_mem>>)
    %scan3A = arith.constant 0 : i32
    %scan3A_25 = arith.constant 0 : i32
    %scan3A_26 = arith.constant 19 : i32
    %scan3A_27 = arith.addi %scan3A_25, %scan3A_26 : i32
    %scan3A_28 = arith.constant 1 : i32
    scf.for %scan3A_168 = %scan3A_25 to %scan3A_27 step %scan3A_28  : i32 {
      %mul3A_169 = arith.constant 2 : i32
      %mul3A_170 = arith.muli %scan3A_168, %mul3A_169 : i32
      %add3A = arith.constant 0 : i32
      %add3A_171 = arith.addi %add3A, %mul3A_170 : i32
      %dma_wait3A_172 = arith.constant 0 : i32
      %dma_wait3A_173 = arith.constant 0 : i32
      %dma_wait3A_174 = tpu.memref_slice %arg11[%dma_wait3A_172, %dma_wait3A_173] : memref<80x256xi32, #tpu.memory_space<vmem>> -> memref<1x256xi32, #tpu.memory_space<vmem>>
      %dma_wait3A_175 = tpu.memref_squeeze %dma_wait3A_174 : memref<1x256xi32, #tpu.memory_space<vmem>> -> memref<256xi32, #tpu.memory_space<vmem>>
      %dma_wait3A_176 = arith.constant 0 : i32
      %dma_wait3A_177 = arith.constant 0 : i32
      %dma_wait3A_178 = tpu.memref_slice %arg20[%dma_wait3A_176, %dma_wait3A_177] : memref<10016x32xf32, #tpu.memory_space<vmem_shared>> -> memref<10016x32xf32, #tpu.memory_space<vmem_shared>>
      tpu.wait_indirect_dma semaphore(%arg15 : memref<!tpu.dma_semaphore, #tpu.memory_space<semaphore_mem>>) src(%dma_wait3A_178 : memref<10016x32xf32, #tpu.memory_space<vmem_shared>>) dst(%arg13 : memref<256x32xf32, #tpu.memory_space<vmem>>)
      %add3A_179 = arith.constant 0 : i32
      %add3A_180 = arith.addi %add3A_171, %add3A_179 : i32
      %dma_start3A_181 = arith.constant 0 : i32
      %dma_start3A_182 = tpu.memref_slice %arg12[%add3A_180, %dma_start3A_181] : memref<80x256xi32, #tpu.memory_space<vmem>> -> memref<1x256xi32, #tpu.memory_space<vmem>>
      %dma_start3A_183 = tpu.memref_squeeze %dma_start3A_182 : memref<1x256xi32, #tpu.memory_space<vmem>> -> memref<256xi32, #tpu.memory_space<vmem>>
      %dma_start3A_184 = arith.constant 0 : i32
      %dma_start3A_185 = arith.constant 0 : i32
      %dma_start3A_186 = tpu.memref_slice %arg19[%dma_start3A_184, %dma_start3A_185] : memref<10016x32xf32, #tpu.memory_space<vmem_shared>> -> memref<10016x32xf32, #tpu.memory_space<vmem_shared>>
      tpu.enqueue_indirect_dma source(%arg13 : memref<256x32xf32, #tpu.memory_space<vmem>>) target(%dma_start3A_186 : memref<10016x32xf32, #tpu.memory_space<vmem_shared>>) offsets(%dma_start3A_183 : memref<256xi32, #tpu.memory_space<vmem>>) semaphore(%arg17 : memref<!tpu.dma_semaphore, #tpu.memory_space<semaphore_mem>>) {add = true}
      %convert_element_type3A_187 = arith.extui %eq3A_11 : i1 to i32
      %cond3A_188 = arith.constant 0 : i32
      %cond3A_189 = arith.cmpi ne, %convert_element_type3A_187, %cond3A_188 : i32
      scf.if %cond3A_189 {
        %dma_start3A_250 = arith.constant 0 : i32
        %dma_start3A_251 = tpu.memref_slice %arg12[%add3A_180, %dma_start3A_250] : memref<80x256xi32, #tpu.memory_space<vmem>> -> memref<1x256xi32, #tpu.memory_space<vmem>>
        %dma_start3A_252 = tpu.memref_squeeze %dma_start3A_251 : memref<1x256xi32, #tpu.memory_space<vmem>> -> memref<256xi32, #tpu.memory_space<vmem>>
        %dma_start3A_253 = arith.constant 0 : i32
        %dma_start3A_254 = arith.constant 0 : i32
        %dma_start3A_255 = tpu.memref_slice %arg22[%dma_start3A_253, %dma_start3A_254] : memref<10016x16xf32, #tpu.memory_space<vmem_shared>> -> memref<10016x16xf32, #tpu.memory_space<vmem_shared>>
        tpu.enqueue_indirect_dma source(%arg21 : memref<256x16xf32, #tpu.memory_space<vmem>>) target(%dma_start3A_255 : memref<10016x16xf32, #tpu.memory_space<vmem_shared>>) offsets(%dma_start3A_252 : memref<256xi32, #tpu.memory_space<vmem>>) semaphore(%arg23 : memref<!tpu.dma_semaphore, #tpu.memory_space<semaphore_mem>>) {add = true}
      } else {
      }
      %dma_wait3A_190 = arith.constant 0 : i32
      %dma_wait3A_191 = arith.constant 0 : i32
      %dma_wait3A_192 = tpu.memref_slice %arg11[%dma_wait3A_190, %dma_wait3A_191] : memref<80x256xi32, #tpu.memory_space<vmem>> -> memref<1x256xi32, #tpu.memory_space<vmem>>
      %dma_wait3A_193 = tpu.memref_squeeze %dma_wait3A_192 : memref<1x256xi32, #tpu.memory_space<vmem>> -> memref<256xi32, #tpu.memory_space<vmem>>
      %dma_wait3A_194 = arith.constant 0 : i32
      %dma_wait3A_195 = arith.constant 0 : i32
      %dma_wait3A_196 = tpu.memref_slice %arg20[%dma_wait3A_194, %dma_wait3A_195] : memref<10016x32xf32, #tpu.memory_space<vmem_shared>> -> memref<10016x32xf32, #tpu.memory_space<vmem_shared>>
      tpu.wait_indirect_dma semaphore(%arg16 : memref<!tpu.dma_semaphore, #tpu.memory_space<semaphore_mem>>) src(%dma_wait3A_196 : memref<10016x32xf32, #tpu.memory_space<vmem_shared>>) dst(%arg14 : memref<256x32xf32, #tpu.memory_space<vmem>>)
      %add3A_197 = arith.constant 1 : i32
      %add3A_198 = arith.addi %add3A_171, %add3A_197 : i32
      %dma_start3A_199 = arith.constant 0 : i32
      %dma_start3A_200 = tpu.memref_slice %arg12[%add3A_198, %dma_start3A_199] : memref<80x256xi32, #tpu.memory_space<vmem>> -> memref<1x256xi32, #tpu.memory_space<vmem>>
      %dma_start3A_201 = tpu.memref_squeeze %dma_start3A_200 : memref<1x256xi32, #tpu.memory_space<vmem>> -> memref<256xi32, #tpu.memory_space<vmem>>
      %dma_start3A_202 = arith.constant 0 : i32
      %dma_start3A_203 = arith.constant 0 : i32
      %dma_start3A_204 = tpu.memref_slice %arg19[%dma_start3A_202, %dma_start3A_203] : memref<10016x32xf32, #tpu.memory_space<vmem_shared>> -> memref<10016x32xf32, #tpu.memory_space<vmem_shared>>
      tpu.enqueue_indirect_dma source(%arg14 : memref<256x32xf32, #tpu.memory_space<vmem>>) target(%dma_start3A_204 : memref<10016x32xf32, #tpu.memory_space<vmem_shared>>) offsets(%dma_start3A_201 : memref<256xi32, #tpu.memory_space<vmem>>) semaphore(%arg18 : memref<!tpu.dma_semaphore, #tpu.memory_space<semaphore_mem>>) {add = true}
      %convert_element_type3A_205 = arith.extui %eq3A_11 : i1 to i32
      %cond3A_206 = arith.constant 0 : i32
      %cond3A_207 = arith.cmpi ne, %convert_element_type3A_205, %cond3A_206 : i32
      scf.if %cond3A_207 {
        %dma_start3A_250 = arith.constant 0 : i32
        %dma_start3A_251 = tpu.memref_slice %arg12[%add3A_198, %dma_start3A_250] : memref<80x256xi32, #tpu.memory_space<vmem>> -> memref<1x256xi32, #tpu.memory_space<vmem>>
        %dma_start3A_252 = tpu.memref_squeeze %dma_start3A_251 : memref<1x256xi32, #tpu.memory_space<vmem>> -> memref<256xi32, #tpu.memory_space<vmem>>
        %dma_start3A_253 = arith.constant 0 : i32
        %dma_start3A_254 = arith.constant 0 : i32
        %dma_start3A_255 = tpu.memref_slice %arg22[%dma_start3A_253, %dma_start3A_254] : memref<10016x16xf32, #tpu.memory_space<vmem_shared>> -> memref<10016x16xf32, #tpu.memory_space<vmem_shared>>
        tpu.enqueue_indirect_dma source(%arg21 : memref<256x16xf32, #tpu.memory_space<vmem>>) target(%dma_start3A_255 : memref<10016x16xf32, #tpu.memory_space<vmem_shared>>) offsets(%dma_start3A_252 : memref<256xi32, #tpu.memory_space<vmem>>) semaphore(%arg24 : memref<!tpu.dma_semaphore, #tpu.memory_space<semaphore_mem>>) {add = true}
      } else {
      }
      %dma_wait3A_208 = arith.constant 0 : i32
      %dma_wait3A_209 = arith.constant 0 : i32
      %dma_wait3A_210 = tpu.memref_slice %arg12[%dma_wait3A_208, %dma_wait3A_209] : memref<80x256xi32, #tpu.memory_space<vmem>> -> memref<1x256xi32, #tpu.memory_space<vmem>>
      %dma_wait3A_211 = tpu.memref_squeeze %dma_wait3A_210 : memref<1x256xi32, #tpu.memory_space<vmem>> -> memref<256xi32, #tpu.memory_space<vmem>>
      %dma_wait3A_212 = arith.constant 0 : i32
      %dma_wait3A_213 = arith.constant 0 : i32
      %dma_wait3A_214 = tpu.memref_slice %arg19[%dma_wait3A_212, %dma_wait3A_213] : memref<10016x32xf32, #tpu.memory_space<vmem_shared>> -> memref<10016x32xf32, #tpu.memory_space<vmem_shared>>
      tpu.wait_indirect_dma semaphore(%arg17 : memref<!tpu.dma_semaphore, #tpu.memory_space<semaphore_mem>>) src(%arg13 : memref<256x32xf32, #tpu.memory_space<vmem>>) dst(%dma_wait3A_214 : memref<10016x32xf32, #tpu.memory_space<vmem_shared>>)
      %convert_element_type3A_215 = arith.extui %eq3A_11 : i1 to i32
      %cond3A_216 = arith.constant 0 : i32
      %cond3A_217 = arith.constant 0 : i32
      %cond3A_218 = arith.cmpi ne, %convert_element_type3A_215, %cond3A_217 : i32
      scf.if %cond3A_218 {
        %dma_wait3A_250 = arith.constant 0 : i32
        %dma_wait3A_251 = tpu.memref_slice %arg12[%cond3A_216, %dma_wait3A_250] : memref<80x256xi32, #tpu.memory_space<vmem>> -> memref<1x256xi32, #tpu.memory_space<vmem>>
        %dma_wait3A_252 = tpu.memref_squeeze %dma_wait3A_251 : memref<1x256xi32, #tpu.memory_space<vmem>> -> memref<256xi32, #tpu.memory_space<vmem>>
        %dma_wait3A_253 = arith.constant 0 : i32
        %dma_wait3A_254 = arith.constant 0 : i32
        %dma_wait3A_255 = tpu.memref_slice %arg22[%dma_wait3A_253, %dma_wait3A_254] : memref<10016x16xf32, #tpu.memory_space<vmem_shared>> -> memref<10016x16xf32, #tpu.memory_space<vmem_shared>>
        tpu.wait_indirect_dma semaphore(%arg23 : memref<!tpu.dma_semaphore, #tpu.memory_space<semaphore_mem>>) src(%arg21 : memref<256x16xf32, #tpu.memory_space<vmem>>) dst(%dma_wait3A_255 : memref<10016x16xf32, #tpu.memory_space<vmem_shared>>)
      } else {
      }
      %add3A_219 = arith.constant 2 : i32
      %add3A_220 = arith.addi %add3A_171, %add3A_219 : i32
      %add3A_221 = arith.constant 0 : i32
      %add3A_222 = arith.addi %add3A_220, %add3A_221 : i32
      %dma_start3A_223 = arith.constant 0 : i32
      %dma_start3A_224 = tpu.memref_slice %arg11[%add3A_222, %dma_start3A_223] : memref<80x256xi32, #tpu.memory_space<vmem>> -> memref<1x256xi32, #tpu.memory_space<vmem>>
      %dma_start3A_225 = tpu.memref_squeeze %dma_start3A_224 : memref<1x256xi32, #tpu.memory_space<vmem>> -> memref<256xi32, #tpu.memory_space<vmem>>
      %dma_start3A_226 = arith.constant 0 : i32
      %dma_start3A_227 = arith.constant 0 : i32
      %dma_start3A_228 = tpu.memref_slice %arg20[%dma_start3A_226, %dma_start3A_227] : memref<10016x32xf32, #tpu.memory_space<vmem_shared>> -> memref<10016x32xf32, #tpu.memory_space<vmem_shared>>
      tpu.enqueue_indirect_dma source(%dma_start3A_228 : memref<10016x32xf32, #tpu.memory_space<vmem_shared>>) target(%arg13 : memref<256x32xf32, #tpu.memory_space<vmem>>) offsets(%dma_start3A_225 : memref<256xi32, #tpu.memory_space<vmem>>) semaphore(%arg15 : memref<!tpu.dma_semaphore, #tpu.memory_space<semaphore_mem>>)
      %dma_wait3A_229 = arith.constant 0 : i32
      %dma_wait3A_230 = arith.constant 0 : i32
      %dma_wait3A_231 = tpu.memref_slice %arg12[%dma_wait3A_229, %dma_wait3A_230] : memref<80x256xi32, #tpu.memory_space<vmem>> -> memref<1x256xi32, #tpu.memory_space<vmem>>
      %dma_wait3A_232 = tpu.memref_squeeze %dma_wait3A_231 : memref<1x256xi32, #tpu.memory_space<vmem>> -> memref<256xi32, #tpu.memory_space<vmem>>
      %dma_wait3A_233 = arith.constant 0 : i32
      %dma_wait3A_234 = arith.constant 0 : i32
      %dma_wait3A_235 = tpu.memref_slice %arg19[%dma_wait3A_233, %dma_wait3A_234] : memref<10016x32xf32, #tpu.memory_space<vmem_shared>> -> memref<10016x32xf32, #tpu.memory_space<vmem_shared>>
      tpu.wait_indirect_dma semaphore(%arg18 : memref<!tpu.dma_semaphore, #tpu.memory_space<semaphore_mem>>) src(%arg14 : memref<256x32xf32, #tpu.memory_space<vmem>>) dst(%dma_wait3A_235 : memref<10016x32xf32, #tpu.memory_space<vmem_shared>>)
      %convert_element_type3A_236 = arith.extui %eq3A_11 : i1 to i32
      %cond3A_237 = arith.constant 0 : i32
      %cond3A_238 = arith.constant 0 : i32
      %cond3A_239 = arith.cmpi ne, %convert_element_type3A_236, %cond3A_238 : i32
      scf.if %cond3A_239 {
        %dma_wait3A_250 = arith.constant 0 : i32
        %dma_wait3A_251 = tpu.memref_slice %arg12[%cond3A_237, %dma_wait3A_250] : memref<80x256xi32, #tpu.memory_space<vmem>> -> memref<1x256xi32, #tpu.memory_space<vmem>>
        %dma_wait3A_252 = tpu.memref_squeeze %dma_wait3A_251 : memref<1x256xi32, #tpu.memory_space<vmem>> -> memref<256xi32, #tpu.memory_space<vmem>>
        %dma_wait3A_253 = arith.constant 0 : i32
        %dma_wait3A_254 = arith.constant 0 : i32
        %dma_wait3A_255 = tpu.memref_slice %arg22[%dma_wait3A_253, %dma_wait3A_254] : memref<10016x16xf32, #tpu.memory_space<vmem_shared>> -> memref<10016x16xf32, #tpu.memory_space<vmem_shared>>
        tpu.wait_indirect_dma semaphore(%arg24 : memref<!tpu.dma_semaphore, #tpu.memory_space<semaphore_mem>>) src(%arg21 : memref<256x16xf32, #tpu.memory_space<vmem>>) dst(%dma_wait3A_255 : memref<10016x16xf32, #tpu.memory_space<vmem_shared>>)
      } else {
      }
      %add3A_240 = arith.constant 2 : i32
      %add3A_241 = arith.addi %add3A_171, %add3A_240 : i32
      %add3A_242 = arith.constant 1 : i32
      %add3A_243 = arith.addi %add3A_241, %add3A_242 : i32
      %dma_start3A_244 = arith.constant 0 : i32
      %dma_start3A_245 = tpu.memref_slice %arg11[%add3A_243, %dma_start3A_244] : memref<80x256xi32, #tpu.memory_space<vmem>> -> memref<1x256xi32, #tpu.memory_space<vmem>>
      %dma_start3A_246 = tpu.memref_squeeze %dma_start3A_245 : memref<1x256xi32, #tpu.memory_space<vmem>> -> memref<256xi32, #tpu.memory_space<vmem>>
      %dma_start3A_247 = arith.constant 0 : i32
      %dma_start3A_248 = arith.constant 0 : i32
      %dma_start3A_249 = tpu.memref_slice %arg20[%dma_start3A_247, %dma_start3A_248] : memref<10016x32xf32, #tpu.memory_space<vmem_shared>> -> memref<10016x32xf32, #tpu.memory_space<vmem_shared>>
      tpu.enqueue_indirect_dma source(%dma_start3A_249 : memref<10016x32xf32, #tpu.memory_space<vmem_shared>>) target(%arg14 : memref<256x32xf32, #tpu.memory_space<vmem>>) offsets(%dma_start3A_246 : memref<256xi32, #tpu.memory_space<vmem>>) semaphore(%arg16 : memref<!tpu.dma_semaphore, #tpu.memory_space<semaphore_mem>>)
    }
    %scan3A_29 = arith.constant 19 : i32
    %dma_wait3A = arith.constant 0 : i32
    %dma_wait3A_30 = arith.constant 0 : i32
    %dma_wait3A_31 = tpu.memref_slice %arg11[%dma_wait3A, %dma_wait3A_30] : memref<80x256xi32, #tpu.memory_space<vmem>> -> memref<1x256xi32, #tpu.memory_space<vmem>>
    %dma_wait3A_32 = tpu.memref_squeeze %dma_wait3A_31 : memref<1x256xi32, #tpu.memory_space<vmem>> -> memref<256xi32, #tpu.memory_space<vmem>>
    %dma_wait3A_33 = arith.constant 0 : i32
    %dma_wait3A_34 = arith.constant 0 : i32
    %dma_wait3A_35 = tpu.memref_slice %arg20[%dma_wait3A_33, %dma_wait3A_34] : memref<10016x32xf32, #tpu.memory_space<vmem_shared>> -> memref<10016x32xf32, #tpu.memory_space<vmem_shared>>
    tpu.wait_indirect_dma semaphore(%arg15 : memref<!tpu.dma_semaphore, #tpu.memory_space<semaphore_mem>>) src(%dma_wait3A_35 : memref<10016x32xf32, #tpu.memory_space<vmem_shared>>) dst(%arg13 : memref<256x32xf32, #tpu.memory_space<vmem>>)
    %dma_start3A_36 = arith.constant 38 : i32
    %dma_start3A_37 = arith.constant 0 : i32
    %dma_start3A_38 = tpu.memref_slice %arg12[%dma_start3A_36, %dma_start3A_37] : memref<80x256xi32, #tpu.memory_space<vmem>> -> memref<1x256xi32, #tpu.memory_space<vmem>>
    %dma_start3A_39 = tpu.memref_squeeze %dma_start3A_38 : memref<1x256xi32, #tpu.memory_space<vmem>> -> memref<256xi32, #tpu.memory_space<vmem>>
    %dma_start3A_40 = arith.constant 0 : i32
    %dma_start3A_41 = arith.constant 0 : i32
    %dma_start3A_42 = tpu.memref_slice %arg19[%dma_start3A_40, %dma_start3A_41] : memref<10016x32xf32, #tpu.memory_space<vmem_shared>> -> memref<10016x32xf32, #tpu.memory_space<vmem_shared>>
    tpu.enqueue_indirect_dma source(%arg13 : memref<256x32xf32, #tpu.memory_space<vmem>>) target(%dma_start3A_42 : memref<10016x32xf32, #tpu.memory_space<vmem_shared>>) offsets(%dma_start3A_39 : memref<256xi32, #tpu.memory_space<vmem>>) semaphore(%arg17 : memref<!tpu.dma_semaphore, #tpu.memory_space<semaphore_mem>>) {add = true}
    %convert_element_type3A_43 = arith.extui %eq3A_11 : i1 to i32
    %cond3A_44 = arith.constant 38 : i32
    %cond3A_45 = arith.constant 0 : i32
    %cond3A_46 = arith.cmpi ne, %convert_element_type3A_43, %cond3A_45 : i32
    scf.if %cond3A_46 {
      %dma_start3A_168 = arith.constant 0 : i32
      %dma_start3A_169 = tpu.memref_slice %arg12[%cond3A_44, %dma_start3A_168] : memref<80x256xi32, #tpu.memory_space<vmem>> -> memref<1x256xi32, #tpu.memory_space<vmem>>
      %dma_start3A_170 = tpu.memref_squeeze %dma_start3A_169 : memref<1x256xi32, #tpu.memory_space<vmem>> -> memref<256xi32, #tpu.memory_space<vmem>>
      %dma_start3A_171 = arith.constant 0 : i32
      %dma_start3A_172 = arith.constant 0 : i32
      %dma_start3A_173 = tpu.memref_slice %arg22[%dma_start3A_171, %dma_start3A_172] : memref<10016x16xf32, #tpu.memory_space<vmem_shared>> -> memref<10016x16xf32, #tpu.memory_space<vmem_shared>>
      tpu.enqueue_indirect_dma source(%arg21 : memref<256x16xf32, #tpu.memory_space<vmem>>) target(%dma_start3A_173 : memref<10016x16xf32, #tpu.memory_space<vmem_shared>>) offsets(%dma_start3A_170 : memref<256xi32, #tpu.memory_space<vmem>>) semaphore(%arg23 : memref<!tpu.dma_semaphore, #tpu.memory_space<semaphore_mem>>) {add = true}
    } else {
    }
    %dma_wait3A_47 = arith.constant 0 : i32
    %dma_wait3A_48 = arith.constant 0 : i32
    %dma_wait3A_49 = tpu.memref_slice %arg11[%dma_wait3A_47, %dma_wait3A_48] : memref<80x256xi32, #tpu.memory_space<vmem>> -> memref<1x256xi32, #tpu.memory_space<vmem>>
    %dma_wait3A_50 = tpu.memref_squeeze %dma_wait3A_49 : memref<1x256xi32, #tpu.memory_space<vmem>> -> memref<256xi32, #tpu.memory_space<vmem>>
    %dma_wait3A_51 = arith.constant 0 : i32
    %dma_wait3A_52 = arith.constant 0 : i32
    %dma_wait3A_53 = tpu.memref_slice %arg20[%dma_wait3A_51, %dma_wait3A_52] : memref<10016x32xf32, #tpu.memory_space<vmem_shared>> -> memref<10016x32xf32, #tpu.memory_space<vmem_shared>>
    tpu.wait_indirect_dma semaphore(%arg16 : memref<!tpu.dma_semaphore, #tpu.memory_space<semaphore_mem>>) src(%dma_wait3A_53 : memref<10016x32xf32, #tpu.memory_space<vmem_shared>>) dst(%arg14 : memref<256x32xf32, #tpu.memory_space<vmem>>)
    %dma_start3A_54 = arith.constant 39 : i32
    %dma_start3A_55 = arith.constant 0 : i32
    %dma_start3A_56 = tpu.memref_slice %arg12[%dma_start3A_54, %dma_start3A_55] : memref<80x256xi32, #tpu.memory_space<vmem>> -> memref<1x256xi32, #tpu.memory_space<vmem>>
    %dma_start3A_57 = tpu.memref_squeeze %dma_start3A_56 : memref<1x256xi32, #tpu.memory_space<vmem>> -> memref<256xi32, #tpu.memory_space<vmem>>
    %dma_start3A_58 = arith.constant 0 : i32
    %dma_start3A_59 = arith.constant 0 : i32
    %dma_start3A_60 = tpu.memref_slice %arg19[%dma_start3A_58, %dma_start3A_59] : memref<10016x32xf32, #tpu.memory_space<vmem_shared>> -> memref<10016x32xf32, #tpu.memory_space<vmem_shared>>
    tpu.enqueue_indirect_dma source(%arg14 : memref<256x32xf32, #tpu.memory_space<vmem>>) target(%dma_start3A_60 : memref<10016x32xf32, #tpu.memory_space<vmem_shared>>) offsets(%dma_start3A_57 : memref<256xi32, #tpu.memory_space<vmem>>) semaphore(%arg18 : memref<!tpu.dma_semaphore, #tpu.memory_space<semaphore_mem>>) {add = true}
    %convert_element_type3A_61 = arith.extui %eq3A_11 : i1 to i32
    %cond3A_62 = arith.constant 39 : i32
    %cond3A_63 = arith.constant 0 : i32
    %cond3A_64 = arith.cmpi ne, %convert_element_type3A_61, %cond3A_63 : i32
    scf.if %cond3A_64 {
      %dma_start3A_168 = arith.constant 0 : i32
      %dma_start3A_169 = tpu.memref_slice %arg12[%cond3A_62, %dma_start3A_168] : memref<80x256xi32, #tpu.memory_space<vmem>> -> memref<1x256xi32, #tpu.memory_space<vmem>>
      %dma_start3A_170 = tpu.memref_squeeze %dma_start3A_169 : memref<1x256xi32, #tpu.memory_space<vmem>> -> memref<256xi32, #tpu.memory_space<vmem>>
      %dma_start3A_171 = arith.constant 0 : i32
      %dma_start3A_172 = arith.constant 0 : i32
      %dma_start3A_173 = tpu.memref_slice %arg22[%dma_start3A_171, %dma_start3A_172] : memref<10016x16xf32, #tpu.memory_space<vmem_shared>> -> memref<10016x16xf32, #tpu.memory_space<vmem_shared>>
      tpu.enqueue_indirect_dma source(%arg21 : memref<256x16xf32, #tpu.memory_space<vmem>>) target(%dma_start3A_173 : memref<10016x16xf32, #tpu.memory_space<vmem_shared>>) offsets(%dma_start3A_170 : memref<256xi32, #tpu.memory_space<vmem>>) semaphore(%arg24 : memref<!tpu.dma_semaphore, #tpu.memory_space<semaphore_mem>>) {add = true}
    } else {
    }
    %dma_wait3A_65 = arith.constant 0 : i32
    %dma_wait3A_66 = arith.constant 0 : i32
    %dma_wait3A_67 = tpu.memref_slice %arg12[%dma_wait3A_65, %dma_wait3A_66] : memref<80x256xi32, #tpu.memory_space<vmem>> -> memref<1x256xi32, #tpu.memory_space<vmem>>
    %dma_wait3A_68 = tpu.memref_squeeze %dma_wait3A_67 : memref<1x256xi32, #tpu.memory_space<vmem>> -> memref<256xi32, #tpu.memory_space<vmem>>
    %dma_wait3A_69 = arith.constant 0 : i32
    %dma_wait3A_70 = arith.constant 0 : i32
    %dma_wait3A_71 = tpu.memref_slice %arg19[%dma_wait3A_69, %dma_wait3A_70] : memref<10016x32xf32, #tpu.memory_space<vmem_shared>> -> memref<10016x32xf32, #tpu.memory_space<vmem_shared>>
    tpu.wait_indirect_dma semaphore(%arg17 : memref<!tpu.dma_semaphore, #tpu.memory_space<semaphore_mem>>) src(%arg13 : memref<256x32xf32, #tpu.memory_space<vmem>>) dst(%dma_wait3A_71 : memref<10016x32xf32, #tpu.memory_space<vmem_shared>>)
    %convert_element_type3A_72 = arith.extui %eq3A_11 : i1 to i32
    %cond3A_73 = arith.constant 0 : i32
    %cond3A_74 = arith.constant 0 : i32
    %cond3A_75 = arith.cmpi ne, %convert_element_type3A_72, %cond3A_74 : i32
    scf.if %cond3A_75 {
      %dma_wait3A_168 = arith.constant 0 : i32
      %dma_wait3A_169 = tpu.memref_slice %arg12[%cond3A_73, %dma_wait3A_168] : memref<80x256xi32, #tpu.memory_space<vmem>> -> memref<1x256xi32, #tpu.memory_space<vmem>>
      %dma_wait3A_170 = tpu.memref_squeeze %dma_wait3A_169 : memref<1x256xi32, #tpu.memory_space<vmem>> -> memref<256xi32, #tpu.memory_space<vmem>>
      %dma_wait3A_171 = arith.constant 0 : i32
      %dma_wait3A_172 = arith.constant 0 : i32
      %dma_wait3A_173 = tpu.memref_slice %arg22[%dma_wait3A_171, %dma_wait3A_172] : memref<10016x16xf32, #tpu.memory_space<vmem_shared>> -> memref<10016x16xf32, #tpu.memory_space<vmem_shared>>
      tpu.wait_indirect_dma semaphore(%arg23 : memref<!tpu.dma_semaphore, #tpu.memory_space<semaphore_mem>>) src(%arg21 : memref<256x16xf32, #tpu.memory_space<vmem>>) dst(%dma_wait3A_173 : memref<10016x16xf32, #tpu.memory_space<vmem_shared>>)
    } else {
    }
    %dma_wait3A_76 = arith.constant 0 : i32
    %dma_wait3A_77 = arith.constant 0 : i32
    %dma_wait3A_78 = tpu.memref_slice %arg12[%dma_wait3A_76, %dma_wait3A_77] : memref<80x256xi32, #tpu.memory_space<vmem>> -> memref<1x256xi32, #tpu.memory_space<vmem>>
    %dma_wait3A_79 = tpu.memref_squeeze %dma_wait3A_78 : memref<1x256xi32, #tpu.memory_space<vmem>> -> memref<256xi32, #tpu.memory_space<vmem>>
    %dma_wait3A_80 = arith.constant 0 : i32
    %dma_wait3A_81 = arith.constant 0 : i32
    %dma_wait3A_82 = tpu.memref_slice %arg19[%dma_wait3A_80, %dma_wait3A_81] : memref<10016x32xf32, #tpu.memory_space<vmem_shared>> -> memref<10016x32xf32, #tpu.memory_space<vmem_shared>>
    tpu.wait_indirect_dma semaphore(%arg18 : memref<!tpu.dma_semaphore, #tpu.memory_space<semaphore_mem>>) src(%arg14 : memref<256x32xf32, #tpu.memory_space<vmem>>) dst(%dma_wait3A_82 : memref<10016x32xf32, #tpu.memory_space<vmem_shared>>)
    %convert_element_type3A_83 = arith.extui %eq3A_11 : i1 to i32
    %cond3A_84 = arith.constant 0 : i32
    %cond3A_85 = arith.constant 0 : i32
    %cond3A_86 = arith.cmpi ne, %convert_element_type3A_83, %cond3A_85 : i32
    scf.if %cond3A_86 {
      %dma_wait3A_168 = arith.constant 0 : i32
      %dma_wait3A_169 = tpu.memref_slice %arg12[%cond3A_84, %dma_wait3A_168] : memref<80x256xi32, #tpu.memory_space<vmem>> -> memref<1x256xi32, #tpu.memory_space<vmem>>
      %dma_wait3A_170 = tpu.memref_squeeze %dma_wait3A_169 : memref<1x256xi32, #tpu.memory_space<vmem>> -> memref<256xi32, #tpu.memory_space<vmem>>
      %dma_wait3A_171 = arith.constant 0 : i32
      %dma_wait3A_172 = arith.constant 0 : i32
      %dma_wait3A_173 = tpu.memref_slice %arg22[%dma_wait3A_171, %dma_wait3A_172] : memref<10016x16xf32, #tpu.memory_space<vmem_shared>> -> memref<10016x16xf32, #tpu.memory_space<vmem_shared>>
      tpu.wait_indirect_dma semaphore(%arg24 : memref<!tpu.dma_semaphore, #tpu.memory_space<semaphore_mem>>) src(%arg21 : memref<256x16xf32, #tpu.memory_space<vmem>>) dst(%dma_wait3A_173 : memref<10016x16xf32, #tpu.memory_space<vmem_shared>>)
    } else {
    }
    %eq3A_87 = arith.constant 1 : i32
    %eq3A_88 = arith.cmpi eq, %arg0, %eq3A_87 : i32
    %dma_start3A_89 = arith.constant 40 : i32
    %dma_start3A_90 = arith.constant 0 : i32
    %dma_start3A_91 = tpu.memref_slice %arg11[%dma_start3A_89, %dma_start3A_90] : memref<80x256xi32, #tpu.memory_space<vmem>> -> memref<1x256xi32, #tpu.memory_space<vmem>>
    %dma_start3A_92 = tpu.memref_squeeze %dma_start3A_91 : memref<1x256xi32, #tpu.memory_space<vmem>> -> memref<256xi32, #tpu.memory_space<vmem>>
    %dma_start3A_93 = arith.constant 0 : i32
    %dma_start3A_94 = arith.constant 0 : i32
    %dma_start3A_95 = tpu.memref_slice %arg20[%dma_start3A_93, %dma_start3A_94] : memref<10016x32xf32, #tpu.memory_space<vmem_shared>> -> memref<10016x32xf32, #tpu.memory_space<vmem_shared>>
    tpu.enqueue_indirect_dma source(%dma_start3A_95 : memref<10016x32xf32, #tpu.memory_space<vmem_shared>>) target(%arg13 : memref<256x32xf32, #tpu.memory_space<vmem>>) offsets(%dma_start3A_92 : memref<256xi32, #tpu.memory_space<vmem>>) semaphore(%arg15 : memref<!tpu.dma_semaphore, #tpu.memory_space<semaphore_mem>>)
    %dma_start3A_96 = arith.constant 41 : i32
    %dma_start3A_97 = arith.constant 0 : i32
    %dma_start3A_98 = tpu.memref_slice %arg11[%dma_start3A_96, %dma_start3A_97] : memref<80x256xi32, #tpu.memory_space<vmem>> -> memref<1x256xi32, #tpu.memory_space<vmem>>
    %dma_start3A_99 = tpu.memref_squeeze %dma_start3A_98 : memref<1x256xi32, #tpu.memory_space<vmem>> -> memref<256xi32, #tpu.memory_space<vmem>>
    %dma_start3A_100 = arith.constant 0 : i32
    %dma_start3A_101 = arith.constant 0 : i32
    %dma_start3A_102 = tpu.memref_slice %arg20[%dma_start3A_100, %dma_start3A_101] : memref<10016x32xf32, #tpu.memory_space<vmem_shared>> -> memref<10016x32xf32, #tpu.memory_space<vmem_shared>>
    tpu.enqueue_indirect_dma source(%dma_start3A_102 : memref<10016x32xf32, #tpu.memory_space<vmem_shared>>) target(%arg14 : memref<256x32xf32, #tpu.memory_space<vmem>>) offsets(%dma_start3A_99 : memref<256xi32, #tpu.memory_space<vmem>>) semaphore(%arg16 : memref<!tpu.dma_semaphore, #tpu.memory_space<semaphore_mem>>)
    %scan3A_103 = arith.constant 0 : i32
    %scan3A_104 = arith.constant 0 : i32
    %scan3A_105 = arith.constant 19 : i32
    %scan3A_106 = arith.addi %scan3A_104, %scan3A_105 : i32
    %scan3A_107 = arith.constant 1 : i32
    scf.for %scan3A_168 = %scan3A_104 to %scan3A_106 step %scan3A_107  : i32 {
      %mul3A_169 = arith.constant 2 : i32
      %mul3A_170 = arith.muli %scan3A_168, %mul3A_169 : i32
      %add3A = arith.constant 40 : i32
      %add3A_171 = arith.addi %add3A, %mul3A_170 : i32
      %dma_wait3A_172 = arith.constant 0 : i32
      %dma_wait3A_173 = arith.constant 0 : i32
      %dma_wait3A_174 = tpu.memref_slice %arg11[%dma_wait3A_172, %dma_wait3A_173] : memref<80x256xi32, #tpu.memory_space<vmem>> -> memref<1x256xi32, #tpu.memory_space<vmem>>
      %dma_wait3A_175 = tpu.memref_squeeze %dma_wait3A_174 : memref<1x256xi32, #tpu.memory_space<vmem>> -> memref<256xi32, #tpu.memory_space<vmem>>
      %dma_wait3A_176 = arith.constant 0 : i32
      %dma_wait3A_177 = arith.constant 0 : i32
      %dma_wait3A_178 = tpu.memref_slice %arg20[%dma_wait3A_176, %dma_wait3A_177] : memref<10016x32xf32, #tpu.memory_space<vmem_shared>> -> memref<10016x32xf32, #tpu.memory_space<vmem_shared>>
      tpu.wait_indirect_dma semaphore(%arg15 : memref<!tpu.dma_semaphore, #tpu.memory_space<semaphore_mem>>) src(%dma_wait3A_178 : memref<10016x32xf32, #tpu.memory_space<vmem_shared>>) dst(%arg13 : memref<256x32xf32, #tpu.memory_space<vmem>>)
      %add3A_179 = arith.constant 0 : i32
      %add3A_180 = arith.addi %add3A_171, %add3A_179 : i32
      %dma_start3A_181 = arith.constant 0 : i32
      %dma_start3A_182 = tpu.memref_slice %arg12[%add3A_180, %dma_start3A_181] : memref<80x256xi32, #tpu.memory_space<vmem>> -> memref<1x256xi32, #tpu.memory_space<vmem>>
      %dma_start3A_183 = tpu.memref_squeeze %dma_start3A_182 : memref<1x256xi32, #tpu.memory_space<vmem>> -> memref<256xi32, #tpu.memory_space<vmem>>
      %dma_start3A_184 = arith.constant 0 : i32
      %dma_start3A_185 = arith.constant 0 : i32
      %dma_start3A_186 = tpu.memref_slice %arg19[%dma_start3A_184, %dma_start3A_185] : memref<10016x32xf32, #tpu.memory_space<vmem_shared>> -> memref<10016x32xf32, #tpu.memory_space<vmem_shared>>
      tpu.enqueue_indirect_dma source(%arg13 : memref<256x32xf32, #tpu.memory_space<vmem>>) target(%dma_start3A_186 : memref<10016x32xf32, #tpu.memory_space<vmem_shared>>) offsets(%dma_start3A_183 : memref<256xi32, #tpu.memory_space<vmem>>) semaphore(%arg17 : memref<!tpu.dma_semaphore, #tpu.memory_space<semaphore_mem>>) {add = true}
      %convert_element_type3A_187 = arith.extui %eq3A_88 : i1 to i32
      %cond3A_188 = arith.constant 0 : i32
      %cond3A_189 = arith.cmpi ne, %convert_element_type3A_187, %cond3A_188 : i32
      scf.if %cond3A_189 {
        %dma_start3A_250 = arith.constant 0 : i32
        %dma_start3A_251 = tpu.memref_slice %arg12[%add3A_180, %dma_start3A_250] : memref<80x256xi32, #tpu.memory_space<vmem>> -> memref<1x256xi32, #tpu.memory_space<vmem>>
        %dma_start3A_252 = tpu.memref_squeeze %dma_start3A_251 : memref<1x256xi32, #tpu.memory_space<vmem>> -> memref<256xi32, #tpu.memory_space<vmem>>
        %dma_start3A_253 = arith.constant 0 : i32
        %dma_start3A_254 = arith.constant 0 : i32
        %dma_start3A_255 = tpu.memref_slice %arg22[%dma_start3A_253, %dma_start3A_254] : memref<10016x16xf32, #tpu.memory_space<vmem_shared>> -> memref<10016x16xf32, #tpu.memory_space<vmem_shared>>
        tpu.enqueue_indirect_dma source(%arg21 : memref<256x16xf32, #tpu.memory_space<vmem>>) target(%dma_start3A_255 : memref<10016x16xf32, #tpu.memory_space<vmem_shared>>) offsets(%dma_start3A_252 : memref<256xi32, #tpu.memory_space<vmem>>) semaphore(%arg23 : memref<!tpu.dma_semaphore, #tpu.memory_space<semaphore_mem>>) {add = true}
      } else {
      }
      %dma_wait3A_190 = arith.constant 0 : i32
      %dma_wait3A_191 = arith.constant 0 : i32
      %dma_wait3A_192 = tpu.memref_slice %arg11[%dma_wait3A_190, %dma_wait3A_191] : memref<80x256xi32, #tpu.memory_space<vmem>> -> memref<1x256xi32, #tpu.memory_space<vmem>>
      %dma_wait3A_193 = tpu.memref_squeeze %dma_wait3A_192 : memref<1x256xi32, #tpu.memory_space<vmem>> -> memref<256xi32, #tpu.memory_space<vmem>>
      %dma_wait3A_194 = arith.constant 0 : i32
      %dma_wait3A_195 = arith.constant 0 : i32
      %dma_wait3A_196 = tpu.memref_slice %arg20[%dma_wait3A_194, %dma_wait3A_195] : memref<10016x32xf32, #tpu.memory_space<vmem_shared>> -> memref<10016x32xf32, #tpu.memory_space<vmem_shared>>
      tpu.wait_indirect_dma semaphore(%arg16 : memref<!tpu.dma_semaphore, #tpu.memory_space<semaphore_mem>>) src(%dma_wait3A_196 : memref<10016x32xf32, #tpu.memory_space<vmem_shared>>) dst(%arg14 : memref<256x32xf32, #tpu.memory_space<vmem>>)
      %add3A_197 = arith.constant 1 : i32
      %add3A_198 = arith.addi %add3A_171, %add3A_197 : i32
      %dma_start3A_199 = arith.constant 0 : i32
      %dma_start3A_200 = tpu.memref_slice %arg12[%add3A_198, %dma_start3A_199] : memref<80x256xi32, #tpu.memory_space<vmem>> -> memref<1x256xi32, #tpu.memory_space<vmem>>
      %dma_start3A_201 = tpu.memref_squeeze %dma_start3A_200 : memref<1x256xi32, #tpu.memory_space<vmem>> -> memref<256xi32, #tpu.memory_space<vmem>>
      %dma_start3A_202 = arith.constant 0 : i32
      %dma_start3A_203 = arith.constant 0 : i32
      %dma_start3A_204 = tpu.memref_slice %arg19[%dma_start3A_202, %dma_start3A_203] : memref<10016x32xf32, #tpu.memory_space<vmem_shared>> -> memref<10016x32xf32, #tpu.memory_space<vmem_shared>>
      tpu.enqueue_indirect_dma source(%arg14 : memref<256x32xf32, #tpu.memory_space<vmem>>) target(%dma_start3A_204 : memref<10016x32xf32, #tpu.memory_space<vmem_shared>>) offsets(%dma_start3A_201 : memref<256xi32, #tpu.memory_space<vmem>>) semaphore(%arg18 : memref<!tpu.dma_semaphore, #tpu.memory_space<semaphore_mem>>) {add = true}
      %convert_element_type3A_205 = arith.extui %eq3A_88 : i1 to i32
      %cond3A_206 = arith.constant 0 : i32
      %cond3A_207 = arith.cmpi ne, %convert_element_type3A_205, %cond3A_206 : i32
      scf.if %cond3A_207 {
        %dma_start3A_250 = arith.constant 0 : i32
        %dma_start3A_251 = tpu.memref_slice %arg12[%add3A_198, %dma_start3A_250] : memref<80x256xi32, #tpu.memory_space<vmem>> -> memref<1x256xi32, #tpu.memory_space<vmem>>
        %dma_start3A_252 = tpu.memref_squeeze %dma_start3A_251 : memref<1x256xi32, #tpu.memory_space<vmem>> -> memref<256xi32, #tpu.memory_space<vmem>>
        %dma_start3A_253 = arith.constant 0 : i32
        %dma_start3A_254 = arith.constant 0 : i32
        %dma_start3A_255 = tpu.memref_slice %arg22[%dma_start3A_253, %dma_start3A_254] : memref<10016x16xf32, #tpu.memory_space<vmem_shared>> -> memref<10016x16xf32, #tpu.memory_space<vmem_shared>>
        tpu.enqueue_indirect_dma source(%arg21 : memref<256x16xf32, #tpu.memory_space<vmem>>) target(%dma_start3A_255 : memref<10016x16xf32, #tpu.memory_space<vmem_shared>>) offsets(%dma_start3A_252 : memref<256xi32, #tpu.memory_space<vmem>>) semaphore(%arg24 : memref<!tpu.dma_semaphore, #tpu.memory_space<semaphore_mem>>) {add = true}
      } else {
      }
      %dma_wait3A_208 = arith.constant 0 : i32
      %dma_wait3A_209 = arith.constant 0 : i32
      %dma_wait3A_210 = tpu.memref_slice %arg12[%dma_wait3A_208, %dma_wait3A_209] : memref<80x256xi32, #tpu.memory_space<vmem>> -> memref<1x256xi32, #tpu.memory_space<vmem>>
      %dma_wait3A_211 = tpu.memref_squeeze %dma_wait3A_210 : memref<1x256xi32, #tpu.memory_space<vmem>> -> memref<256xi32, #tpu.memory_space<vmem>>
      %dma_wait3A_212 = arith.constant 0 : i32
      %dma_wait3A_213 = arith.constant 0 : i32
      %dma_wait3A_214 = tpu.memref_slice %arg19[%dma_wait3A_212, %dma_wait3A_213] : memref<10016x32xf32, #tpu.memory_space<vmem_shared>> -> memref<10016x32xf32, #tpu.memory_space<vmem_shared>>
      tpu.wait_indirect_dma semaphore(%arg17 : memref<!tpu.dma_semaphore, #tpu.memory_space<semaphore_mem>>) src(%arg13 : memref<256x32xf32, #tpu.memory_space<vmem>>) dst(%dma_wait3A_214 : memref<10016x32xf32, #tpu.memory_space<vmem_shared>>)
      %convert_element_type3A_215 = arith.extui %eq3A_88 : i1 to i32
      %cond3A_216 = arith.constant 0 : i32
      %cond3A_217 = arith.constant 0 : i32
      %cond3A_218 = arith.cmpi ne, %convert_element_type3A_215, %cond3A_217 : i32
      scf.if %cond3A_218 {
        %dma_wait3A_250 = arith.constant 0 : i32
        %dma_wait3A_251 = tpu.memref_slice %arg12[%cond3A_216, %dma_wait3A_250] : memref<80x256xi32, #tpu.memory_space<vmem>> -> memref<1x256xi32, #tpu.memory_space<vmem>>
        %dma_wait3A_252 = tpu.memref_squeeze %dma_wait3A_251 : memref<1x256xi32, #tpu.memory_space<vmem>> -> memref<256xi32, #tpu.memory_space<vmem>>
        %dma_wait3A_253 = arith.constant 0 : i32
        %dma_wait3A_254 = arith.constant 0 : i32
        %dma_wait3A_255 = tpu.memref_slice %arg22[%dma_wait3A_253, %dma_wait3A_254] : memref<10016x16xf32, #tpu.memory_space<vmem_shared>> -> memref<10016x16xf32, #tpu.memory_space<vmem_shared>>
        tpu.wait_indirect_dma semaphore(%arg23 : memref<!tpu.dma_semaphore, #tpu.memory_space<semaphore_mem>>) src(%arg21 : memref<256x16xf32, #tpu.memory_space<vmem>>) dst(%dma_wait3A_255 : memref<10016x16xf32, #tpu.memory_space<vmem_shared>>)
      } else {
      }
      %add3A_219 = arith.constant 2 : i32
      %add3A_220 = arith.addi %add3A_171, %add3A_219 : i32
      %add3A_221 = arith.constant 0 : i32
      %add3A_222 = arith.addi %add3A_220, %add3A_221 : i32
      %dma_start3A_223 = arith.constant 0 : i32
      %dma_start3A_224 = tpu.memref_slice %arg11[%add3A_222, %dma_start3A_223] : memref<80x256xi32, #tpu.memory_space<vmem>> -> memref<1x256xi32, #tpu.memory_space<vmem>>
      %dma_start3A_225 = tpu.memref_squeeze %dma_start3A_224 : memref<1x256xi32, #tpu.memory_space<vmem>> -> memref<256xi32, #tpu.memory_space<vmem>>
      %dma_start3A_226 = arith.constant 0 : i32
      %dma_start3A_227 = arith.constant 0 : i32
      %dma_start3A_228 = tpu.memref_slice %arg20[%dma_start3A_226, %dma_start3A_227] : memref<10016x32xf32, #tpu.memory_space<vmem_shared>> -> memref<10016x32xf32, #tpu.memory_space<vmem_shared>>
      tpu.enqueue_indirect_dma source(%dma_start3A_228 : memref<10016x32xf32, #tpu.memory_space<vmem_shared>>) target(%arg13 : memref<256x32xf32, #tpu.memory_space<vmem>>) offsets(%dma_start3A_225 : memref<256xi32, #tpu.memory_space<vmem>>) semaphore(%arg15 : memref<!tpu.dma_semaphore, #tpu.memory_space<semaphore_mem>>)
      %dma_wait3A_229 = arith.constant 0 : i32
      %dma_wait3A_230 = arith.constant 0 : i32
      %dma_wait3A_231 = tpu.memref_slice %arg12[%dma_wait3A_229, %dma_wait3A_230] : memref<80x256xi32, #tpu.memory_space<vmem>> -> memref<1x256xi32, #tpu.memory_space<vmem>>
      %dma_wait3A_232 = tpu.memref_squeeze %dma_wait3A_231 : memref<1x256xi32, #tpu.memory_space<vmem>> -> memref<256xi32, #tpu.memory_space<vmem>>
      %dma_wait3A_233 = arith.constant 0 : i32
      %dma_wait3A_234 = arith.constant 0 : i32
      %dma_wait3A_235 = tpu.memref_slice %arg19[%dma_wait3A_233, %dma_wait3A_234] : memref<10016x32xf32, #tpu.memory_space<vmem_shared>> -> memref<10016x32xf32, #tpu.memory_space<vmem_shared>>
      tpu.wait_indirect_dma semaphore(%arg18 : memref<!tpu.dma_semaphore, #tpu.memory_space<semaphore_mem>>) src(%arg14 : memref<256x32xf32, #tpu.memory_space<vmem>>) dst(%dma_wait3A_235 : memref<10016x32xf32, #tpu.memory_space<vmem_shared>>)
      %convert_element_type3A_236 = arith.extui %eq3A_88 : i1 to i32
      %cond3A_237 = arith.constant 0 : i32
      %cond3A_238 = arith.constant 0 : i32
      %cond3A_239 = arith.cmpi ne, %convert_element_type3A_236, %cond3A_238 : i32
      scf.if %cond3A_239 {
        %dma_wait3A_250 = arith.constant 0 : i32
        %dma_wait3A_251 = tpu.memref_slice %arg12[%cond3A_237, %dma_wait3A_250] : memref<80x256xi32, #tpu.memory_space<vmem>> -> memref<1x256xi32, #tpu.memory_space<vmem>>
        %dma_wait3A_252 = tpu.memref_squeeze %dma_wait3A_251 : memref<1x256xi32, #tpu.memory_space<vmem>> -> memref<256xi32, #tpu.memory_space<vmem>>
        %dma_wait3A_253 = arith.constant 0 : i32
        %dma_wait3A_254 = arith.constant 0 : i32
        %dma_wait3A_255 = tpu.memref_slice %arg22[%dma_wait3A_253, %dma_wait3A_254] : memref<10016x16xf32, #tpu.memory_space<vmem_shared>> -> memref<10016x16xf32, #tpu.memory_space<vmem_shared>>
        tpu.wait_indirect_dma semaphore(%arg24 : memref<!tpu.dma_semaphore, #tpu.memory_space<semaphore_mem>>) src(%arg21 : memref<256x16xf32, #tpu.memory_space<vmem>>) dst(%dma_wait3A_255 : memref<10016x16xf32, #tpu.memory_space<vmem_shared>>)
      } else {
      }
      %add3A_240 = arith.constant 2 : i32
      %add3A_241 = arith.addi %add3A_171, %add3A_240 : i32
      %add3A_242 = arith.constant 1 : i32
      %add3A_243 = arith.addi %add3A_241, %add3A_242 : i32
      %dma_start3A_244 = arith.constant 0 : i32
      %dma_start3A_245 = tpu.memref_slice %arg11[%add3A_243, %dma_start3A_244] : memref<80x256xi32, #tpu.memory_space<vmem>> -> memref<1x256xi32, #tpu.memory_space<vmem>>
      %dma_start3A_246 = tpu.memref_squeeze %dma_start3A_245 : memref<1x256xi32, #tpu.memory_space<vmem>> -> memref<256xi32, #tpu.memory_space<vmem>>
      %dma_start3A_247 = arith.constant 0 : i32
      %dma_start3A_248 = arith.constant 0 : i32
      %dma_start3A_249 = tpu.memref_slice %arg20[%dma_start3A_247, %dma_start3A_248] : memref<10016x32xf32, #tpu.memory_space<vmem_shared>> -> memref<10016x32xf32, #tpu.memory_space<vmem_shared>>
      tpu.enqueue_indirect_dma source(%dma_start3A_249 : memref<10016x32xf32, #tpu.memory_space<vmem_shared>>) target(%arg14 : memref<256x32xf32, #tpu.memory_space<vmem>>) offsets(%dma_start3A_246 : memref<256xi32, #tpu.memory_space<vmem>>) semaphore(%arg16 : memref<!tpu.dma_semaphore, #tpu.memory_space<semaphore_mem>>)
    }
    %scan3A_108 = arith.constant 19 : i32
    %dma_wait3A_109 = arith.constant 0 : i32
    %dma_wait3A_110 = arith.constant 0 : i32
    %dma_wait3A_111 = tpu.memref_slice %arg11[%dma_wait3A_109, %dma_wait3A_110] : memref<80x256xi32, #tpu.memory_space<vmem>> -> memref<1x256xi32, #tpu.memory_space<vmem>>
    %dma_wait3A_112 = tpu.memref_squeeze %dma_wait3A_111 : memref<1x256xi32, #tpu.memory_space<vmem>> -> memref<256xi32, #tpu.memory_space<vmem>>
    %dma_wait3A_113 = arith.constant 0 : i32
    %dma_wait3A_114 = arith.constant 0 : i32
    %dma_wait3A_115 = tpu.memref_slice %arg20[%dma_wait3A_113, %dma_wait3A_114] : memref<10016x32xf32, #tpu.memory_space<vmem_shared>> -> memref<10016x32xf32, #tpu.memory_space<vmem_shared>>
    tpu.wait_indirect_dma semaphore(%arg15 : memref<!tpu.dma_semaphore, #tpu.memory_space<semaphore_mem>>) src(%dma_wait3A_115 : memref<10016x32xf32, #tpu.memory_space<vmem_shared>>) dst(%arg13 : memref<256x32xf32, #tpu.memory_space<vmem>>)
    %dma_start3A_116 = arith.constant 78 : i32
    %dma_start3A_117 = arith.constant 0 : i32
    %dma_start3A_118 = tpu.memref_slice %arg12[%dma_start3A_116, %dma_start3A_117] : memref<80x256xi32, #tpu.memory_space<vmem>> -> memref<1x256xi32, #tpu.memory_space<vmem>>
    %dma_start3A_119 = tpu.memref_squeeze %dma_start3A_118 : memref<1x256xi32, #tpu.memory_space<vmem>> -> memref<256xi32, #tpu.memory_space<vmem>>
    %dma_start3A_120 = arith.constant 0 : i32
    %dma_start3A_121 = arith.constant 0 : i32
    %dma_start3A_122 = tpu.memref_slice %arg19[%dma_start3A_120, %dma_start3A_121] : memref<10016x32xf32, #tpu.memory_space<vmem_shared>> -> memref<10016x32xf32, #tpu.memory_space<vmem_shared>>
    tpu.enqueue_indirect_dma source(%arg13 : memref<256x32xf32, #tpu.memory_space<vmem>>) target(%dma_start3A_122 : memref<10016x32xf32, #tpu.memory_space<vmem_shared>>) offsets(%dma_start3A_119 : memref<256xi32, #tpu.memory_space<vmem>>) semaphore(%arg17 : memref<!tpu.dma_semaphore, #tpu.memory_space<semaphore_mem>>) {add = true}
    %convert_element_type3A_123 = arith.extui %eq3A_88 : i1 to i32
    %cond3A_124 = arith.constant 78 : i32
    %cond3A_125 = arith.constant 0 : i32
    %cond3A_126 = arith.cmpi ne, %convert_element_type3A_123, %cond3A_125 : i32
    scf.if %cond3A_126 {
      %dma_start3A_168 = arith.constant 0 : i32
      %dma_start3A_169 = tpu.memref_slice %arg12[%cond3A_124, %dma_start3A_168] : memref<80x256xi32, #tpu.memory_space<vmem>> -> memref<1x256xi32, #tpu.memory_space<vmem>>
      %dma_start3A_170 = tpu.memref_squeeze %dma_start3A_169 : memref<1x256xi32, #tpu.memory_space<vmem>> -> memref<256xi32, #tpu.memory_space<vmem>>
      %dma_start3A_171 = arith.constant 0 : i32
      %dma_start3A_172 = arith.constant 0 : i32
      %dma_start3A_173 = tpu.memref_slice %arg22[%dma_start3A_171, %dma_start3A_172] : memref<10016x16xf32, #tpu.memory_space<vmem_shared>> -> memref<10016x16xf32, #tpu.memory_space<vmem_shared>>
      tpu.enqueue_indirect_dma source(%arg21 : memref<256x16xf32, #tpu.memory_space<vmem>>) target(%dma_start3A_173 : memref<10016x16xf32, #tpu.memory_space<vmem_shared>>) offsets(%dma_start3A_170 : memref<256xi32, #tpu.memory_space<vmem>>) semaphore(%arg23 : memref<!tpu.dma_semaphore, #tpu.memory_space<semaphore_mem>>) {add = true}
    } else {
    }
    %dma_wait3A_127 = arith.constant 0 : i32
    %dma_wait3A_128 = arith.constant 0 : i32
    %dma_wait3A_129 = tpu.memref_slice %arg11[%dma_wait3A_127, %dma_wait3A_128] : memref<80x256xi32, #tpu.memory_space<vmem>> -> memref<1x256xi32, #tpu.memory_space<vmem>>
    %dma_wait3A_130 = tpu.memref_squeeze %dma_wait3A_129 : memref<1x256xi32, #tpu.memory_space<vmem>> -> memref<256xi32, #tpu.memory_space<vmem>>
    %dma_wait3A_131 = arith.constant 0 : i32
    %dma_wait3A_132 = arith.constant 0 : i32
    %dma_wait3A_133 = tpu.memref_slice %arg20[%dma_wait3A_131, %dma_wait3A_132] : memref<10016x32xf32, #tpu.memory_space<vmem_shared>> -> memref<10016x32xf32, #tpu.memory_space<vmem_shared>>
    tpu.wait_indirect_dma semaphore(%arg16 : memref<!tpu.dma_semaphore, #tpu.memory_space<semaphore_mem>>) src(%dma_wait3A_133 : memref<10016x32xf32, #tpu.memory_space<vmem_shared>>) dst(%arg14 : memref<256x32xf32, #tpu.memory_space<vmem>>)
    %dma_start3A_134 = arith.constant 79 : i32
    %dma_start3A_135 = arith.constant 0 : i32
    %dma_start3A_136 = tpu.memref_slice %arg12[%dma_start3A_134, %dma_start3A_135] : memref<80x256xi32, #tpu.memory_space<vmem>> -> memref<1x256xi32, #tpu.memory_space<vmem>>
    %dma_start3A_137 = tpu.memref_squeeze %dma_start3A_136 : memref<1x256xi32, #tpu.memory_space<vmem>> -> memref<256xi32, #tpu.memory_space<vmem>>
    %dma_start3A_138 = arith.constant 0 : i32
    %dma_start3A_139 = arith.constant 0 : i32
    %dma_start3A_140 = tpu.memref_slice %arg19[%dma_start3A_138, %dma_start3A_139] : memref<10016x32xf32, #tpu.memory_space<vmem_shared>> -> memref<10016x32xf32, #tpu.memory_space<vmem_shared>>
    tpu.enqueue_indirect_dma source(%arg14 : memref<256x32xf32, #tpu.memory_space<vmem>>) target(%dma_start3A_140 : memref<10016x32xf32, #tpu.memory_space<vmem_shared>>) offsets(%dma_start3A_137 : memref<256xi32, #tpu.memory_space<vmem>>) semaphore(%arg18 : memref<!tpu.dma_semaphore, #tpu.memory_space<semaphore_mem>>) {add = true}
    %convert_element_type3A_141 = arith.extui %eq3A_88 : i1 to i32
    %cond3A_142 = arith.constant 79 : i32
    %cond3A_143 = arith.constant 0 : i32
    %cond3A_144 = arith.cmpi ne, %convert_element_type3A_141, %cond3A_143 : i32
    scf.if %cond3A_144 {
      %dma_start3A_168 = arith.constant 0 : i32
      %dma_start3A_169 = tpu.memref_slice %arg12[%cond3A_142, %dma_start3A_168] : memref<80x256xi32, #tpu.memory_space<vmem>> -> memref<1x256xi32, #tpu.memory_space<vmem>>
      %dma_start3A_170 = tpu.memref_squeeze %dma_start3A_169 : memref<1x256xi32, #tpu.memory_space<vmem>> -> memref<256xi32, #tpu.memory_space<vmem>>
      %dma_start3A_171 = arith.constant 0 : i32
      %dma_start3A_172 = arith.constant 0 : i32
      %dma_start3A_173 = tpu.memref_slice %arg22[%dma_start3A_171, %dma_start3A_172] : memref<10016x16xf32, #tpu.memory_space<vmem_shared>> -> memref<10016x16xf32, #tpu.memory_space<vmem_shared>>
      tpu.enqueue_indirect_dma source(%arg21 : memref<256x16xf32, #tpu.memory_space<vmem>>) target(%dma_start3A_173 : memref<10016x16xf32, #tpu.memory_space<vmem_shared>>) offsets(%dma_start3A_170 : memref<256xi32, #tpu.memory_space<vmem>>) semaphore(%arg24 : memref<!tpu.dma_semaphore, #tpu.memory_space<semaphore_mem>>) {add = true}
    } else {
    }
    %dma_wait3A_145 = arith.constant 0 : i32
    %dma_wait3A_146 = arith.constant 0 : i32
    %dma_wait3A_147 = tpu.memref_slice %arg12[%dma_wait3A_145, %dma_wait3A_146] : memref<80x256xi32, #tpu.memory_space<vmem>> -> memref<1x256xi32, #tpu.memory_space<vmem>>
    %dma_wait3A_148 = tpu.memref_squeeze %dma_wait3A_147 : memref<1x256xi32, #tpu.memory_space<vmem>> -> memref<256xi32, #tpu.memory_space<vmem>>
    %dma_wait3A_149 = arith.constant 0 : i32
    %dma_wait3A_150 = arith.constant 0 : i32
    %dma_wait3A_151 = tpu.memref_slice %arg19[%dma_wait3A_149, %dma_wait3A_150] : memref<10016x32xf32, #tpu.memory_space<vmem_shared>> -> memref<10016x32xf32, #tpu.memory_space<vmem_shared>>
    tpu.wait_indirect_dma semaphore(%arg17 : memref<!tpu.dma_semaphore, #tpu.memory_space<semaphore_mem>>) src(%arg13 : memref<256x32xf32, #tpu.memory_space<vmem>>) dst(%dma_wait3A_151 : memref<10016x32xf32, #tpu.memory_space<vmem_shared>>)
    %convert_element_type3A_152 = arith.extui %eq3A_88 : i1 to i32
    %cond3A_153 = arith.constant 0 : i32
    %cond3A_154 = arith.constant 0 : i32
    %cond3A_155 = arith.cmpi ne, %convert_element_type3A_152, %cond3A_154 : i32
    scf.if %cond3A_155 {
      %dma_wait3A_168 = arith.constant 0 : i32
      %dma_wait3A_169 = tpu.memref_slice %arg12[%cond3A_153, %dma_wait3A_168] : memref<80x256xi32, #tpu.memory_space<vmem>> -> memref<1x256xi32, #tpu.memory_space<vmem>>
      %dma_wait3A_170 = tpu.memref_squeeze %dma_wait3A_169 : memref<1x256xi32, #tpu.memory_space<vmem>> -> memref<256xi32, #tpu.memory_space<vmem>>
      %dma_wait3A_171 = arith.constant 0 : i32
      %dma_wait3A_172 = arith.constant 0 : i32
      %dma_wait3A_173 = tpu.memref_slice %arg22[%dma_wait3A_171, %dma_wait3A_172] : memref<10016x16xf32, #tpu.memory_space<vmem_shared>> -> memref<10016x16xf32, #tpu.memory_space<vmem_shared>>
      tpu.wait_indirect_dma semaphore(%arg23 : memref<!tpu.dma_semaphore, #tpu.memory_space<semaphore_mem>>) src(%arg21 : memref<256x16xf32, #tpu.memory_space<vmem>>) dst(%dma_wait3A_173 : memref<10016x16xf32, #tpu.memory_space<vmem_shared>>)
    } else {
    }
    %dma_wait3A_156 = arith.constant 0 : i32
    %dma_wait3A_157 = arith.constant 0 : i32
    %dma_wait3A_158 = tpu.memref_slice %arg12[%dma_wait3A_156, %dma_wait3A_157] : memref<80x256xi32, #tpu.memory_space<vmem>> -> memref<1x256xi32, #tpu.memory_space<vmem>>
    %dma_wait3A_159 = tpu.memref_squeeze %dma_wait3A_158 : memref<1x256xi32, #tpu.memory_space<vmem>> -> memref<256xi32, #tpu.memory_space<vmem>>
    %dma_wait3A_160 = arith.constant 0 : i32
    %dma_wait3A_161 = arith.constant 0 : i32
    %dma_wait3A_162 = tpu.memref_slice %arg19[%dma_wait3A_160, %dma_wait3A_161] : memref<10016x32xf32, #tpu.memory_space<vmem_shared>> -> memref<10016x32xf32, #tpu.memory_space<vmem_shared>>
    tpu.wait_indirect_dma semaphore(%arg18 : memref<!tpu.dma_semaphore, #tpu.memory_space<semaphore_mem>>) src(%arg14 : memref<256x32xf32, #tpu.memory_space<vmem>>) dst(%dma_wait3A_162 : memref<10016x32xf32, #tpu.memory_space<vmem_shared>>)
    %convert_element_type3A_163 = arith.extui %eq3A_88 : i1 to i32
    %cond3A_164 = arith.constant 0 : i32
    %cond3A_165 = arith.constant 0 : i32
    %cond3A_166 = arith.cmpi ne, %convert_element_type3A_163, %cond3A_165 : i32
    scf.if %cond3A_166 {
      %dma_wait3A_168 = arith.constant 0 : i32
      %dma_wait3A_169 = tpu.memref_slice %arg12[%cond3A_164, %dma_wait3A_168] : memref<80x256xi32, #tpu.memory_space<vmem>> -> memref<1x256xi32, #tpu.memory_space<vmem>>
      %dma_wait3A_170 = tpu.memref_squeeze %dma_wait3A_169 : memref<1x256xi32, #tpu.memory_space<vmem>> -> memref<256xi32, #tpu.memory_space<vmem>>
      %dma_wait3A_171 = arith.constant 0 : i32
      %dma_wait3A_172 = arith.constant 0 : i32
      %dma_wait3A_173 = tpu.memref_slice %arg22[%dma_wait3A_171, %dma_wait3A_172] : memref<10016x16xf32, #tpu.memory_space<vmem_shared>> -> memref<10016x16xf32, #tpu.memory_space<vmem_shared>>
      tpu.wait_indirect_dma semaphore(%arg24 : memref<!tpu.dma_semaphore, #tpu.memory_space<semaphore_mem>>) src(%arg21 : memref<256x16xf32, #tpu.memory_space<vmem>>) dst(%dma_wait3A_173 : memref<10016x16xf32, #tpu.memory_space<vmem_shared>>)
    } else {
    }
    %barrier3A_167 = arith.constant 0 : index
    tpu.barrier barrier_id(%barrier3A_167)
    "tpu.region"() ({
      %run_scoped3A = tpu.sem_alloc : memref<!tpu.dma_semaphore, #tpu.memory_space<semaphore_mem>>
      %dma_start3A_168 = arith.constant 0 : i32
      %dma_start3A_169 = tpu.memref_slice %arg9[%arg0, %multiple_of3A, %dma_start3A_168] : memref<2x10016x32xf32, #tpu.memory_space<hbm>> -> memref<1x626x32xf32, #tpu.memory_space<hbm>>
      %dma_start3A_170 = tpu.memref_squeeze %dma_start3A_169 : memref<1x626x32xf32, #tpu.memory_space<hbm>> -> memref<626x32xf32, #tpu.memory_space<hbm>>
      %dma_start3A_171 = arith.constant 0 : i32
      %dma_start3A_172 = tpu.memref_slice %arg19[%multiple_of3A, %dma_start3A_171] : memref<10016x32xf32, #tpu.memory_space<vmem_shared>> -> memref<626x32xf32, #tpu.memory_space<vmem_shared>>
      tpu.enqueue_dma source(%dma_start3A_172 : memref<626x32xf32, #tpu.memory_space<vmem_shared>>) target(%dma_start3A_170 : memref<626x32xf32, #tpu.memory_space<hbm>>) target_semaphore(%run_scoped3A : memref<!tpu.dma_semaphore, #tpu.memory_space<semaphore_mem>>)
      %dma_wait3A_173 = arith.constant 0 : i32
      %dma_wait3A_174 = tpu.memref_slice %arg9[%arg0, %multiple_of3A, %dma_wait3A_173] : memref<2x10016x32xf32, #tpu.memory_space<hbm>> -> memref<1x626x32xf32, #tpu.memory_space<hbm>>
      %dma_wait3A_175 = tpu.memref_squeeze %dma_wait3A_174 : memref<1x626x32xf32, #tpu.memory_space<hbm>> -> memref<626x32xf32, #tpu.memory_space<hbm>>
      %dma_wait3A_176 = arith.constant 0 : i32
      %dma_wait3A_177 = tpu.memref_slice %arg19[%multiple_of3A, %dma_wait3A_176] : memref<10016x32xf32, #tpu.memory_space<vmem_shared>> -> memref<626x32xf32, #tpu.memory_space<vmem_shared>>
      tpu.wait_dma2 semaphore(%run_scoped3A : memref<!tpu.dma_semaphore, #tpu.memory_space<semaphore_mem>>) src(%dma_wait3A_177 : memref<626x32xf32, #tpu.memory_space<vmem_shared>>) dst(%dma_wait3A_175 : memref<626x32xf32, #tpu.memory_space<hbm>>)
      tpu.yield
    }) : () -> ()
    "tpu.region"() ({
      %run_scoped3A = tpu.sem_alloc : memref<!tpu.dma_semaphore, #tpu.memory_space<semaphore_mem>>
      %dma_start3A_168 = arith.constant 0 : i32
      %dma_start3A_169 = tpu.memref_slice %arg10[%arg0, %multiple_of3A, %dma_start3A_168] : memref<2x10016x16xf32, #tpu.memory_space<hbm>> -> memref<1x626x16xf32, #tpu.memory_space<hbm>>
      %dma_start3A_170 = tpu.memref_squeeze %dma_start3A_169 : memref<1x626x16xf32, #tpu.memory_space<hbm>> -> memref<626x16xf32, #tpu.memory_space<hbm>>
      %dma_start3A_171 = arith.constant 0 : i32
      %dma_start3A_172 = tpu.memref_slice %arg22[%multiple_of3A, %dma_start3A_171] : memref<10016x16xf32, #tpu.memory_space<vmem_shared>> -> memref<626x16xf32, #tpu.memory_space<vmem_shared>>
      tpu.enqueue_dma source(%dma_start3A_172 : memref<626x16xf32, #tpu.memory_space<vmem_shared>>) target(%dma_start3A_170 : memref<626x16xf32, #tpu.memory_space<hbm>>) target_semaphore(%run_scoped3A : memref<!tpu.dma_semaphore, #tpu.memory_space<semaphore_mem>>)
      %dma_wait3A_173 = arith.constant 0 : i32
      %dma_wait3A_174 = tpu.memref_slice %arg10[%arg0, %multiple_of3A, %dma_wait3A_173] : memref<2x10016x16xf32, #tpu.memory_space<hbm>> -> memref<1x626x16xf32, #tpu.memory_space<hbm>>
      %dma_wait3A_175 = tpu.memref_squeeze %dma_wait3A_174 : memref<1x626x16xf32, #tpu.memory_space<hbm>> -> memref<626x16xf32, #tpu.memory_space<hbm>>
      %dma_wait3A_176 = arith.constant 0 : i32
      %dma_wait3A_177 = tpu.memref_slice %arg22[%multiple_of3A, %dma_wait3A_176] : memref<10016x16xf32, #tpu.memory_space<vmem_shared>> -> memref<626x16xf32, #tpu.memory_space<vmem_shared>>
      tpu.wait_dma2 semaphore(%run_scoped3A : memref<!tpu.dma_semaphore, #tpu.memory_space<semaphore_mem>>) src(%dma_wait3A_177 : memref<626x16xf32, #tpu.memory_space<vmem_shared>>) dst(%dma_wait3A_175 : memref<626x16xf32, #tpu.memory_space<hbm>>)
      tpu.yield
    }) : () -> ()
    return
  }
}

#map = affine_map<(d0, d1) -> (0, 0, 0)>
#map1 = affine_map<(d0, d1) -> (0, 0)>
module attributes {stable_mosaic.version = 14 : i64} {
  func.func @body(%arg0: i32, %arg1: i32, %arg2: memref<2x10016x32xf32, #tpu.memory_space<hbm>>, %arg3: memref<2x1250x256xi32, #tpu.memory_space<hbm>>, %arg4: memref<30x256xi32, #tpu.memory_space<hbm>>, %arg5: memref<30x256xi32, #tpu.memory_space<hbm>>, %arg6: memref<626x32xf32, #tpu.memory_space<hbm>>, %arg7: memref<626x16xf32, #tpu.memory_space<hbm>>, %arg8: memref<256x16xf32, #tpu.memory_space<hbm>>, %arg9: memref<2x10016x32xf32, #tpu.memory_space<hbm>>, %arg10: memref<80x256xi32, #tpu.memory_space<vmem>>, %arg11: memref<80x256xi32, #tpu.memory_space<vmem>>, %arg12: memref<256x32xf32, #tpu.memory_space<vmem>>, %arg13: memref<256x32xf32, #tpu.memory_space<vmem>>, %arg14: memref<!tpu.dma_semaphore, #tpu.memory_space<semaphore_mem>>, %arg15: memref<!tpu.dma_semaphore, #tpu.memory_space<semaphore_mem>>, %arg16: memref<!tpu.dma_semaphore, #tpu.memory_space<semaphore_mem>>, %arg17: memref<!tpu.dma_semaphore, #tpu.memory_space<semaphore_mem>>, %arg18: memref<10016x32xf32, #tpu.memory_space<vmem_shared>>, %arg19: memref<10016x32xf32, #tpu.memory_space<vmem_shared>>) attributes {dimension_semantics = [#tpu.dimension_semantics<core_parallel>, #tpu.dimension_semantics<subcore_parallel>], iteration_bounds = array<i64: 2, 16>, scalar_prefetch = 0 : i64, scratch_operands = 10 : i64, tpu.core_type = #tpu.core_type<sc_vector_subcore>, window_params = [{transform_indices = #map}, {transform_indices = #map}, {transform_indices = #map1}, {transform_indices = #map1}, {transform_indices = #map1}, {transform_indices = #map1}, {transform_indices = #map1}, {transform_indices = #map}]} {
    %mul3A = arith.constant 626 : i32
    %mul3A_0 = arith.muli %arg1, %mul3A : i32
    %multiple_of3A = tpu.assume_multiple %mul3A_0, 626 : i32
    "tpu.region"() ({
      %run_scoped3A = tpu.sem_alloc : memref<!tpu.dma_semaphore, #tpu.memory_space<semaphore_mem>>
      %dma_start3A_132 = arith.constant 0 : i32
      %dma_start3A_133 = tpu.memref_slice %arg19[%multiple_of3A, %dma_start3A_132] : memref<10016x32xf32, #tpu.memory_space<vmem_shared>> -> memref<626x32xf32, #tpu.memory_space<vmem_shared>>
      %dma_start3A_134 = arith.constant 0 : i32
      %dma_start3A_135 = tpu.memref_slice %arg2[%arg0, %multiple_of3A, %dma_start3A_134] : memref<2x10016x32xf32, #tpu.memory_space<hbm>> -> memref<1x626x32xf32, #tpu.memory_space<hbm>>
      %dma_start3A_136 = tpu.memref_squeeze %dma_start3A_135 : memref<1x626x32xf32, #tpu.memory_space<hbm>> -> memref<626x32xf32, #tpu.memory_space<hbm>>
      tpu.enqueue_dma source(%dma_start3A_136 : memref<626x32xf32, #tpu.memory_space<hbm>>) target(%dma_start3A_133 : memref<626x32xf32, #tpu.memory_space<vmem_shared>>) target_semaphore(%run_scoped3A : memref<!tpu.dma_semaphore, #tpu.memory_space<semaphore_mem>>)
      %dma_wait3A_137 = arith.constant 0 : i32
      %dma_wait3A_138 = tpu.memref_slice %arg19[%multiple_of3A, %dma_wait3A_137] : memref<10016x32xf32, #tpu.memory_space<vmem_shared>> -> memref<626x32xf32, #tpu.memory_space<vmem_shared>>
      %dma_wait3A_139 = arith.constant 0 : i32
      %dma_wait3A_140 = tpu.memref_slice %arg2[%arg0, %multiple_of3A, %dma_wait3A_139] : memref<2x10016x32xf32, #tpu.memory_space<hbm>> -> memref<1x626x32xf32, #tpu.memory_space<hbm>>
      %dma_wait3A_141 = tpu.memref_squeeze %dma_wait3A_140 : memref<1x626x32xf32, #tpu.memory_space<hbm>> -> memref<626x32xf32, #tpu.memory_space<hbm>>
      tpu.wait_dma2 semaphore(%run_scoped3A : memref<!tpu.dma_semaphore, #tpu.memory_space<semaphore_mem>>) src(%dma_wait3A_141 : memref<626x32xf32, #tpu.memory_space<hbm>>) dst(%dma_wait3A_138 : memref<626x32xf32, #tpu.memory_space<vmem_shared>>)
      tpu.yield
    }) : () -> ()
    "tpu.region"() ({
      %run_scoped3A = tpu.sem_alloc : memref<!tpu.dma_semaphore, #tpu.memory_space<semaphore_mem>>
      %dma_start3A_132 = arith.constant 0 : i32
      %dma_start3A_133 = tpu.memref_slice %arg18[%multiple_of3A, %dma_start3A_132] : memref<10016x32xf32, #tpu.memory_space<vmem_shared>> -> memref<626x32xf32, #tpu.memory_space<vmem_shared>>
      tpu.enqueue_dma source(%arg6 : memref<626x32xf32, #tpu.memory_space<hbm>>) target(%dma_start3A_133 : memref<626x32xf32, #tpu.memory_space<vmem_shared>>) target_semaphore(%run_scoped3A : memref<!tpu.dma_semaphore, #tpu.memory_space<semaphore_mem>>)
      %dma_wait3A_134 = arith.constant 0 : i32
      %dma_wait3A_135 = tpu.memref_slice %arg18[%multiple_of3A, %dma_wait3A_134] : memref<10016x32xf32, #tpu.memory_space<vmem_shared>> -> memref<626x32xf32, #tpu.memory_space<vmem_shared>>
      tpu.wait_dma2 semaphore(%run_scoped3A : memref<!tpu.dma_semaphore, #tpu.memory_space<semaphore_mem>>) src(%arg6 : memref<626x32xf32, #tpu.memory_space<hbm>>) dst(%dma_wait3A_135 : memref<626x32xf32, #tpu.memory_space<vmem_shared>>)
      tpu.yield
    }) : () -> ()
    %mul3A_1 = arith.constant 80 : i32
    %mul3A_2 = arith.muli %arg1, %mul3A_1 : i32
    %multiple_of3A_3 = tpu.assume_multiple %mul3A_2, 80 : i32
    %lt3A = arith.constant 15 : i32
    %lt3A_4 = arith.cmpi slt, %arg1, %lt3A : i32
    %convert_element_type3A = arith.extui %lt3A_4 : i1 to i32
    %cond3A = arith.constant 0 : i32
    %cond3A_5 = arith.cmpi ne, %convert_element_type3A, %cond3A : i32
    scf.if %cond3A_5 {
      %run_scoped3A = arith.constant 0 : i32
      "tpu.region"() ({
        %run_scoped3A_133 = tpu.sem_alloc : memref<!tpu.dma_semaphore, #tpu.memory_space<semaphore_mem>>
        %dma_start3A_134 = arith.constant 0 : i32
        %dma_start3A_135 = tpu.memref_slice %arg3[%run_scoped3A, %multiple_of3A_3, %dma_start3A_134] : memref<2x1250x256xi32, #tpu.memory_space<hbm>> -> memref<1x80x256xi32, #tpu.memory_space<hbm>>
        %dma_start3A_136 = tpu.memref_squeeze %dma_start3A_135 : memref<1x80x256xi32, #tpu.memory_space<hbm>> -> memref<80x256xi32, #tpu.memory_space<hbm>>
        %dma_start3A_137 = arith.constant 0 : i32
        %dma_start3A_138 = tpu.memref_slice %arg3[%run_scoped3A, %multiple_of3A_3, %dma_start3A_137] : memref<2x1250x256xi32, #tpu.memory_space<hbm>> -> memref<1x80x256xi32, #tpu.memory_space<hbm>>
        %dma_start3A_139 = tpu.memref_squeeze %dma_start3A_138 : memref<1x80x256xi32, #tpu.memory_space<hbm>> -> memref<80x256xi32, #tpu.memory_space<hbm>>
        tpu.enqueue_dma source(%dma_start3A_139 : memref<80x256xi32, #tpu.memory_space<hbm>>) target(%arg10 : memref<80x256xi32, #tpu.memory_space<vmem>>) target_semaphore(%run_scoped3A_133 : memref<!tpu.dma_semaphore, #tpu.memory_space<semaphore_mem>>)
        %dma_wait3A_140 = arith.constant 0 : i32
        %dma_wait3A_141 = tpu.memref_slice %arg3[%run_scoped3A, %multiple_of3A_3, %dma_wait3A_140] : memref<2x1250x256xi32, #tpu.memory_space<hbm>> -> memref<1x80x256xi32, #tpu.memory_space<hbm>>
        %dma_wait3A_142 = tpu.memref_squeeze %dma_wait3A_141 : memref<1x80x256xi32, #tpu.memory_space<hbm>> -> memref<80x256xi32, #tpu.memory_space<hbm>>
        %dma_wait3A_143 = arith.constant 0 : i32
        %dma_wait3A_144 = tpu.memref_slice %arg3[%run_scoped3A, %multiple_of3A_3, %dma_wait3A_143] : memref<2x1250x256xi32, #tpu.memory_space<hbm>> -> memref<1x80x256xi32, #tpu.memory_space<hbm>>
        %dma_wait3A_145 = tpu.memref_squeeze %dma_wait3A_144 : memref<1x80x256xi32, #tpu.memory_space<hbm>> -> memref<80x256xi32, #tpu.memory_space<hbm>>
        tpu.wait_dma2 semaphore(%run_scoped3A_133 : memref<!tpu.dma_semaphore, #tpu.memory_space<semaphore_mem>>) src(%dma_wait3A_145 : memref<80x256xi32, #tpu.memory_space<hbm>>) dst(%arg10 : memref<80x256xi32, #tpu.memory_space<vmem>>)
        tpu.yield
      }) : () -> ()
      %run_scoped3A_132 = arith.constant 1 : i32
      "tpu.region"() ({
        %run_scoped3A_133 = tpu.sem_alloc : memref<!tpu.dma_semaphore, #tpu.memory_space<semaphore_mem>>
        %dma_start3A_134 = arith.constant 0 : i32
        %dma_start3A_135 = tpu.memref_slice %arg3[%run_scoped3A_132, %multiple_of3A_3, %dma_start3A_134] : memref<2x1250x256xi32, #tpu.memory_space<hbm>> -> memref<1x80x256xi32, #tpu.memory_space<hbm>>
        %dma_start3A_136 = tpu.memref_squeeze %dma_start3A_135 : memref<1x80x256xi32, #tpu.memory_space<hbm>> -> memref<80x256xi32, #tpu.memory_space<hbm>>
        %dma_start3A_137 = arith.constant 0 : i32
        %dma_start3A_138 = tpu.memref_slice %arg3[%run_scoped3A_132, %multiple_of3A_3, %dma_start3A_137] : memref<2x1250x256xi32, #tpu.memory_space<hbm>> -> memref<1x80x256xi32, #tpu.memory_space<hbm>>
        %dma_start3A_139 = tpu.memref_squeeze %dma_start3A_138 : memref<1x80x256xi32, #tpu.memory_space<hbm>> -> memref<80x256xi32, #tpu.memory_space<hbm>>
        tpu.enqueue_dma source(%dma_start3A_139 : memref<80x256xi32, #tpu.memory_space<hbm>>) target(%arg11 : memref<80x256xi32, #tpu.memory_space<vmem>>) target_semaphore(%run_scoped3A_133 : memref<!tpu.dma_semaphore, #tpu.memory_space<semaphore_mem>>)
        %dma_wait3A_140 = arith.constant 0 : i32
        %dma_wait3A_141 = tpu.memref_slice %arg3[%run_scoped3A_132, %multiple_of3A_3, %dma_wait3A_140] : memref<2x1250x256xi32, #tpu.memory_space<hbm>> -> memref<1x80x256xi32, #tpu.memory_space<hbm>>
        %dma_wait3A_142 = tpu.memref_squeeze %dma_wait3A_141 : memref<1x80x256xi32, #tpu.memory_space<hbm>> -> memref<80x256xi32, #tpu.memory_space<hbm>>
        %dma_wait3A_143 = arith.constant 0 : i32
        %dma_wait3A_144 = tpu.memref_slice %arg3[%run_scoped3A_132, %multiple_of3A_3, %dma_wait3A_143] : memref<2x1250x256xi32, #tpu.memory_space<hbm>> -> memref<1x80x256xi32, #tpu.memory_space<hbm>>
        %dma_wait3A_145 = tpu.memref_squeeze %dma_wait3A_144 : memref<1x80x256xi32, #tpu.memory_space<hbm>> -> memref<80x256xi32, #tpu.memory_space<hbm>>
        tpu.wait_dma2 semaphore(%run_scoped3A_133 : memref<!tpu.dma_semaphore, #tpu.memory_space<semaphore_mem>>) src(%dma_wait3A_145 : memref<80x256xi32, #tpu.memory_space<hbm>>) dst(%arg11 : memref<80x256xi32, #tpu.memory_space<vmem>>)
        tpu.yield
      }) : () -> ()
    } else {
    }
    %eq3A = arith.constant 15 : i32
    %eq3A_6 = arith.cmpi eq, %arg1, %eq3A : i32
    %convert_element_type3A_7 = arith.extui %eq3A_6 : i1 to i32
    %cond3A_8 = arith.constant 0 : i32
    %cond3A_9 = arith.cmpi ne, %convert_element_type3A_7, %cond3A_8 : i32
    scf.if %cond3A_9 {
      %multiple_of3A_132 = arith.constant 1200 : i32
      %multiple_of3A_133 = tpu.assume_multiple %multiple_of3A_132, 80 : i32
      %run_scoped3A = arith.constant 0 : i32
      "tpu.region"() ({
        %run_scoped3A_135 = tpu.sem_alloc : memref<!tpu.dma_semaphore, #tpu.memory_space<semaphore_mem>>
        %dma_start3A_136 = arith.constant 0 : i32
        %dma_start3A_137 = arith.constant 0 : i32
        %dma_start3A_138 = tpu.memref_slice %arg10[%dma_start3A_136, %dma_start3A_137] : memref<80x256xi32, #tpu.memory_space<vmem>> -> memref<50x256xi32, #tpu.memory_space<vmem>>
        %dma_start3A_139 = arith.constant 0 : i32
        %dma_start3A_140 = tpu.memref_slice %arg3[%run_scoped3A, %multiple_of3A_133, %dma_start3A_139] : memref<2x1250x256xi32, #tpu.memory_space<hbm>> -> memref<1x50x256xi32, #tpu.memory_space<hbm>>
        %dma_start3A_141 = tpu.memref_squeeze %dma_start3A_140 : memref<1x50x256xi32, #tpu.memory_space<hbm>> -> memref<50x256xi32, #tpu.memory_space<hbm>>
        %dma_start3A_142 = arith.constant 0 : i32
        %dma_start3A_143 = arith.constant 0 : i32
        %dma_start3A_144 = tpu.memref_slice %arg10[%dma_start3A_142, %dma_start3A_143] : memref<80x256xi32, #tpu.memory_space<vmem>> -> memref<50x256xi32, #tpu.memory_space<vmem>>
        %dma_start3A_145 = arith.constant 0 : i32
        %dma_start3A_146 = tpu.memref_slice %arg3[%run_scoped3A, %multiple_of3A_133, %dma_start3A_145] : memref<2x1250x256xi32, #tpu.memory_space<hbm>> -> memref<1x50x256xi32, #tpu.memory_space<hbm>>
        %dma_start3A_147 = tpu.memref_squeeze %dma_start3A_146 : memref<1x50x256xi32, #tpu.memory_space<hbm>> -> memref<50x256xi32, #tpu.memory_space<hbm>>
        tpu.enqueue_dma source(%dma_start3A_147 : memref<50x256xi32, #tpu.memory_space<hbm>>) target(%dma_start3A_144 : memref<50x256xi32, #tpu.memory_space<vmem>>) target_semaphore(%run_scoped3A_135 : memref<!tpu.dma_semaphore, #tpu.memory_space<semaphore_mem>>)
        %dma_wait3A_148 = arith.constant 0 : i32
        %dma_wait3A_149 = arith.constant 0 : i32
        %dma_wait3A_150 = tpu.memref_slice %arg10[%dma_wait3A_148, %dma_wait3A_149] : memref<80x256xi32, #tpu.memory_space<vmem>> -> memref<50x256xi32, #tpu.memory_space<vmem>>
        %dma_wait3A_151 = arith.constant 0 : i32
        %dma_wait3A_152 = tpu.memref_slice %arg3[%run_scoped3A, %multiple_of3A_133, %dma_wait3A_151] : memref<2x1250x256xi32, #tpu.memory_space<hbm>> -> memref<1x50x256xi32, #tpu.memory_space<hbm>>
        %dma_wait3A_153 = tpu.memref_squeeze %dma_wait3A_152 : memref<1x50x256xi32, #tpu.memory_space<hbm>> -> memref<50x256xi32, #tpu.memory_space<hbm>>
        %dma_wait3A_154 = arith.constant 0 : i32
        %dma_wait3A_155 = arith.constant 0 : i32
        %dma_wait3A_156 = tpu.memref_slice %arg10[%dma_wait3A_154, %dma_wait3A_155] : memref<80x256xi32, #tpu.memory_space<vmem>> -> memref<50x256xi32, #tpu.memory_space<vmem>>
        %dma_wait3A_157 = arith.constant 0 : i32
        %dma_wait3A_158 = tpu.memref_slice %arg3[%run_scoped3A, %multiple_of3A_133, %dma_wait3A_157] : memref<2x1250x256xi32, #tpu.memory_space<hbm>> -> memref<1x50x256xi32, #tpu.memory_space<hbm>>
        %dma_wait3A_159 = tpu.memref_squeeze %dma_wait3A_158 : memref<1x50x256xi32, #tpu.memory_space<hbm>> -> memref<50x256xi32, #tpu.memory_space<hbm>>
        tpu.wait_dma2 semaphore(%run_scoped3A_135 : memref<!tpu.dma_semaphore, #tpu.memory_space<semaphore_mem>>) src(%dma_wait3A_159 : memref<50x256xi32, #tpu.memory_space<hbm>>) dst(%dma_wait3A_156 : memref<50x256xi32, #tpu.memory_space<vmem>>)
        tpu.yield
      }) : () -> ()
      %run_scoped3A_134 = arith.constant 1 : i32
      "tpu.region"() ({
        %run_scoped3A_135 = tpu.sem_alloc : memref<!tpu.dma_semaphore, #tpu.memory_space<semaphore_mem>>
        %dma_start3A_136 = arith.constant 0 : i32
        %dma_start3A_137 = arith.constant 0 : i32
        %dma_start3A_138 = tpu.memref_slice %arg11[%dma_start3A_136, %dma_start3A_137] : memref<80x256xi32, #tpu.memory_space<vmem>> -> memref<50x256xi32, #tpu.memory_space<vmem>>
        %dma_start3A_139 = arith.constant 0 : i32
        %dma_start3A_140 = tpu.memref_slice %arg3[%run_scoped3A_134, %multiple_of3A_133, %dma_start3A_139] : memref<2x1250x256xi32, #tpu.memory_space<hbm>> -> memref<1x50x256xi32, #tpu.memory_space<hbm>>
        %dma_start3A_141 = tpu.memref_squeeze %dma_start3A_140 : memref<1x50x256xi32, #tpu.memory_space<hbm>> -> memref<50x256xi32, #tpu.memory_space<hbm>>
        %dma_start3A_142 = arith.constant 0 : i32
        %dma_start3A_143 = arith.constant 0 : i32
        %dma_start3A_144 = tpu.memref_slice %arg11[%dma_start3A_142, %dma_start3A_143] : memref<80x256xi32, #tpu.memory_space<vmem>> -> memref<50x256xi32, #tpu.memory_space<vmem>>
        %dma_start3A_145 = arith.constant 0 : i32
        %dma_start3A_146 = tpu.memref_slice %arg3[%run_scoped3A_134, %multiple_of3A_133, %dma_start3A_145] : memref<2x1250x256xi32, #tpu.memory_space<hbm>> -> memref<1x50x256xi32, #tpu.memory_space<hbm>>
        %dma_start3A_147 = tpu.memref_squeeze %dma_start3A_146 : memref<1x50x256xi32, #tpu.memory_space<hbm>> -> memref<50x256xi32, #tpu.memory_space<hbm>>
        tpu.enqueue_dma source(%dma_start3A_147 : memref<50x256xi32, #tpu.memory_space<hbm>>) target(%dma_start3A_144 : memref<50x256xi32, #tpu.memory_space<vmem>>) target_semaphore(%run_scoped3A_135 : memref<!tpu.dma_semaphore, #tpu.memory_space<semaphore_mem>>)
        %dma_wait3A_148 = arith.constant 0 : i32
        %dma_wait3A_149 = arith.constant 0 : i32
        %dma_wait3A_150 = tpu.memref_slice %arg11[%dma_wait3A_148, %dma_wait3A_149] : memref<80x256xi32, #tpu.memory_space<vmem>> -> memref<50x256xi32, #tpu.memory_space<vmem>>
        %dma_wait3A_151 = arith.constant 0 : i32
        %dma_wait3A_152 = tpu.memref_slice %arg3[%run_scoped3A_134, %multiple_of3A_133, %dma_wait3A_151] : memref<2x1250x256xi32, #tpu.memory_space<hbm>> -> memref<1x50x256xi32, #tpu.memory_space<hbm>>
        %dma_wait3A_153 = tpu.memref_squeeze %dma_wait3A_152 : memref<1x50x256xi32, #tpu.memory_space<hbm>> -> memref<50x256xi32, #tpu.memory_space<hbm>>
        %dma_wait3A_154 = arith.constant 0 : i32
        %dma_wait3A_155 = arith.constant 0 : i32
        %dma_wait3A_156 = tpu.memref_slice %arg11[%dma_wait3A_154, %dma_wait3A_155] : memref<80x256xi32, #tpu.memory_space<vmem>> -> memref<50x256xi32, #tpu.memory_space<vmem>>
        %dma_wait3A_157 = arith.constant 0 : i32
        %dma_wait3A_158 = tpu.memref_slice %arg3[%run_scoped3A_134, %multiple_of3A_133, %dma_wait3A_157] : memref<2x1250x256xi32, #tpu.memory_space<hbm>> -> memref<1x50x256xi32, #tpu.memory_space<hbm>>
        %dma_wait3A_159 = tpu.memref_squeeze %dma_wait3A_158 : memref<1x50x256xi32, #tpu.memory_space<hbm>> -> memref<50x256xi32, #tpu.memory_space<hbm>>
        tpu.wait_dma2 semaphore(%run_scoped3A_135 : memref<!tpu.dma_semaphore, #tpu.memory_space<semaphore_mem>>) src(%dma_wait3A_159 : memref<50x256xi32, #tpu.memory_space<hbm>>) dst(%dma_wait3A_156 : memref<50x256xi32, #tpu.memory_space<vmem>>)
        tpu.yield
      }) : () -> ()
      "tpu.region"() ({
        %run_scoped3A_135 = tpu.sem_alloc : memref<!tpu.dma_semaphore, #tpu.memory_space<semaphore_mem>>
        %dma_start3A_136 = arith.constant 50 : i32
        %dma_start3A_137 = arith.constant 0 : i32
        %dma_start3A_138 = tpu.memref_slice %arg10[%dma_start3A_136, %dma_start3A_137] : memref<80x256xi32, #tpu.memory_space<vmem>> -> memref<30x256xi32, #tpu.memory_space<vmem>>
        %dma_start3A_139 = arith.constant 50 : i32
        %dma_start3A_140 = arith.constant 0 : i32
        %dma_start3A_141 = tpu.memref_slice %arg10[%dma_start3A_139, %dma_start3A_140] : memref<80x256xi32, #tpu.memory_space<vmem>> -> memref<30x256xi32, #tpu.memory_space<vmem>>
        tpu.enqueue_dma source(%arg4 : memref<30x256xi32, #tpu.memory_space<hbm>>) target(%dma_start3A_141 : memref<30x256xi32, #tpu.memory_space<vmem>>) target_semaphore(%run_scoped3A_135 : memref<!tpu.dma_semaphore, #tpu.memory_space<semaphore_mem>>)
        %dma_wait3A_142 = arith.constant 50 : i32
        %dma_wait3A_143 = arith.constant 0 : i32
        %dma_wait3A_144 = tpu.memref_slice %arg10[%dma_wait3A_142, %dma_wait3A_143] : memref<80x256xi32, #tpu.memory_space<vmem>> -> memref<30x256xi32, #tpu.memory_space<vmem>>
        %dma_wait3A_145 = arith.constant 50 : i32
        %dma_wait3A_146 = arith.constant 0 : i32
        %dma_wait3A_147 = tpu.memref_slice %arg10[%dma_wait3A_145, %dma_wait3A_146] : memref<80x256xi32, #tpu.memory_space<vmem>> -> memref<30x256xi32, #tpu.memory_space<vmem>>
        tpu.wait_dma2 semaphore(%run_scoped3A_135 : memref<!tpu.dma_semaphore, #tpu.memory_space<semaphore_mem>>) src(%arg4 : memref<30x256xi32, #tpu.memory_space<hbm>>) dst(%dma_wait3A_147 : memref<30x256xi32, #tpu.memory_space<vmem>>)
        tpu.yield
      }) : () -> ()
      "tpu.region"() ({
        %run_scoped3A_135 = tpu.sem_alloc : memref<!tpu.dma_semaphore, #tpu.memory_space<semaphore_mem>>
        %dma_start3A_136 = arith.constant 50 : i32
        %dma_start3A_137 = arith.constant 0 : i32
        %dma_start3A_138 = tpu.memref_slice %arg11[%dma_start3A_136, %dma_start3A_137] : memref<80x256xi32, #tpu.memory_space<vmem>> -> memref<30x256xi32, #tpu.memory_space<vmem>>
        %dma_start3A_139 = arith.constant 50 : i32
        %dma_start3A_140 = arith.constant 0 : i32
        %dma_start3A_141 = tpu.memref_slice %arg11[%dma_start3A_139, %dma_start3A_140] : memref<80x256xi32, #tpu.memory_space<vmem>> -> memref<30x256xi32, #tpu.memory_space<vmem>>
        tpu.enqueue_dma source(%arg5 : memref<30x256xi32, #tpu.memory_space<hbm>>) target(%dma_start3A_141 : memref<30x256xi32, #tpu.memory_space<vmem>>) target_semaphore(%run_scoped3A_135 : memref<!tpu.dma_semaphore, #tpu.memory_space<semaphore_mem>>)
        %dma_wait3A_142 = arith.constant 50 : i32
        %dma_wait3A_143 = arith.constant 0 : i32
        %dma_wait3A_144 = tpu.memref_slice %arg11[%dma_wait3A_142, %dma_wait3A_143] : memref<80x256xi32, #tpu.memory_space<vmem>> -> memref<30x256xi32, #tpu.memory_space<vmem>>
        %dma_wait3A_145 = arith.constant 50 : i32
        %dma_wait3A_146 = arith.constant 0 : i32
        %dma_wait3A_147 = tpu.memref_slice %arg11[%dma_wait3A_145, %dma_wait3A_146] : memref<80x256xi32, #tpu.memory_space<vmem>> -> memref<30x256xi32, #tpu.memory_space<vmem>>
        tpu.wait_dma2 semaphore(%run_scoped3A_135 : memref<!tpu.dma_semaphore, #tpu.memory_space<semaphore_mem>>) src(%arg5 : memref<30x256xi32, #tpu.memory_space<hbm>>) dst(%dma_wait3A_147 : memref<30x256xi32, #tpu.memory_space<vmem>>)
        tpu.yield
      }) : () -> ()
    } else {
    }
    %barrier3A = arith.constant 0 : index
    tpu.barrier barrier_id(%barrier3A)
    %dma_start3A = arith.constant 0 : i32
    %dma_start3A_10 = arith.constant 0 : i32
    %dma_start3A_11 = tpu.memref_slice %arg10[%dma_start3A, %dma_start3A_10] : memref<80x256xi32, #tpu.memory_space<vmem>> -> memref<1x256xi32, #tpu.memory_space<vmem>>
    %dma_start3A_12 = tpu.memref_squeeze %dma_start3A_11 : memref<1x256xi32, #tpu.memory_space<vmem>> -> memref<256xi32, #tpu.memory_space<vmem>>
    %dma_start3A_13 = arith.constant 0 : i32
    %dma_start3A_14 = arith.constant 0 : i32
    %dma_start3A_15 = tpu.memref_slice %arg19[%dma_start3A_13, %dma_start3A_14] : memref<10016x32xf32, #tpu.memory_space<vmem_shared>> -> memref<10016x32xf32, #tpu.memory_space<vmem_shared>>
    tpu.enqueue_indirect_dma source(%dma_start3A_15 : memref<10016x32xf32, #tpu.memory_space<vmem_shared>>) target(%arg12 : memref<256x32xf32, #tpu.memory_space<vmem>>) offsets(%dma_start3A_12 : memref<256xi32, #tpu.memory_space<vmem>>) semaphore(%arg14 : memref<!tpu.dma_semaphore, #tpu.memory_space<semaphore_mem>>)
    %dma_start3A_16 = arith.constant 1 : i32
    %dma_start3A_17 = arith.constant 0 : i32
    %dma_start3A_18 = tpu.memref_slice %arg10[%dma_start3A_16, %dma_start3A_17] : memref<80x256xi32, #tpu.memory_space<vmem>> -> memref<1x256xi32, #tpu.memory_space<vmem>>
    %dma_start3A_19 = tpu.memref_squeeze %dma_start3A_18 : memref<1x256xi32, #tpu.memory_space<vmem>> -> memref<256xi32, #tpu.memory_space<vmem>>
    %dma_start3A_20 = arith.constant 0 : i32
    %dma_start3A_21 = arith.constant 0 : i32
    %dma_start3A_22 = tpu.memref_slice %arg19[%dma_start3A_20, %dma_start3A_21] : memref<10016x32xf32, #tpu.memory_space<vmem_shared>> -> memref<10016x32xf32, #tpu.memory_space<vmem_shared>>
    tpu.enqueue_indirect_dma source(%dma_start3A_22 : memref<10016x32xf32, #tpu.memory_space<vmem_shared>>) target(%arg13 : memref<256x32xf32, #tpu.memory_space<vmem>>) offsets(%dma_start3A_19 : memref<256xi32, #tpu.memory_space<vmem>>) semaphore(%arg15 : memref<!tpu.dma_semaphore, #tpu.memory_space<semaphore_mem>>)
    %scan3A = arith.constant 0 : i32
    %scan3A_23 = arith.constant 0 : i32
    %scan3A_24 = arith.constant 19 : i32
    %scan3A_25 = arith.addi %scan3A_23, %scan3A_24 : i32
    %scan3A_26 = arith.constant 1 : i32
    scf.for %scan3A_132 = %scan3A_23 to %scan3A_25 step %scan3A_26  : i32 {
      %mul3A_133 = arith.constant 2 : i32
      %mul3A_134 = arith.muli %scan3A_132, %mul3A_133 : i32
      %add3A = arith.constant 0 : i32
      %add3A_135 = arith.addi %add3A, %mul3A_134 : i32
      %dma_wait3A_136 = arith.constant 0 : i32
      %dma_wait3A_137 = arith.constant 0 : i32
      %dma_wait3A_138 = tpu.memref_slice %arg10[%dma_wait3A_136, %dma_wait3A_137] : memref<80x256xi32, #tpu.memory_space<vmem>> -> memref<1x256xi32, #tpu.memory_space<vmem>>
      %dma_wait3A_139 = tpu.memref_squeeze %dma_wait3A_138 : memref<1x256xi32, #tpu.memory_space<vmem>> -> memref<256xi32, #tpu.memory_space<vmem>>
      %dma_wait3A_140 = arith.constant 0 : i32
      %dma_wait3A_141 = arith.constant 0 : i32
      %dma_wait3A_142 = tpu.memref_slice %arg19[%dma_wait3A_140, %dma_wait3A_141] : memref<10016x32xf32, #tpu.memory_space<vmem_shared>> -> memref<10016x32xf32, #tpu.memory_space<vmem_shared>>
      tpu.wait_indirect_dma semaphore(%arg14 : memref<!tpu.dma_semaphore, #tpu.memory_space<semaphore_mem>>) src(%dma_wait3A_142 : memref<10016x32xf32, #tpu.memory_space<vmem_shared>>) dst(%arg12 : memref<256x32xf32, #tpu.memory_space<vmem>>)
      %add3A_143 = arith.constant 0 : i32
      %add3A_144 = arith.addi %add3A_135, %add3A_143 : i32
      %dma_start3A_145 = arith.constant 0 : i32
      %dma_start3A_146 = tpu.memref_slice %arg11[%add3A_144, %dma_start3A_145] : memref<80x256xi32, #tpu.memory_space<vmem>> -> memref<1x256xi32, #tpu.memory_space<vmem>>
      %dma_start3A_147 = tpu.memref_squeeze %dma_start3A_146 : memref<1x256xi32, #tpu.memory_space<vmem>> -> memref<256xi32, #tpu.memory_space<vmem>>
      %dma_start3A_148 = arith.constant 0 : i32
      %dma_start3A_149 = arith.constant 0 : i32
      %dma_start3A_150 = tpu.memref_slice %arg18[%dma_start3A_148, %dma_start3A_149] : memref<10016x32xf32, #tpu.memory_space<vmem_shared>> -> memref<10016x32xf32, #tpu.memory_space<vmem_shared>>
      tpu.enqueue_indirect_dma source(%arg12 : memref<256x32xf32, #tpu.memory_space<vmem>>) target(%dma_start3A_150 : memref<10016x32xf32, #tpu.memory_space<vmem_shared>>) offsets(%dma_start3A_147 : memref<256xi32, #tpu.memory_space<vmem>>) semaphore(%arg16 : memref<!tpu.dma_semaphore, #tpu.memory_space<semaphore_mem>>) {add = true}
      %dma_wait3A_151 = arith.constant 0 : i32
      %dma_wait3A_152 = arith.constant 0 : i32
      %dma_wait3A_153 = tpu.memref_slice %arg10[%dma_wait3A_151, %dma_wait3A_152] : memref<80x256xi32, #tpu.memory_space<vmem>> -> memref<1x256xi32, #tpu.memory_space<vmem>>
      %dma_wait3A_154 = tpu.memref_squeeze %dma_wait3A_153 : memref<1x256xi32, #tpu.memory_space<vmem>> -> memref<256xi32, #tpu.memory_space<vmem>>
      %dma_wait3A_155 = arith.constant 0 : i32
      %dma_wait3A_156 = arith.constant 0 : i32
      %dma_wait3A_157 = tpu.memref_slice %arg19[%dma_wait3A_155, %dma_wait3A_156] : memref<10016x32xf32, #tpu.memory_space<vmem_shared>> -> memref<10016x32xf32, #tpu.memory_space<vmem_shared>>
      tpu.wait_indirect_dma semaphore(%arg15 : memref<!tpu.dma_semaphore, #tpu.memory_space<semaphore_mem>>) src(%dma_wait3A_157 : memref<10016x32xf32, #tpu.memory_space<vmem_shared>>) dst(%arg13 : memref<256x32xf32, #tpu.memory_space<vmem>>)
      %add3A_158 = arith.constant 1 : i32
      %add3A_159 = arith.addi %add3A_135, %add3A_158 : i32
      %dma_start3A_160 = arith.constant 0 : i32
      %dma_start3A_161 = tpu.memref_slice %arg11[%add3A_159, %dma_start3A_160] : memref<80x256xi32, #tpu.memory_space<vmem>> -> memref<1x256xi32, #tpu.memory_space<vmem>>
      %dma_start3A_162 = tpu.memref_squeeze %dma_start3A_161 : memref<1x256xi32, #tpu.memory_space<vmem>> -> memref<256xi32, #tpu.memory_space<vmem>>
      %dma_start3A_163 = arith.constant 0 : i32
      %dma_start3A_164 = arith.constant 0 : i32
      %dma_start3A_165 = tpu.memref_slice %arg18[%dma_start3A_163, %dma_start3A_164] : memref<10016x32xf32, #tpu.memory_space<vmem_shared>> -> memref<10016x32xf32, #tpu.memory_space<vmem_shared>>
      tpu.enqueue_indirect_dma source(%arg13 : memref<256x32xf32, #tpu.memory_space<vmem>>) target(%dma_start3A_165 : memref<10016x32xf32, #tpu.memory_space<vmem_shared>>) offsets(%dma_start3A_162 : memref<256xi32, #tpu.memory_space<vmem>>) semaphore(%arg17 : memref<!tpu.dma_semaphore, #tpu.memory_space<semaphore_mem>>) {add = true}
      %dma_wait3A_166 = arith.constant 0 : i32
      %dma_wait3A_167 = arith.constant 0 : i32
      %dma_wait3A_168 = tpu.memref_slice %arg11[%dma_wait3A_166, %dma_wait3A_167] : memref<80x256xi32, #tpu.memory_space<vmem>> -> memref<1x256xi32, #tpu.memory_space<vmem>>
      %dma_wait3A_169 = tpu.memref_squeeze %dma_wait3A_168 : memref<1x256xi32, #tpu.memory_space<vmem>> -> memref<256xi32, #tpu.memory_space<vmem>>
      %dma_wait3A_170 = arith.constant 0 : i32
      %dma_wait3A_171 = arith.constant 0 : i32
      %dma_wait3A_172 = tpu.memref_slice %arg18[%dma_wait3A_170, %dma_wait3A_171] : memref<10016x32xf32, #tpu.memory_space<vmem_shared>> -> memref<10016x32xf32, #tpu.memory_space<vmem_shared>>
      tpu.wait_indirect_dma semaphore(%arg16 : memref<!tpu.dma_semaphore, #tpu.memory_space<semaphore_mem>>) src(%arg12 : memref<256x32xf32, #tpu.memory_space<vmem>>) dst(%dma_wait3A_172 : memref<10016x32xf32, #tpu.memory_space<vmem_shared>>)
      %add3A_173 = arith.constant 2 : i32
      %add3A_174 = arith.addi %add3A_135, %add3A_173 : i32
      %add3A_175 = arith.constant 0 : i32
      %add3A_176 = arith.addi %add3A_174, %add3A_175 : i32
      %dma_start3A_177 = arith.constant 0 : i32
      %dma_start3A_178 = tpu.memref_slice %arg10[%add3A_176, %dma_start3A_177] : memref<80x256xi32, #tpu.memory_space<vmem>> -> memref<1x256xi32, #tpu.memory_space<vmem>>
      %dma_start3A_179 = tpu.memref_squeeze %dma_start3A_178 : memref<1x256xi32, #tpu.memory_space<vmem>> -> memref<256xi32, #tpu.memory_space<vmem>>
      %dma_start3A_180 = arith.constant 0 : i32
      %dma_start3A_181 = arith.constant 0 : i32
      %dma_start3A_182 = tpu.memref_slice %arg19[%dma_start3A_180, %dma_start3A_181] : memref<10016x32xf32, #tpu.memory_space<vmem_shared>> -> memref<10016x32xf32, #tpu.memory_space<vmem_shared>>
      tpu.enqueue_indirect_dma source(%dma_start3A_182 : memref<10016x32xf32, #tpu.memory_space<vmem_shared>>) target(%arg12 : memref<256x32xf32, #tpu.memory_space<vmem>>) offsets(%dma_start3A_179 : memref<256xi32, #tpu.memory_space<vmem>>) semaphore(%arg14 : memref<!tpu.dma_semaphore, #tpu.memory_space<semaphore_mem>>)
      %dma_wait3A_183 = arith.constant 0 : i32
      %dma_wait3A_184 = arith.constant 0 : i32
      %dma_wait3A_185 = tpu.memref_slice %arg11[%dma_wait3A_183, %dma_wait3A_184] : memref<80x256xi32, #tpu.memory_space<vmem>> -> memref<1x256xi32, #tpu.memory_space<vmem>>
      %dma_wait3A_186 = tpu.memref_squeeze %dma_wait3A_185 : memref<1x256xi32, #tpu.memory_space<vmem>> -> memref<256xi32, #tpu.memory_space<vmem>>
      %dma_wait3A_187 = arith.constant 0 : i32
      %dma_wait3A_188 = arith.constant 0 : i32
      %dma_wait3A_189 = tpu.memref_slice %arg18[%dma_wait3A_187, %dma_wait3A_188] : memref<10016x32xf32, #tpu.memory_space<vmem_shared>> -> memref<10016x32xf32, #tpu.memory_space<vmem_shared>>
      tpu.wait_indirect_dma semaphore(%arg17 : memref<!tpu.dma_semaphore, #tpu.memory_space<semaphore_mem>>) src(%arg13 : memref<256x32xf32, #tpu.memory_space<vmem>>) dst(%dma_wait3A_189 : memref<10016x32xf32, #tpu.memory_space<vmem_shared>>)
      %add3A_190 = arith.constant 2 : i32
      %add3A_191 = arith.addi %add3A_135, %add3A_190 : i32
      %add3A_192 = arith.constant 1 : i32
      %add3A_193 = arith.addi %add3A_191, %add3A_192 : i32
      %dma_start3A_194 = arith.constant 0 : i32
      %dma_start3A_195 = tpu.memref_slice %arg10[%add3A_193, %dma_start3A_194] : memref<80x256xi32, #tpu.memory_space<vmem>> -> memref<1x256xi32, #tpu.memory_space<vmem>>
      %dma_start3A_196 = tpu.memref_squeeze %dma_start3A_195 : memref<1x256xi32, #tpu.memory_space<vmem>> -> memref<256xi32, #tpu.memory_space<vmem>>
      %dma_start3A_197 = arith.constant 0 : i32
      %dma_start3A_198 = arith.constant 0 : i32
      %dma_start3A_199 = tpu.memref_slice %arg19[%dma_start3A_197, %dma_start3A_198] : memref<10016x32xf32, #tpu.memory_space<vmem_shared>> -> memref<10016x32xf32, #tpu.memory_space<vmem_shared>>
      tpu.enqueue_indirect_dma source(%dma_start3A_199 : memref<10016x32xf32, #tpu.memory_space<vmem_shared>>) target(%arg13 : memref<256x32xf32, #tpu.memory_space<vmem>>) offsets(%dma_start3A_196 : memref<256xi32, #tpu.memory_space<vmem>>) semaphore(%arg15 : memref<!tpu.dma_semaphore, #tpu.memory_space<semaphore_mem>>)
    }
    %scan3A_27 = arith.constant 19 : i32
    %dma_wait3A = arith.constant 0 : i32
    %dma_wait3A_28 = arith.constant 0 : i32
    %dma_wait3A_29 = tpu.memref_slice %arg10[%dma_wait3A, %dma_wait3A_28] : memref<80x256xi32, #tpu.memory_space<vmem>> -> memref<1x256xi32, #tpu.memory_space<vmem>>
    %dma_wait3A_30 = tpu.memref_squeeze %dma_wait3A_29 : memref<1x256xi32, #tpu.memory_space<vmem>> -> memref<256xi32, #tpu.memory_space<vmem>>
    %dma_wait3A_31 = arith.constant 0 : i32
    %dma_wait3A_32 = arith.constant 0 : i32
    %dma_wait3A_33 = tpu.memref_slice %arg19[%dma_wait3A_31, %dma_wait3A_32] : memref<10016x32xf32, #tpu.memory_space<vmem_shared>> -> memref<10016x32xf32, #tpu.memory_space<vmem_shared>>
    tpu.wait_indirect_dma semaphore(%arg14 : memref<!tpu.dma_semaphore, #tpu.memory_space<semaphore_mem>>) src(%dma_wait3A_33 : memref<10016x32xf32, #tpu.memory_space<vmem_shared>>) dst(%arg12 : memref<256x32xf32, #tpu.memory_space<vmem>>)
    %dma_start3A_34 = arith.constant 38 : i32
    %dma_start3A_35 = arith.constant 0 : i32
    %dma_start3A_36 = tpu.memref_slice %arg11[%dma_start3A_34, %dma_start3A_35] : memref<80x256xi32, #tpu.memory_space<vmem>> -> memref<1x256xi32, #tpu.memory_space<vmem>>
    %dma_start3A_37 = tpu.memref_squeeze %dma_start3A_36 : memref<1x256xi32, #tpu.memory_space<vmem>> -> memref<256xi32, #tpu.memory_space<vmem>>
    %dma_start3A_38 = arith.constant 0 : i32
    %dma_start3A_39 = arith.constant 0 : i32
    %dma_start3A_40 = tpu.memref_slice %arg18[%dma_start3A_38, %dma_start3A_39] : memref<10016x32xf32, #tpu.memory_space<vmem_shared>> -> memref<10016x32xf32, #tpu.memory_space<vmem_shared>>
    tpu.enqueue_indirect_dma source(%arg12 : memref<256x32xf32, #tpu.memory_space<vmem>>) target(%dma_start3A_40 : memref<10016x32xf32, #tpu.memory_space<vmem_shared>>) offsets(%dma_start3A_37 : memref<256xi32, #tpu.memory_space<vmem>>) semaphore(%arg16 : memref<!tpu.dma_semaphore, #tpu.memory_space<semaphore_mem>>) {add = true}
    %dma_wait3A_41 = arith.constant 0 : i32
    %dma_wait3A_42 = arith.constant 0 : i32
    %dma_wait3A_43 = tpu.memref_slice %arg10[%dma_wait3A_41, %dma_wait3A_42] : memref<80x256xi32, #tpu.memory_space<vmem>> -> memref<1x256xi32, #tpu.memory_space<vmem>>
    %dma_wait3A_44 = tpu.memref_squeeze %dma_wait3A_43 : memref<1x256xi32, #tpu.memory_space<vmem>> -> memref<256xi32, #tpu.memory_space<vmem>>
    %dma_wait3A_45 = arith.constant 0 : i32
    %dma_wait3A_46 = arith.constant 0 : i32
    %dma_wait3A_47 = tpu.memref_slice %arg19[%dma_wait3A_45, %dma_wait3A_46] : memref<10016x32xf32, #tpu.memory_space<vmem_shared>> -> memref<10016x32xf32, #tpu.memory_space<vmem_shared>>
    tpu.wait_indirect_dma semaphore(%arg15 : memref<!tpu.dma_semaphore, #tpu.memory_space<semaphore_mem>>) src(%dma_wait3A_47 : memref<10016x32xf32, #tpu.memory_space<vmem_shared>>) dst(%arg13 : memref<256x32xf32, #tpu.memory_space<vmem>>)
    %dma_start3A_48 = arith.constant 39 : i32
    %dma_start3A_49 = arith.constant 0 : i32
    %dma_start3A_50 = tpu.memref_slice %arg11[%dma_start3A_48, %dma_start3A_49] : memref<80x256xi32, #tpu.memory_space<vmem>> -> memref<1x256xi32, #tpu.memory_space<vmem>>
    %dma_start3A_51 = tpu.memref_squeeze %dma_start3A_50 : memref<1x256xi32, #tpu.memory_space<vmem>> -> memref<256xi32, #tpu.memory_space<vmem>>
    %dma_start3A_52 = arith.constant 0 : i32
    %dma_start3A_53 = arith.constant 0 : i32
    %dma_start3A_54 = tpu.memref_slice %arg18[%dma_start3A_52, %dma_start3A_53] : memref<10016x32xf32, #tpu.memory_space<vmem_shared>> -> memref<10016x32xf32, #tpu.memory_space<vmem_shared>>
    tpu.enqueue_indirect_dma source(%arg13 : memref<256x32xf32, #tpu.memory_space<vmem>>) target(%dma_start3A_54 : memref<10016x32xf32, #tpu.memory_space<vmem_shared>>) offsets(%dma_start3A_51 : memref<256xi32, #tpu.memory_space<vmem>>) semaphore(%arg17 : memref<!tpu.dma_semaphore, #tpu.memory_space<semaphore_mem>>) {add = true}
    %dma_wait3A_55 = arith.constant 0 : i32
    %dma_wait3A_56 = arith.constant 0 : i32
    %dma_wait3A_57 = tpu.memref_slice %arg11[%dma_wait3A_55, %dma_wait3A_56] : memref<80x256xi32, #tpu.memory_space<vmem>> -> memref<1x256xi32, #tpu.memory_space<vmem>>
    %dma_wait3A_58 = tpu.memref_squeeze %dma_wait3A_57 : memref<1x256xi32, #tpu.memory_space<vmem>> -> memref<256xi32, #tpu.memory_space<vmem>>
    %dma_wait3A_59 = arith.constant 0 : i32
    %dma_wait3A_60 = arith.constant 0 : i32
    %dma_wait3A_61 = tpu.memref_slice %arg18[%dma_wait3A_59, %dma_wait3A_60] : memref<10016x32xf32, #tpu.memory_space<vmem_shared>> -> memref<10016x32xf32, #tpu.memory_space<vmem_shared>>
    tpu.wait_indirect_dma semaphore(%arg16 : memref<!tpu.dma_semaphore, #tpu.memory_space<semaphore_mem>>) src(%arg12 : memref<256x32xf32, #tpu.memory_space<vmem>>) dst(%dma_wait3A_61 : memref<10016x32xf32, #tpu.memory_space<vmem_shared>>)
    %dma_wait3A_62 = arith.constant 0 : i32
    %dma_wait3A_63 = arith.constant 0 : i32
    %dma_wait3A_64 = tpu.memref_slice %arg11[%dma_wait3A_62, %dma_wait3A_63] : memref<80x256xi32, #tpu.memory_space<vmem>> -> memref<1x256xi32, #tpu.memory_space<vmem>>
    %dma_wait3A_65 = tpu.memref_squeeze %dma_wait3A_64 : memref<1x256xi32, #tpu.memory_space<vmem>> -> memref<256xi32, #tpu.memory_space<vmem>>
    %dma_wait3A_66 = arith.constant 0 : i32
    %dma_wait3A_67 = arith.constant 0 : i32
    %dma_wait3A_68 = tpu.memref_slice %arg18[%dma_wait3A_66, %dma_wait3A_67] : memref<10016x32xf32, #tpu.memory_space<vmem_shared>> -> memref<10016x32xf32, #tpu.memory_space<vmem_shared>>
    tpu.wait_indirect_dma semaphore(%arg17 : memref<!tpu.dma_semaphore, #tpu.memory_space<semaphore_mem>>) src(%arg13 : memref<256x32xf32, #tpu.memory_space<vmem>>) dst(%dma_wait3A_68 : memref<10016x32xf32, #tpu.memory_space<vmem_shared>>)
    %dma_start3A_69 = arith.constant 40 : i32
    %dma_start3A_70 = arith.constant 0 : i32
    %dma_start3A_71 = tpu.memref_slice %arg10[%dma_start3A_69, %dma_start3A_70] : memref<80x256xi32, #tpu.memory_space<vmem>> -> memref<1x256xi32, #tpu.memory_space<vmem>>
    %dma_start3A_72 = tpu.memref_squeeze %dma_start3A_71 : memref<1x256xi32, #tpu.memory_space<vmem>> -> memref<256xi32, #tpu.memory_space<vmem>>
    %dma_start3A_73 = arith.constant 0 : i32
    %dma_start3A_74 = arith.constant 0 : i32
    %dma_start3A_75 = tpu.memref_slice %arg19[%dma_start3A_73, %dma_start3A_74] : memref<10016x32xf32, #tpu.memory_space<vmem_shared>> -> memref<10016x32xf32, #tpu.memory_space<vmem_shared>>
    tpu.enqueue_indirect_dma source(%dma_start3A_75 : memref<10016x32xf32, #tpu.memory_space<vmem_shared>>) target(%arg12 : memref<256x32xf32, #tpu.memory_space<vmem>>) offsets(%dma_start3A_72 : memref<256xi32, #tpu.memory_space<vmem>>) semaphore(%arg14 : memref<!tpu.dma_semaphore, #tpu.memory_space<semaphore_mem>>)
    %dma_start3A_76 = arith.constant 41 : i32
    %dma_start3A_77 = arith.constant 0 : i32
    %dma_start3A_78 = tpu.memref_slice %arg10[%dma_start3A_76, %dma_start3A_77] : memref<80x256xi32, #tpu.memory_space<vmem>> -> memref<1x256xi32, #tpu.memory_space<vmem>>
    %dma_start3A_79 = tpu.memref_squeeze %dma_start3A_78 : memref<1x256xi32, #tpu.memory_space<vmem>> -> memref<256xi32, #tpu.memory_space<vmem>>
    %dma_start3A_80 = arith.constant 0 : i32
    %dma_start3A_81 = arith.constant 0 : i32
    %dma_start3A_82 = tpu.memref_slice %arg19[%dma_start3A_80, %dma_start3A_81] : memref<10016x32xf32, #tpu.memory_space<vmem_shared>> -> memref<10016x32xf32, #tpu.memory_space<vmem_shared>>
    tpu.enqueue_indirect_dma source(%dma_start3A_82 : memref<10016x32xf32, #tpu.memory_space<vmem_shared>>) target(%arg13 : memref<256x32xf32, #tpu.memory_space<vmem>>) offsets(%dma_start3A_79 : memref<256xi32, #tpu.memory_space<vmem>>) semaphore(%arg15 : memref<!tpu.dma_semaphore, #tpu.memory_space<semaphore_mem>>)
    %scan3A_83 = arith.constant 0 : i32
    %scan3A_84 = arith.constant 0 : i32
    %scan3A_85 = arith.constant 19 : i32
    %scan3A_86 = arith.addi %scan3A_84, %scan3A_85 : i32
    %scan3A_87 = arith.constant 1 : i32
    scf.for %scan3A_132 = %scan3A_84 to %scan3A_86 step %scan3A_87  : i32 {
      %mul3A_133 = arith.constant 2 : i32
      %mul3A_134 = arith.muli %scan3A_132, %mul3A_133 : i32
      %add3A = arith.constant 40 : i32
      %add3A_135 = arith.addi %add3A, %mul3A_134 : i32
      %dma_wait3A_136 = arith.constant 0 : i32
      %dma_wait3A_137 = arith.constant 0 : i32
      %dma_wait3A_138 = tpu.memref_slice %arg10[%dma_wait3A_136, %dma_wait3A_137] : memref<80x256xi32, #tpu.memory_space<vmem>> -> memref<1x256xi32, #tpu.memory_space<vmem>>
      %dma_wait3A_139 = tpu.memref_squeeze %dma_wait3A_138 : memref<1x256xi32, #tpu.memory_space<vmem>> -> memref<256xi32, #tpu.memory_space<vmem>>
      %dma_wait3A_140 = arith.constant 0 : i32
      %dma_wait3A_141 = arith.constant 0 : i32
      %dma_wait3A_142 = tpu.memref_slice %arg19[%dma_wait3A_140, %dma_wait3A_141] : memref<10016x32xf32, #tpu.memory_space<vmem_shared>> -> memref<10016x32xf32, #tpu.memory_space<vmem_shared>>
      tpu.wait_indirect_dma semaphore(%arg14 : memref<!tpu.dma_semaphore, #tpu.memory_space<semaphore_mem>>) src(%dma_wait3A_142 : memref<10016x32xf32, #tpu.memory_space<vmem_shared>>) dst(%arg12 : memref<256x32xf32, #tpu.memory_space<vmem>>)
      %add3A_143 = arith.constant 0 : i32
      %add3A_144 = arith.addi %add3A_135, %add3A_143 : i32
      %dma_start3A_145 = arith.constant 0 : i32
      %dma_start3A_146 = tpu.memref_slice %arg11[%add3A_144, %dma_start3A_145] : memref<80x256xi32, #tpu.memory_space<vmem>> -> memref<1x256xi32, #tpu.memory_space<vmem>>
      %dma_start3A_147 = tpu.memref_squeeze %dma_start3A_146 : memref<1x256xi32, #tpu.memory_space<vmem>> -> memref<256xi32, #tpu.memory_space<vmem>>
      %dma_start3A_148 = arith.constant 0 : i32
      %dma_start3A_149 = arith.constant 0 : i32
      %dma_start3A_150 = tpu.memref_slice %arg18[%dma_start3A_148, %dma_start3A_149] : memref<10016x32xf32, #tpu.memory_space<vmem_shared>> -> memref<10016x32xf32, #tpu.memory_space<vmem_shared>>
      tpu.enqueue_indirect_dma source(%arg12 : memref<256x32xf32, #tpu.memory_space<vmem>>) target(%dma_start3A_150 : memref<10016x32xf32, #tpu.memory_space<vmem_shared>>) offsets(%dma_start3A_147 : memref<256xi32, #tpu.memory_space<vmem>>) semaphore(%arg16 : memref<!tpu.dma_semaphore, #tpu.memory_space<semaphore_mem>>) {add = true}
      %dma_wait3A_151 = arith.constant 0 : i32
      %dma_wait3A_152 = arith.constant 0 : i32
      %dma_wait3A_153 = tpu.memref_slice %arg10[%dma_wait3A_151, %dma_wait3A_152] : memref<80x256xi32, #tpu.memory_space<vmem>> -> memref<1x256xi32, #tpu.memory_space<vmem>>
      %dma_wait3A_154 = tpu.memref_squeeze %dma_wait3A_153 : memref<1x256xi32, #tpu.memory_space<vmem>> -> memref<256xi32, #tpu.memory_space<vmem>>
      %dma_wait3A_155 = arith.constant 0 : i32
      %dma_wait3A_156 = arith.constant 0 : i32
      %dma_wait3A_157 = tpu.memref_slice %arg19[%dma_wait3A_155, %dma_wait3A_156] : memref<10016x32xf32, #tpu.memory_space<vmem_shared>> -> memref<10016x32xf32, #tpu.memory_space<vmem_shared>>
      tpu.wait_indirect_dma semaphore(%arg15 : memref<!tpu.dma_semaphore, #tpu.memory_space<semaphore_mem>>) src(%dma_wait3A_157 : memref<10016x32xf32, #tpu.memory_space<vmem_shared>>) dst(%arg13 : memref<256x32xf32, #tpu.memory_space<vmem>>)
      %add3A_158 = arith.constant 1 : i32
      %add3A_159 = arith.addi %add3A_135, %add3A_158 : i32
      %dma_start3A_160 = arith.constant 0 : i32
      %dma_start3A_161 = tpu.memref_slice %arg11[%add3A_159, %dma_start3A_160] : memref<80x256xi32, #tpu.memory_space<vmem>> -> memref<1x256xi32, #tpu.memory_space<vmem>>
      %dma_start3A_162 = tpu.memref_squeeze %dma_start3A_161 : memref<1x256xi32, #tpu.memory_space<vmem>> -> memref<256xi32, #tpu.memory_space<vmem>>
      %dma_start3A_163 = arith.constant 0 : i32
      %dma_start3A_164 = arith.constant 0 : i32
      %dma_start3A_165 = tpu.memref_slice %arg18[%dma_start3A_163, %dma_start3A_164] : memref<10016x32xf32, #tpu.memory_space<vmem_shared>> -> memref<10016x32xf32, #tpu.memory_space<vmem_shared>>
      tpu.enqueue_indirect_dma source(%arg13 : memref<256x32xf32, #tpu.memory_space<vmem>>) target(%dma_start3A_165 : memref<10016x32xf32, #tpu.memory_space<vmem_shared>>) offsets(%dma_start3A_162 : memref<256xi32, #tpu.memory_space<vmem>>) semaphore(%arg17 : memref<!tpu.dma_semaphore, #tpu.memory_space<semaphore_mem>>) {add = true}
      %dma_wait3A_166 = arith.constant 0 : i32
      %dma_wait3A_167 = arith.constant 0 : i32
      %dma_wait3A_168 = tpu.memref_slice %arg11[%dma_wait3A_166, %dma_wait3A_167] : memref<80x256xi32, #tpu.memory_space<vmem>> -> memref<1x256xi32, #tpu.memory_space<vmem>>
      %dma_wait3A_169 = tpu.memref_squeeze %dma_wait3A_168 : memref<1x256xi32, #tpu.memory_space<vmem>> -> memref<256xi32, #tpu.memory_space<vmem>>
      %dma_wait3A_170 = arith.constant 0 : i32
      %dma_wait3A_171 = arith.constant 0 : i32
      %dma_wait3A_172 = tpu.memref_slice %arg18[%dma_wait3A_170, %dma_wait3A_171] : memref<10016x32xf32, #tpu.memory_space<vmem_shared>> -> memref<10016x32xf32, #tpu.memory_space<vmem_shared>>
      tpu.wait_indirect_dma semaphore(%arg16 : memref<!tpu.dma_semaphore, #tpu.memory_space<semaphore_mem>>) src(%arg12 : memref<256x32xf32, #tpu.memory_space<vmem>>) dst(%dma_wait3A_172 : memref<10016x32xf32, #tpu.memory_space<vmem_shared>>)
      %add3A_173 = arith.constant 2 : i32
      %add3A_174 = arith.addi %add3A_135, %add3A_173 : i32
      %add3A_175 = arith.constant 0 : i32
      %add3A_176 = arith.addi %add3A_174, %add3A_175 : i32
      %dma_start3A_177 = arith.constant 0 : i32
      %dma_start3A_178 = tpu.memref_slice %arg10[%add3A_176, %dma_start3A_177] : memref<80x256xi32, #tpu.memory_space<vmem>> -> memref<1x256xi32, #tpu.memory_space<vmem>>
      %dma_start3A_179 = tpu.memref_squeeze %dma_start3A_178 : memref<1x256xi32, #tpu.memory_space<vmem>> -> memref<256xi32, #tpu.memory_space<vmem>>
      %dma_start3A_180 = arith.constant 0 : i32
      %dma_start3A_181 = arith.constant 0 : i32
      %dma_start3A_182 = tpu.memref_slice %arg19[%dma_start3A_180, %dma_start3A_181] : memref<10016x32xf32, #tpu.memory_space<vmem_shared>> -> memref<10016x32xf32, #tpu.memory_space<vmem_shared>>
      tpu.enqueue_indirect_dma source(%dma_start3A_182 : memref<10016x32xf32, #tpu.memory_space<vmem_shared>>) target(%arg12 : memref<256x32xf32, #tpu.memory_space<vmem>>) offsets(%dma_start3A_179 : memref<256xi32, #tpu.memory_space<vmem>>) semaphore(%arg14 : memref<!tpu.dma_semaphore, #tpu.memory_space<semaphore_mem>>)
      %dma_wait3A_183 = arith.constant 0 : i32
      %dma_wait3A_184 = arith.constant 0 : i32
      %dma_wait3A_185 = tpu.memref_slice %arg11[%dma_wait3A_183, %dma_wait3A_184] : memref<80x256xi32, #tpu.memory_space<vmem>> -> memref<1x256xi32, #tpu.memory_space<vmem>>
      %dma_wait3A_186 = tpu.memref_squeeze %dma_wait3A_185 : memref<1x256xi32, #tpu.memory_space<vmem>> -> memref<256xi32, #tpu.memory_space<vmem>>
      %dma_wait3A_187 = arith.constant 0 : i32
      %dma_wait3A_188 = arith.constant 0 : i32
      %dma_wait3A_189 = tpu.memref_slice %arg18[%dma_wait3A_187, %dma_wait3A_188] : memref<10016x32xf32, #tpu.memory_space<vmem_shared>> -> memref<10016x32xf32, #tpu.memory_space<vmem_shared>>
      tpu.wait_indirect_dma semaphore(%arg17 : memref<!tpu.dma_semaphore, #tpu.memory_space<semaphore_mem>>) src(%arg13 : memref<256x32xf32, #tpu.memory_space<vmem>>) dst(%dma_wait3A_189 : memref<10016x32xf32, #tpu.memory_space<vmem_shared>>)
      %add3A_190 = arith.constant 2 : i32
      %add3A_191 = arith.addi %add3A_135, %add3A_190 : i32
      %add3A_192 = arith.constant 1 : i32
      %add3A_193 = arith.addi %add3A_191, %add3A_192 : i32
      %dma_start3A_194 = arith.constant 0 : i32
      %dma_start3A_195 = tpu.memref_slice %arg10[%add3A_193, %dma_start3A_194] : memref<80x256xi32, #tpu.memory_space<vmem>> -> memref<1x256xi32, #tpu.memory_space<vmem>>
      %dma_start3A_196 = tpu.memref_squeeze %dma_start3A_195 : memref<1x256xi32, #tpu.memory_space<vmem>> -> memref<256xi32, #tpu.memory_space<vmem>>
      %dma_start3A_197 = arith.constant 0 : i32
      %dma_start3A_198 = arith.constant 0 : i32
      %dma_start3A_199 = tpu.memref_slice %arg19[%dma_start3A_197, %dma_start3A_198] : memref<10016x32xf32, #tpu.memory_space<vmem_shared>> -> memref<10016x32xf32, #tpu.memory_space<vmem_shared>>
      tpu.enqueue_indirect_dma source(%dma_start3A_199 : memref<10016x32xf32, #tpu.memory_space<vmem_shared>>) target(%arg13 : memref<256x32xf32, #tpu.memory_space<vmem>>) offsets(%dma_start3A_196 : memref<256xi32, #tpu.memory_space<vmem>>) semaphore(%arg15 : memref<!tpu.dma_semaphore, #tpu.memory_space<semaphore_mem>>)
    }
    %scan3A_88 = arith.constant 19 : i32
    %dma_wait3A_89 = arith.constant 0 : i32
    %dma_wait3A_90 = arith.constant 0 : i32
    %dma_wait3A_91 = tpu.memref_slice %arg10[%dma_wait3A_89, %dma_wait3A_90] : memref<80x256xi32, #tpu.memory_space<vmem>> -> memref<1x256xi32, #tpu.memory_space<vmem>>
    %dma_wait3A_92 = tpu.memref_squeeze %dma_wait3A_91 : memref<1x256xi32, #tpu.memory_space<vmem>> -> memref<256xi32, #tpu.memory_space<vmem>>
    %dma_wait3A_93 = arith.constant 0 : i32
    %dma_wait3A_94 = arith.constant 0 : i32
    %dma_wait3A_95 = tpu.memref_slice %arg19[%dma_wait3A_93, %dma_wait3A_94] : memref<10016x32xf32, #tpu.memory_space<vmem_shared>> -> memref<10016x32xf32, #tpu.memory_space<vmem_shared>>
    tpu.wait_indirect_dma semaphore(%arg14 : memref<!tpu.dma_semaphore, #tpu.memory_space<semaphore_mem>>) src(%dma_wait3A_95 : memref<10016x32xf32, #tpu.memory_space<vmem_shared>>) dst(%arg12 : memref<256x32xf32, #tpu.memory_space<vmem>>)
    %dma_start3A_96 = arith.constant 78 : i32
    %dma_start3A_97 = arith.constant 0 : i32
    %dma_start3A_98 = tpu.memref_slice %arg11[%dma_start3A_96, %dma_start3A_97] : memref<80x256xi32, #tpu.memory_space<vmem>> -> memref<1x256xi32, #tpu.memory_space<vmem>>
    %dma_start3A_99 = tpu.memref_squeeze %dma_start3A_98 : memref<1x256xi32, #tpu.memory_space<vmem>> -> memref<256xi32, #tpu.memory_space<vmem>>
    %dma_start3A_100 = arith.constant 0 : i32
    %dma_start3A_101 = arith.constant 0 : i32
    %dma_start3A_102 = tpu.memref_slice %arg18[%dma_start3A_100, %dma_start3A_101] : memref<10016x32xf32, #tpu.memory_space<vmem_shared>> -> memref<10016x32xf32, #tpu.memory_space<vmem_shared>>
    tpu.enqueue_indirect_dma source(%arg12 : memref<256x32xf32, #tpu.memory_space<vmem>>) target(%dma_start3A_102 : memref<10016x32xf32, #tpu.memory_space<vmem_shared>>) offsets(%dma_start3A_99 : memref<256xi32, #tpu.memory_space<vmem>>) semaphore(%arg16 : memref<!tpu.dma_semaphore, #tpu.memory_space<semaphore_mem>>) {add = true}
    %dma_wait3A_103 = arith.constant 0 : i32
    %dma_wait3A_104 = arith.constant 0 : i32
    %dma_wait3A_105 = tpu.memref_slice %arg10[%dma_wait3A_103, %dma_wait3A_104] : memref<80x256xi32, #tpu.memory_space<vmem>> -> memref<1x256xi32, #tpu.memory_space<vmem>>
    %dma_wait3A_106 = tpu.memref_squeeze %dma_wait3A_105 : memref<1x256xi32, #tpu.memory_space<vmem>> -> memref<256xi32, #tpu.memory_space<vmem>>
    %dma_wait3A_107 = arith.constant 0 : i32
    %dma_wait3A_108 = arith.constant 0 : i32
    %dma_wait3A_109 = tpu.memref_slice %arg19[%dma_wait3A_107, %dma_wait3A_108] : memref<10016x32xf32, #tpu.memory_space<vmem_shared>> -> memref<10016x32xf32, #tpu.memory_space<vmem_shared>>
    tpu.wait_indirect_dma semaphore(%arg15 : memref<!tpu.dma_semaphore, #tpu.memory_space<semaphore_mem>>) src(%dma_wait3A_109 : memref<10016x32xf32, #tpu.memory_space<vmem_shared>>) dst(%arg13 : memref<256x32xf32, #tpu.memory_space<vmem>>)
    %dma_start3A_110 = arith.constant 79 : i32
    %dma_start3A_111 = arith.constant 0 : i32
    %dma_start3A_112 = tpu.memref_slice %arg11[%dma_start3A_110, %dma_start3A_111] : memref<80x256xi32, #tpu.memory_space<vmem>> -> memref<1x256xi32, #tpu.memory_space<vmem>>
    %dma_start3A_113 = tpu.memref_squeeze %dma_start3A_112 : memref<1x256xi32, #tpu.memory_space<vmem>> -> memref<256xi32, #tpu.memory_space<vmem>>
    %dma_start3A_114 = arith.constant 0 : i32
    %dma_start3A_115 = arith.constant 0 : i32
    %dma_start3A_116 = tpu.memref_slice %arg18[%dma_start3A_114, %dma_start3A_115] : memref<10016x32xf32, #tpu.memory_space<vmem_shared>> -> memref<10016x32xf32, #tpu.memory_space<vmem_shared>>
    tpu.enqueue_indirect_dma source(%arg13 : memref<256x32xf32, #tpu.memory_space<vmem>>) target(%dma_start3A_116 : memref<10016x32xf32, #tpu.memory_space<vmem_shared>>) offsets(%dma_start3A_113 : memref<256xi32, #tpu.memory_space<vmem>>) semaphore(%arg17 : memref<!tpu.dma_semaphore, #tpu.memory_space<semaphore_mem>>) {add = true}
    %dma_wait3A_117 = arith.constant 0 : i32
    %dma_wait3A_118 = arith.constant 0 : i32
    %dma_wait3A_119 = tpu.memref_slice %arg11[%dma_wait3A_117, %dma_wait3A_118] : memref<80x256xi32, #tpu.memory_space<vmem>> -> memref<1x256xi32, #tpu.memory_space<vmem>>
    %dma_wait3A_120 = tpu.memref_squeeze %dma_wait3A_119 : memref<1x256xi32, #tpu.memory_space<vmem>> -> memref<256xi32, #tpu.memory_space<vmem>>
    %dma_wait3A_121 = arith.constant 0 : i32
    %dma_wait3A_122 = arith.constant 0 : i32
    %dma_wait3A_123 = tpu.memref_slice %arg18[%dma_wait3A_121, %dma_wait3A_122] : memref<10016x32xf32, #tpu.memory_space<vmem_shared>> -> memref<10016x32xf32, #tpu.memory_space<vmem_shared>>
    tpu.wait_indirect_dma semaphore(%arg16 : memref<!tpu.dma_semaphore, #tpu.memory_space<semaphore_mem>>) src(%arg12 : memref<256x32xf32, #tpu.memory_space<vmem>>) dst(%dma_wait3A_123 : memref<10016x32xf32, #tpu.memory_space<vmem_shared>>)
    %dma_wait3A_124 = arith.constant 0 : i32
    %dma_wait3A_125 = arith.constant 0 : i32
    %dma_wait3A_126 = tpu.memref_slice %arg11[%dma_wait3A_124, %dma_wait3A_125] : memref<80x256xi32, #tpu.memory_space<vmem>> -> memref<1x256xi32, #tpu.memory_space<vmem>>
    %dma_wait3A_127 = tpu.memref_squeeze %dma_wait3A_126 : memref<1x256xi32, #tpu.memory_space<vmem>> -> memref<256xi32, #tpu.memory_space<vmem>>
    %dma_wait3A_128 = arith.constant 0 : i32
    %dma_wait3A_129 = arith.constant 0 : i32
    %dma_wait3A_130 = tpu.memref_slice %arg18[%dma_wait3A_128, %dma_wait3A_129] : memref<10016x32xf32, #tpu.memory_space<vmem_shared>> -> memref<10016x32xf32, #tpu.memory_space<vmem_shared>>
    tpu.wait_indirect_dma semaphore(%arg17 : memref<!tpu.dma_semaphore, #tpu.memory_space<semaphore_mem>>) src(%arg13 : memref<256x32xf32, #tpu.memory_space<vmem>>) dst(%dma_wait3A_130 : memref<10016x32xf32, #tpu.memory_space<vmem_shared>>)
    %barrier3A_131 = arith.constant 0 : index
    tpu.barrier barrier_id(%barrier3A_131)
    "tpu.region"() ({
      %run_scoped3A = tpu.sem_alloc : memref<!tpu.dma_semaphore, #tpu.memory_space<semaphore_mem>>
      %dma_start3A_132 = arith.constant 0 : i32
      %dma_start3A_133 = tpu.memref_slice %arg9[%arg0, %multiple_of3A, %dma_start3A_132] : memref<2x10016x32xf32, #tpu.memory_space<hbm>> -> memref<1x626x32xf32, #tpu.memory_space<hbm>>
      %dma_start3A_134 = tpu.memref_squeeze %dma_start3A_133 : memref<1x626x32xf32, #tpu.memory_space<hbm>> -> memref<626x32xf32, #tpu.memory_space<hbm>>
      %dma_start3A_135 = arith.constant 0 : i32
      %dma_start3A_136 = tpu.memref_slice %arg18[%multiple_of3A, %dma_start3A_135] : memref<10016x32xf32, #tpu.memory_space<vmem_shared>> -> memref<626x32xf32, #tpu.memory_space<vmem_shared>>
      tpu.enqueue_dma source(%dma_start3A_136 : memref<626x32xf32, #tpu.memory_space<vmem_shared>>) target(%dma_start3A_134 : memref<626x32xf32, #tpu.memory_space<hbm>>) target_semaphore(%run_scoped3A : memref<!tpu.dma_semaphore, #tpu.memory_space<semaphore_mem>>)
      %dma_wait3A_137 = arith.constant 0 : i32
      %dma_wait3A_138 = tpu.memref_slice %arg9[%arg0, %multiple_of3A, %dma_wait3A_137] : memref<2x10016x32xf32, #tpu.memory_space<hbm>> -> memref<1x626x32xf32, #tpu.memory_space<hbm>>
      %dma_wait3A_139 = tpu.memref_squeeze %dma_wait3A_138 : memref<1x626x32xf32, #tpu.memory_space<hbm>> -> memref<626x32xf32, #tpu.memory_space<hbm>>
      %dma_wait3A_140 = arith.constant 0 : i32
      %dma_wait3A_141 = tpu.memref_slice %arg18[%multiple_of3A, %dma_wait3A_140] : memref<10016x32xf32, #tpu.memory_space<vmem_shared>> -> memref<626x32xf32, #tpu.memory_space<vmem_shared>>
      tpu.wait_dma2 semaphore(%run_scoped3A : memref<!tpu.dma_semaphore, #tpu.memory_space<semaphore_mem>>) src(%dma_wait3A_141 : memref<626x32xf32, #tpu.memory_space<vmem_shared>>) dst(%dma_wait3A_139 : memref<626x32xf32, #tpu.memory_space<hbm>>)
      tpu.yield
    }) : () -> ()
    return
  }
}

module attributes {stable_mosaic.version = 14 : i64} {
  func.func @body(%arg0: memref<10000x128xf32, #tpu.memory_space<vmem>>, %arg1: memref<128x64xf32, #tpu.memory_space<vmem>>, %arg2: memref<128x64xf32, #tpu.memory_space<vmem>>, %arg3: memref<2x10016x32xf32, #tpu.memory_space<vmem>>, %arg4: memref<10000x64xf32, #tpu.memory_space<vmem>>) attributes {dimension_semantics = [], scalar_prefetch = 0 : i64, scratch_operands = 0 : i64, tpu.core_type = #tpu.core_type<tc>} {
    %get3A = arith.constant 0 : index
    %get3A_0 = arith.constant 0 : index
    %get3A_1 = vector.load %arg0[%get3A, %get3A_0] : memref<10000x128xf32, #tpu.memory_space<vmem>>, vector<10000x128xf32>
    %get3A_2 = arith.constant 0 : index
    %get3A_3 = arith.constant 0 : index
    %get3A_4 = vector.load %arg1[%get3A_2, %get3A_3] : memref<128x64xf32, #tpu.memory_space<vmem>>, vector<128x64xf32>
    %dot_general3A = arith.constant dense<0.000000e+00> : vector<10000x64xf32>
    %dot_general3A_5 = tpu.matmul %get3A_1, %get3A_4, %dot_general3A {dimension_numbers = #tpu.dot_dimension_numbers<[1], [0], [0], [1], [0, 0, 1, 1], [], []>, transpose_lhs_hint = false} : vector<10000x128xf32>, vector<128x64xf32>, vector<10000x64xf32> -> vector<10000x64xf32>
    %broadcast_in_dim3A = arith.constant 0.000000e+00 : f32
    %broadcast_in_dim3A_6 = vector.broadcast %broadcast_in_dim3A : f32 to vector<16x32xf32>
    %slice3A = vector.extract_strided_slice %dot_general3A_5 {offsets = [0, 0], sizes = [10000, 32], strides = [1, 1]} : vector<10000x64xf32> to vector<10000x32xf32>
    %swap3A = arith.constant 0 : index
    %swap3A_7 = arith.constant 0 : index
    %swap3A_8 = arith.constant 0 : index
    %swap3A_9 = vector.load %arg3[%swap3A, %swap3A_7, %swap3A_8] : memref<2x10016x32xf32, #tpu.memory_space<vmem>>, vector<1x10000x32xf32>
    %swap3A_10 = vector.shape_cast %swap3A_9 : vector<1x10000x32xf32> to vector<10000x32xf32>
    %swap3A_11 = vector.shape_cast %slice3A : vector<10000x32xf32> to vector<1x10000x32xf32>
    tpu.vector_store %arg3[%swap3A, %swap3A_7, %swap3A_8], %swap3A_11 {strides = array<i32>} : memref<2x10016x32xf32, #tpu.memory_space<vmem>>, vector<1x10000x32xf32>,
    %swap3A_12 = arith.constant 0 : index
    %swap3A_13 = arith.constant 10000 : index
    %swap3A_14 = arith.constant 0 : index
    %swap3A_15 = vector.load %arg3[%swap3A_12, %swap3A_13, %swap3A_14] : memref<2x10016x32xf32, #tpu.memory_space<vmem>>, vector<1x16x32xf32>
    %swap3A_16 = vector.shape_cast %swap3A_15 : vector<1x16x32xf32> to vector<16x32xf32>
    %swap3A_17 = vector.shape_cast %broadcast_in_dim3A_6 : vector<16x32xf32> to vector<1x16x32xf32>
    tpu.vector_store %arg3[%swap3A_12, %swap3A_13, %swap3A_14], %swap3A_17 {strides = array<i32>} : memref<2x10016x32xf32, #tpu.memory_space<vmem>>, vector<1x16x32xf32>,
    %slice3A_18 = vector.extract_strided_slice %dot_general3A_5 {offsets = [0, 32], sizes = [10000, 32], strides = [1, 1]} : vector<10000x64xf32> to vector<10000x32xf32>
    %swap3A_19 = arith.constant 1 : index
    %swap3A_20 = arith.constant 0 : index
    %swap3A_21 = arith.constant 0 : index
    %swap3A_22 = vector.load %arg3[%swap3A_19, %swap3A_20, %swap3A_21] : memref<2x10016x32xf32, #tpu.memory_space<vmem>>, vector<1x10000x32xf32>
    %swap3A_23 = vector.shape_cast %swap3A_22 : vector<1x10000x32xf32> to vector<10000x32xf32>
    %swap3A_24 = vector.shape_cast %slice3A_18 : vector<10000x32xf32> to vector<1x10000x32xf32>
    tpu.vector_store %arg3[%swap3A_19, %swap3A_20, %swap3A_21], %swap3A_24 {strides = array<i32>} : memref<2x10016x32xf32, #tpu.memory_space<vmem>>, vector<1x10000x32xf32>,
    %swap3A_25 = arith.constant 1 : index
    %swap3A_26 = arith.constant 10000 : index
    %swap3A_27 = arith.constant 0 : index
    %swap3A_28 = vector.load %arg3[%swap3A_25, %swap3A_26, %swap3A_27] : memref<2x10016x32xf32, #tpu.memory_space<vmem>>, vector<1x16x32xf32>
    %swap3A_29 = vector.shape_cast %swap3A_28 : vector<1x16x32xf32> to vector<16x32xf32>
    %swap3A_30 = vector.shape_cast %broadcast_in_dim3A_6 : vector<16x32xf32> to vector<1x16x32xf32>
    tpu.vector_store %arg3[%swap3A_25, %swap3A_26, %swap3A_27], %swap3A_30 {strides = array<i32>} : memref<2x10016x32xf32, #tpu.memory_space<vmem>>, vector<1x16x32xf32>,
    %get3A_31 = arith.constant 0 : index
    %get3A_32 = arith.constant 0 : index
    %get3A_33 = vector.load %arg2[%get3A_31, %get3A_32] : memref<128x64xf32, #tpu.memory_space<vmem>>, vector<128x64xf32>
    %dot_general3A_34 = arith.constant dense<0.000000e+00> : vector<10000x64xf32>
    %dot_general3A_35 = tpu.matmul %get3A_1, %get3A_33, %dot_general3A_34 {dimension_numbers = #tpu.dot_dimension_numbers<[1], [0], [0], [1], [0, 0, 1, 1], [], []>, transpose_lhs_hint = false} : vector<10000x128xf32>, vector<128x64xf32>, vector<10000x64xf32> -> vector<10000x64xf32>
    %swap3A_36 = arith.constant 0 : index
    %swap3A_37 = arith.constant 0 : index
    %swap3A_38 = vector.load %arg4[%swap3A_36, %swap3A_37] : memref<10000x64xf32, #tpu.memory_space<vmem>>, vector<10000x64xf32>
    tpu.vector_store %arg4[%swap3A_36, %swap3A_37], %dot_general3A_35 {strides = array<i32>} : memref<10000x64xf32, #tpu.memory_space<vmem>>, vector<10000x64xf32>,
    return
  }
}

module attributes {stable_mosaic.version = 14 : i64} {
  func.func @body(%arg0: memref<2x10016x32xf32, #tpu.memory_space<vmem>>, %arg1: memref<2x10016x16xf32, #tpu.memory_space<vmem>>, %arg2: memref<10000x64xf32, #tpu.memory_space<vmem>>, %arg3: memref<1x64xf32, #tpu.memory_space<vmem>>, %arg4: memref<1x64xf32, #tpu.memory_space<vmem>>, %arg5: memref<1x64xf32, #tpu.memory_space<vmem>>, %arg6: memref<64x64xf32, #tpu.memory_space<vmem>>, %arg7: memref<64x64xf32, #tpu.memory_space<vmem>>, %arg8: memref<2x10016x32xf32, #tpu.memory_space<vmem>>, %arg9: memref<10000x64xf32, #tpu.memory_space<vmem>>) attributes {dimension_semantics = [], scalar_prefetch = 0 : i64, scratch_operands = 0 : i64, tpu.core_type = #tpu.core_type<tc>} {
    %get3A = arith.constant 0 : index
    %get3A_0 = arith.constant 0 : index
    %get3A_1 = arith.constant 0 : index
    %get3A_2 = vector.load %arg0[%get3A, %get3A_0, %get3A_1] : memref<2x10016x32xf32, #tpu.memory_space<vmem>>, vector<1x10000x32xf32>
    %get3A_3 = vector.shape_cast %get3A_2 : vector<1x10000x32xf32> to vector<10000x32xf32>
    %get3A_4 = arith.constant 1 : index
    %get3A_5 = arith.constant 0 : index
    %get3A_6 = arith.constant 0 : index
    %get3A_7 = vector.load %arg0[%get3A_4, %get3A_5, %get3A_6] : memref<2x10016x32xf32, #tpu.memory_space<vmem>>, vector<1x10000x32xf32>
    %get3A_8 = vector.shape_cast %get3A_7 : vector<1x10000x32xf32> to vector<10000x32xf32>
    %concatenate3A = tpu.concatenate %get3A_3, %get3A_8 in 1 : vector<10000x32xf32>, vector<10000x32xf32> -> vector<10000x64xf32>
    %get3A_9 = arith.constant 0 : index
    %get3A_10 = arith.constant 0 : index
    %get3A_11 = arith.constant 0 : index
    %get3A_12 = vector.load %arg1[%get3A_9, %get3A_10, %get3A_11] : memref<2x10016x16xf32, #tpu.memory_space<vmem>>, vector<1x10000x1xf32>
    %get3A_13 = vector.shape_cast %get3A_12 : vector<1x10000x1xf32> to vector<10000x1xf32>
    %get3A_14 = arith.constant 1 : index
    %get3A_15 = arith.constant 0 : index
    %get3A_16 = arith.constant 0 : index
    %get3A_17 = vector.load %arg1[%get3A_14, %get3A_15, %get3A_16] : memref<2x10016x16xf32, #tpu.memory_space<vmem>>, vector<1x10000x1xf32>
    %get3A_18 = vector.shape_cast %get3A_17 : vector<1x10000x1xf32> to vector<10000x1xf32>
    %add3A = arith.addf %get3A_13, %get3A_18 : vector<10000x1xf32>
    %max3A = arith.constant 1.000000e+00 : f32
    %max3A_19 = vector.broadcast %max3A : f32 to vector<10000x1xf32>
    %max3A_20 = arith.maximumf %add3A, %max3A_19 : vector<10000x1xf32>
    %div3A = vector.broadcast %max3A_20 : vector<10000x1xf32> to vector<10000x64xf32>
    %div3A_21 = arith.divf %concatenate3A, %div3A : vector<10000x64xf32>
    %get3A_22 = arith.constant 0 : index
    %get3A_23 = arith.constant 0 : index
    %get3A_24 = vector.load %arg3[%get3A_22, %get3A_23] : memref<1x64xf32, #tpu.memory_space<vmem>>, vector<1x64xf32>
    %add3A_25 = vector.broadcast %get3A_24 : vector<1x64xf32> to vector<10000x64xf32>
    %add3A_26 = arith.addf %div3A_21, %add3A_25 : vector<10000x64xf32>
    %get3A_27 = arith.constant 0 : index
    %get3A_28 = arith.constant 0 : index
    %get3A_29 = vector.load %arg2[%get3A_27, %get3A_28] : memref<10000x64xf32, #tpu.memory_space<vmem>>, vector<10000x64xf32>
    %add3A_30 = arith.addf %add3A_26, %get3A_29 : vector<10000x64xf32>
    %reduce_sum3A = arith.constant dense<0.000000e+00> : vector<10000xf32>
    %reduce_sum3A_31 = vector.multi_reduction <add>, %add3A_30, %reduce_sum3A [1] : vector<10000x64xf32> to vector<10000xf32>
    %broadcast_in_dim3A = vector.shape_cast %reduce_sum3A_31 : vector<10000xf32> to vector<10000x1xf32>
    %div3A_32 = arith.constant 6.400000e+01 : f32
    %div3A_33 = vector.broadcast %div3A_32 : f32 to vector<10000x1xf32>
    %div3A_34 = arith.divf %broadcast_in_dim3A, %div3A_33 : vector<10000x1xf32>
    %sub3A = vector.broadcast %div3A_34 : vector<10000x1xf32> to vector<10000x64xf32>
    %sub3A_35 = arith.subf %add3A_30, %sub3A : vector<10000x64xf32>
    %integer_pow3A = arith.mulf %sub3A_35, %sub3A_35 : vector<10000x64xf32>
    %reduce_sum3A_36 = arith.constant dense<0.000000e+00> : vector<10000xf32>
    %reduce_sum3A_37 = vector.multi_reduction <add>, %integer_pow3A, %reduce_sum3A_36 [1] : vector<10000x64xf32> to vector<10000xf32>
    %broadcast_in_dim3A_38 = vector.shape_cast %reduce_sum3A_37 : vector<10000xf32> to vector<10000x1xf32>
    %div3A_39 = arith.constant 6.400000e+01 : f32
    %div3A_40 = vector.broadcast %div3A_39 : f32 to vector<10000x1xf32>
    %div3A_41 = arith.divf %broadcast_in_dim3A_38, %div3A_40 : vector<10000x1xf32>
    %sub3A_42 = vector.broadcast %div3A_34 : vector<10000x1xf32> to vector<10000x64xf32>
    %sub3A_43 = arith.subf %add3A_30, %sub3A_42 : vector<10000x64xf32>
    %add3A_44 = arith.constant 9.99999974E-6 : f32
    %add3A_45 = vector.broadcast %add3A_44 : f32 to vector<10000x1xf32>
    %add3A_46 = arith.addf %div3A_41, %add3A_45 : vector<10000x1xf32>
    %sqrt3A = math.sqrt %add3A_46 : vector<10000x1xf32>
    %div3A_47 = vector.broadcast %sqrt3A : vector<10000x1xf32> to vector<10000x64xf32>
    %div3A_48 = arith.divf %sub3A_43, %div3A_47 : vector<10000x64xf32>
    %get3A_49 = arith.constant 0 : index
    %get3A_50 = arith.constant 0 : index
    %get3A_51 = vector.load %arg4[%get3A_49, %get3A_50] : memref<1x64xf32, #tpu.memory_space<vmem>>, vector<1x64xf32>
    %mul3A = vector.broadcast %get3A_51 : vector<1x64xf32> to vector<10000x64xf32>
    %mul3A_52 = arith.mulf %div3A_48, %mul3A : vector<10000x64xf32>
    %get3A_53 = arith.constant 0 : index
    %get3A_54 = arith.constant 0 : index
    %get3A_55 = vector.load %arg5[%get3A_53, %get3A_54] : memref<1x64xf32, #tpu.memory_space<vmem>>, vector<1x64xf32>
    %add3A_56 = vector.broadcast %get3A_55 : vector<1x64xf32> to vector<10000x64xf32>
    %add3A_57 = arith.addf %mul3A_52, %add3A_56 : vector<10000x64xf32>
    %logistic3A = arith.negf %add3A_57 : vector<10000x64xf32>
    %logistic3A_58 = math.exp %logistic3A : vector<10000x64xf32>
    %logistic3A_59 = arith.constant 1.000000e+00 : f32
    %logistic3A_60 = vector.broadcast %logistic3A_59 : f32 to vector<10000x64xf32>
    %logistic3A_61 = arith.addf %logistic3A_60, %logistic3A_58 : vector<10000x64xf32>
    %logistic3A_62 = arith.divf %logistic3A_60, %logistic3A_61 : vector<10000x64xf32>
    %mul3A_63 = arith.mulf %add3A_57, %logistic3A_62 : vector<10000x64xf32>
    %get3A_64 = arith.constant 0 : index
    %get3A_65 = arith.constant 0 : index
    %get3A_66 = vector.load %arg6[%get3A_64, %get3A_65] : memref<64x64xf32, #tpu.memory_space<vmem>>, vector<64x64xf32>
    %dot_general3A = arith.constant dense<0.000000e+00> : vector<10000x64xf32>
    %dot_general3A_67 = tpu.matmul %mul3A_63, %get3A_66, %dot_general3A {dimension_numbers = #tpu.dot_dimension_numbers<[1], [0], [0], [1], [0, 0, 1, 1], [], []>, transpose_lhs_hint = false} : vector<10000x64xf32>, vector<64x64xf32>, vector<10000x64xf32> -> vector<10000x64xf32>
    %broadcast_in_dim3A_68 = arith.constant 0.000000e+00 : f32
    %broadcast_in_dim3A_69 = vector.broadcast %broadcast_in_dim3A_68 : f32 to vector<16x32xf32>
    %slice3A = vector.extract_strided_slice %dot_general3A_67 {offsets = [0, 0], sizes = [10000, 32], strides = [1, 1]} : vector<10000x64xf32> to vector<10000x32xf32>
    %swap3A = arith.constant 0 : index
    %swap3A_70 = arith.constant 0 : index
    %swap3A_71 = arith.constant 0 : index
    %swap3A_72 = vector.load %arg8[%swap3A, %swap3A_70, %swap3A_71] : memref<2x10016x32xf32, #tpu.memory_space<vmem>>, vector<1x10000x32xf32>
    %swap3A_73 = vector.shape_cast %swap3A_72 : vector<1x10000x32xf32> to vector<10000x32xf32>
    %swap3A_74 = vector.shape_cast %slice3A : vector<10000x32xf32> to vector<1x10000x32xf32>
    tpu.vector_store %arg8[%swap3A, %swap3A_70, %swap3A_71], %swap3A_74 {strides = array<i32>} : memref<2x10016x32xf32, #tpu.memory_space<vmem>>, vector<1x10000x32xf32>,
    %swap3A_75 = arith.constant 0 : index
    %swap3A_76 = arith.constant 10000 : index
    %swap3A_77 = arith.constant 0 : index
    %swap3A_78 = vector.load %arg8[%swap3A_75, %swap3A_76, %swap3A_77] : memref<2x10016x32xf32, #tpu.memory_space<vmem>>, vector<1x16x32xf32>
    %swap3A_79 = vector.shape_cast %swap3A_78 : vector<1x16x32xf32> to vector<16x32xf32>
    %swap3A_80 = vector.shape_cast %broadcast_in_dim3A_69 : vector<16x32xf32> to vector<1x16x32xf32>
    tpu.vector_store %arg8[%swap3A_75, %swap3A_76, %swap3A_77], %swap3A_80 {strides = array<i32>} : memref<2x10016x32xf32, #tpu.memory_space<vmem>>, vector<1x16x32xf32>,
    %slice3A_81 = vector.extract_strided_slice %dot_general3A_67 {offsets = [0, 32], sizes = [10000, 32], strides = [1, 1]} : vector<10000x64xf32> to vector<10000x32xf32>
    %swap3A_82 = arith.constant 1 : index
    %swap3A_83 = arith.constant 0 : index
    %swap3A_84 = arith.constant 0 : index
    %swap3A_85 = vector.load %arg8[%swap3A_82, %swap3A_83, %swap3A_84] : memref<2x10016x32xf32, #tpu.memory_space<vmem>>, vector<1x10000x32xf32>
    %swap3A_86 = vector.shape_cast %swap3A_85 : vector<1x10000x32xf32> to vector<10000x32xf32>
    %swap3A_87 = vector.shape_cast %slice3A_81 : vector<10000x32xf32> to vector<1x10000x32xf32>
    tpu.vector_store %arg8[%swap3A_82, %swap3A_83, %swap3A_84], %swap3A_87 {strides = array<i32>} : memref<2x10016x32xf32, #tpu.memory_space<vmem>>, vector<1x10000x32xf32>,
    %swap3A_88 = arith.constant 1 : index
    %swap3A_89 = arith.constant 10000 : index
    %swap3A_90 = arith.constant 0 : index
    %swap3A_91 = vector.load %arg8[%swap3A_88, %swap3A_89, %swap3A_90] : memref<2x10016x32xf32, #tpu.memory_space<vmem>>, vector<1x16x32xf32>
    %swap3A_92 = vector.shape_cast %swap3A_91 : vector<1x16x32xf32> to vector<16x32xf32>
    %swap3A_93 = vector.shape_cast %broadcast_in_dim3A_69 : vector<16x32xf32> to vector<1x16x32xf32>
    tpu.vector_store %arg8[%swap3A_88, %swap3A_89, %swap3A_90], %swap3A_93 {strides = array<i32>} : memref<2x10016x32xf32, #tpu.memory_space<vmem>>, vector<1x16x32xf32>,
    %get3A_94 = arith.constant 0 : index
    %get3A_95 = arith.constant 0 : index
    %get3A_96 = vector.load %arg7[%get3A_94, %get3A_95] : memref<64x64xf32, #tpu.memory_space<vmem>>, vector<64x64xf32>
    %dot_general3A_97 = arith.constant dense<0.000000e+00> : vector<10000x64xf32>
    %dot_general3A_98 = tpu.matmul %mul3A_63, %get3A_96, %dot_general3A_97 {dimension_numbers = #tpu.dot_dimension_numbers<[1], [0], [0], [1], [0, 0, 1, 1], [], []>, transpose_lhs_hint = false} : vector<10000x64xf32>, vector<64x64xf32>, vector<10000x64xf32> -> vector<10000x64xf32>
    %swap3A_99 = arith.constant 0 : index
    %swap3A_100 = arith.constant 0 : index
    %swap3A_101 = vector.load %arg9[%swap3A_99, %swap3A_100] : memref<10000x64xf32, #tpu.memory_space<vmem>>, vector<10000x64xf32>
    tpu.vector_store %arg9[%swap3A_99, %swap3A_100], %dot_general3A_98 {strides = array<i32>} : memref<10000x64xf32, #tpu.memory_space<vmem>>, vector<10000x64xf32>,
    return
  }
}

module attributes {stable_mosaic.version = 14 : i64} {
  func.func @body(%arg0: memref<2x10016x32xf32, #tpu.memory_space<vmem>>, %arg1: memref<2x10016x16xf32, #tpu.memory_space<vmem>>, %arg2: memref<10000x64xf32, #tpu.memory_space<vmem>>, %arg3: memref<1x64xf32, #tpu.memory_space<vmem>>, %arg4: memref<1x64xf32, #tpu.memory_space<vmem>>, %arg5: memref<1x64xf32, #tpu.memory_space<vmem>>, %arg6: memref<64x128xf32, #tpu.memory_space<vmem>>, %arg7: memref<1x128xf32, #tpu.memory_space<vmem>>, %arg8: memref<128x1xf32, #tpu.memory_space<vmem>>, %arg9: memref<1x1xf32, #tpu.memory_space<vmem>>, %arg10: memref<10000x1xf32, #tpu.memory_space<vmem>>) attributes {dimension_semantics = [], scalar_prefetch = 0 : i64, scratch_operands = 0 : i64, tpu.core_type = #tpu.core_type<tc>} {
    %get3A = arith.constant 0 : index
    %get3A_0 = arith.constant 0 : index
    %get3A_1 = arith.constant 0 : index
    %get3A_2 = vector.load %arg0[%get3A, %get3A_0, %get3A_1] : memref<2x10016x32xf32, #tpu.memory_space<vmem>>, vector<1x10000x32xf32>
    %get3A_3 = vector.shape_cast %get3A_2 : vector<1x10000x32xf32> to vector<10000x32xf32>
    %get3A_4 = arith.constant 1 : index
    %get3A_5 = arith.constant 0 : index
    %get3A_6 = arith.constant 0 : index
    %get3A_7 = vector.load %arg0[%get3A_4, %get3A_5, %get3A_6] : memref<2x10016x32xf32, #tpu.memory_space<vmem>>, vector<1x10000x32xf32>
    %get3A_8 = vector.shape_cast %get3A_7 : vector<1x10000x32xf32> to vector<10000x32xf32>
    %concatenate3A = tpu.concatenate %get3A_3, %get3A_8 in 1 : vector<10000x32xf32>, vector<10000x32xf32> -> vector<10000x64xf32>
    %get3A_9 = arith.constant 0 : index
    %get3A_10 = arith.constant 0 : index
    %get3A_11 = arith.constant 0 : index
    %get3A_12 = vector.load %arg1[%get3A_9, %get3A_10, %get3A_11] : memref<2x10016x16xf32, #tpu.memory_space<vmem>>, vector<1x10000x1xf32>
    %get3A_13 = vector.shape_cast %get3A_12 : vector<1x10000x1xf32> to vector<10000x1xf32>
    %get3A_14 = arith.constant 1 : index
    %get3A_15 = arith.constant 0 : index
    %get3A_16 = arith.constant 0 : index
    %get3A_17 = vector.load %arg1[%get3A_14, %get3A_15, %get3A_16] : memref<2x10016x16xf32, #tpu.memory_space<vmem>>, vector<1x10000x1xf32>
    %get3A_18 = vector.shape_cast %get3A_17 : vector<1x10000x1xf32> to vector<10000x1xf32>
    %add3A = arith.addf %get3A_13, %get3A_18 : vector<10000x1xf32>
    %max3A = arith.constant 1.000000e+00 : f32
    %max3A_19 = vector.broadcast %max3A : f32 to vector<10000x1xf32>
    %max3A_20 = arith.maximumf %add3A, %max3A_19 : vector<10000x1xf32>
    %div3A = vector.broadcast %max3A_20 : vector<10000x1xf32> to vector<10000x64xf32>
    %div3A_21 = arith.divf %concatenate3A, %div3A : vector<10000x64xf32>
    %get3A_22 = arith.constant 0 : index
    %get3A_23 = arith.constant 0 : index
    %get3A_24 = vector.load %arg3[%get3A_22, %get3A_23] : memref<1x64xf32, #tpu.memory_space<vmem>>, vector<1x64xf32>
    %add3A_25 = vector.broadcast %get3A_24 : vector<1x64xf32> to vector<10000x64xf32>
    %add3A_26 = arith.addf %div3A_21, %add3A_25 : vector<10000x64xf32>
    %get3A_27 = arith.constant 0 : index
    %get3A_28 = arith.constant 0 : index
    %get3A_29 = vector.load %arg2[%get3A_27, %get3A_28] : memref<10000x64xf32, #tpu.memory_space<vmem>>, vector<10000x64xf32>
    %add3A_30 = arith.addf %add3A_26, %get3A_29 : vector<10000x64xf32>
    %reduce_sum3A = arith.constant dense<0.000000e+00> : vector<10000xf32>
    %reduce_sum3A_31 = vector.multi_reduction <add>, %add3A_30, %reduce_sum3A [1] : vector<10000x64xf32> to vector<10000xf32>
    %broadcast_in_dim3A = vector.shape_cast %reduce_sum3A_31 : vector<10000xf32> to vector<10000x1xf32>
    %div3A_32 = arith.constant 6.400000e+01 : f32
    %div3A_33 = vector.broadcast %div3A_32 : f32 to vector<10000x1xf32>
    %div3A_34 = arith.divf %broadcast_in_dim3A, %div3A_33 : vector<10000x1xf32>
    %sub3A = vector.broadcast %div3A_34 : vector<10000x1xf32> to vector<10000x64xf32>
    %sub3A_35 = arith.subf %add3A_30, %sub3A : vector<10000x64xf32>
    %integer_pow3A = arith.mulf %sub3A_35, %sub3A_35 : vector<10000x64xf32>
    %reduce_sum3A_36 = arith.constant dense<0.000000e+00> : vector<10000xf32>
    %reduce_sum3A_37 = vector.multi_reduction <add>, %integer_pow3A, %reduce_sum3A_36 [1] : vector<10000x64xf32> to vector<10000xf32>
    %broadcast_in_dim3A_38 = vector.shape_cast %reduce_sum3A_37 : vector<10000xf32> to vector<10000x1xf32>
    %div3A_39 = arith.constant 6.400000e+01 : f32
    %div3A_40 = vector.broadcast %div3A_39 : f32 to vector<10000x1xf32>
    %div3A_41 = arith.divf %broadcast_in_dim3A_38, %div3A_40 : vector<10000x1xf32>
    %sub3A_42 = vector.broadcast %div3A_34 : vector<10000x1xf32> to vector<10000x64xf32>
    %sub3A_43 = arith.subf %add3A_30, %sub3A_42 : vector<10000x64xf32>
    %add3A_44 = arith.constant 9.99999974E-6 : f32
    %add3A_45 = vector.broadcast %add3A_44 : f32 to vector<10000x1xf32>
    %add3A_46 = arith.addf %div3A_41, %add3A_45 : vector<10000x1xf32>
    %sqrt3A = math.sqrt %add3A_46 : vector<10000x1xf32>
    %div3A_47 = vector.broadcast %sqrt3A : vector<10000x1xf32> to vector<10000x64xf32>
    %div3A_48 = arith.divf %sub3A_43, %div3A_47 : vector<10000x64xf32>
    %get3A_49 = arith.constant 0 : index
    %get3A_50 = arith.constant 0 : index
    %get3A_51 = vector.load %arg4[%get3A_49, %get3A_50] : memref<1x64xf32, #tpu.memory_space<vmem>>, vector<1x64xf32>
    %mul3A = vector.broadcast %get3A_51 : vector<1x64xf32> to vector<10000x64xf32>
    %mul3A_52 = arith.mulf %div3A_48, %mul3A : vector<10000x64xf32>
    %get3A_53 = arith.constant 0 : index
    %get3A_54 = arith.constant 0 : index
    %get3A_55 = vector.load %arg5[%get3A_53, %get3A_54] : memref<1x64xf32, #tpu.memory_space<vmem>>, vector<1x64xf32>
    %add3A_56 = vector.broadcast %get3A_55 : vector<1x64xf32> to vector<10000x64xf32>
    %add3A_57 = arith.addf %mul3A_52, %add3A_56 : vector<10000x64xf32>
    %logistic3A = arith.negf %add3A_57 : vector<10000x64xf32>
    %logistic3A_58 = math.exp %logistic3A : vector<10000x64xf32>
    %logistic3A_59 = arith.constant 1.000000e+00 : f32
    %logistic3A_60 = vector.broadcast %logistic3A_59 : f32 to vector<10000x64xf32>
    %logistic3A_61 = arith.addf %logistic3A_60, %logistic3A_58 : vector<10000x64xf32>
    %logistic3A_62 = arith.divf %logistic3A_60, %logistic3A_61 : vector<10000x64xf32>
    %mul3A_63 = arith.mulf %add3A_57, %logistic3A_62 : vector<10000x64xf32>
    %get3A_64 = arith.constant 0 : index
    %get3A_65 = arith.constant 0 : index
    %get3A_66 = vector.load %arg6[%get3A_64, %get3A_65] : memref<64x128xf32, #tpu.memory_space<vmem>>, vector<64x128xf32>
    %dot_general3A = arith.constant dense<0.000000e+00> : vector<10000x128xf32>
    %dot_general3A_67 = tpu.matmul %mul3A_63, %get3A_66, %dot_general3A {dimension_numbers = #tpu.dot_dimension_numbers<[1], [0], [0], [1], [0, 0, 1, 1], [], []>, transpose_lhs_hint = false} : vector<10000x64xf32>, vector<64x128xf32>, vector<10000x128xf32> -> vector<10000x128xf32>
    %get3A_68 = arith.constant 0 : index
    %get3A_69 = arith.constant 0 : index
    %get3A_70 = vector.load %arg7[%get3A_68, %get3A_69] : memref<1x128xf32, #tpu.memory_space<vmem>>, vector<1x128xf32>
    %add3A_71 = vector.broadcast %get3A_70 : vector<1x128xf32> to vector<10000x128xf32>
    %add3A_72 = arith.addf %dot_general3A_67, %add3A_71 : vector<10000x128xf32>
    %max3A_73 = arith.constant 0.000000e+00 : f32
    %max3A_74 = vector.broadcast %max3A_73 : f32 to vector<10000x128xf32>
    %max3A_75 = arith.maximumf %add3A_72, %max3A_74 : vector<10000x128xf32>
    %get3A_76 = arith.constant 0 : index
    %get3A_77 = arith.constant 0 : index
    %get3A_78 = vector.load %arg8[%get3A_76, %get3A_77] : memref<128x1xf32, #tpu.memory_space<vmem>>, vector<128x1xf32>
    %dot_general3A_79 = arith.constant dense<0.000000e+00> : vector<10000x1xf32>
    %dot_general3A_80 = tpu.matmul %max3A_75, %get3A_78, %dot_general3A_79 {dimension_numbers = #tpu.dot_dimension_numbers<[1], [0], [0], [1], [0, 0, 1, 1], [], []>, transpose_lhs_hint = false} : vector<10000x128xf32>, vector<128x1xf32>, vector<10000x1xf32> -> vector<10000x1xf32>
    %get3A_81 = arith.constant 0 : index
    %get3A_82 = arith.constant 0 : index
    %get3A_83 = vector.load %arg9[%get3A_81, %get3A_82] : memref<1x1xf32, #tpu.memory_space<vmem>>, vector<1x1xf32>
    %add3A_84 = vector.broadcast %get3A_83 : vector<1x1xf32> to vector<10000x1xf32>
    %add3A_85 = arith.addf %dot_general3A_80, %add3A_84 : vector<10000x1xf32>
    %swap3A = arith.constant 0 : index
    %swap3A_86 = arith.constant 0 : index
    %swap3A_87 = vector.load %arg10[%swap3A, %swap3A_86] : memref<10000x1xf32, #tpu.memory_space<vmem>>, vector<10000x1xf32>
    tpu.vector_store %arg10[%swap3A, %swap3A_86], %add3A_85 {strides = array<i32>} : memref<10000x1xf32, #tpu.memory_space<vmem>>, vector<10000x1xf32>,
    return
  }
}

</mosaic_0001>

<sc_bundles>
// kernel: kernel.10.cloned.1.call-start
scs
__scs_entry_jumppad:
0x0: {  	(pc) =	sbr.rel $0x88, $3  }
0x1: {  	(tag) =	ssettag $0x0;
	lr =	simm.s32 $0x1  }
0x2: {  	[smem:$0x3F91] =	sst lr;
	_ =	strace $0xD0000000  }
0x3: {  	_ = 	snop  }
0x4: {  	_ = 	snop  }
0x5: {  	_ = 	snop  }
0x6: {  	_ = 	snop  }
0x7: {  	_ = 	snop  }
__scs_overlays_trampoline_lowered:
0x8: {  	[smem:$0x3FA0] =	sst s0  }
0x9: {  	[smem:$0x3FA1] =	sst s1  }
0xa: {  	[smem:$0x3FA2] =	sst s2  }
0xb: {  	[smem:$0x3FA3] =	sst s3  }
0xc: {  	[smem:$0x3FA4] =	sst s4  }
0xd: {  	[smem:$0x3FA5] =	sst s5  }
0xe: {  	[smem:$0x3FA6] =	sst s6  }
0xf: {  	[smem:$0x3FA7] =	sst s7  }
0x10: {  	[smem:$0x3FA8] =	sst s8  }
0x11: {  	[smem:$0x3FA9] =	sst s9;
	s0 =	simm.s32 @!p0 $0x0  }
0x12: {  	s1 =	sld [smem:$0x3F8F];
	s0 =	simm.s32 @p0 $0x1  }
0x13: {  	[smem:$0x3FAA] =	sst s0;
	s0 =	simm.s32 @!p1 $0x0  }
0x14: {  	s2 =	sld [smem:$0x3F8E];
	s0 =	simm.s32 @p1 $0x1  }
0x15: {  	[smem:$0x3FAB] =	sst s0;
	s0 =	simm.s32 @!p2 $0x0  }
0x16: {  	s3 =	sld [smem:$0x3FDB];
	s0 =	simm.s32 @p2 $0x1  }
0x17: {  	s4 =	simm.s32 $0x1BF5;
	[smem:$0x3FAD] =	sst s0  }
0x18: {  	s0 =	sld [smem:$0x3F90];
	_ =	swait.ge [sflag:s4], $0x0  }
0x19: {  	s7 =	sld [smem:$0x3F91]  }
0x1a: {  	s8 =	sadd.s32 $0xFFFFE003, lr  }
0x1b: {  	s9 =	sadd.s32 $0xFFFFFEF7, lr;
	s5 =	simm.s32 $0xFFFFFFFF;
	p2 =	slt.u32 s8, $0xFFFFF086  }
0x1c: {  	p1 =	slt.u32 s9, $0xF7A;
	s5 =	simm.s32 @!p2 $0x0  }
0x1d: {  	s5 =	simm.s32 @p1 $0x1;
	p0 =	seq.s32 s7, s2  }
0x1e: {  	s7 =	smul.u32 @!p0 $0xF7A, s2;
	p2 =	seq.s32 @!p0 s5, $0x0  }
0x1f: {  	s9 =	smul.u32 $0xF7A, s1;
	s8 =	simm.s32 @!p0 $0x1BF5;
	p2 =	por !p2, p0  }
0x20: {  	[sflag:s8] =	ssyncset.s32 @!p0 $0xFFFFF086;
	s6 =	sadd.s32 @!p0 s3, s7;
	s7 =	simm.s32 @!p0 $0x108  }
0x21: {  	s3 =	sadd.s32 s3, s9;
	s6 =	sadd.s32 @!p0 $0x88, s6;
	s7 =	simm.s32 @p2 $0x1082  }
0x22: {  	[simem:s7], [sflag:s8] =	dma.local @!p0 [hbm:s6], $0xF7A  }
0x23: {  	s9 =	sor.u32 $0xD0000000, s2;
	s6 =	simm.s32 $0x108;
	_ =	swait.ge @!p0 [sflag:s8], $0x0  }
0x24: {  	s3 =	sadd.s32 $0x88, s3;
	s6 =	simm.s32 @!p1 $0x1082;
	[sflag:s4] =	ssyncset.s32 $0xFFFFF086  }
0x25: {  	[simem:s6], [sflag:s4] =	dma.local [hbm:s3], $0xF7A  }
0x26: {  	[smem:$0x3F91] =	sst s1;
	(tag) =	ssettag s2;
	_ =	strace s9  }
0x27: {  	s1 =	sld [smem:$0x3FA1]  }
0x28: {  	s2 =	sld [smem:$0x3FA2]  }
0x29: {  	s4 =	sld [smem:$0x3FA4]  }
0x2a: {  	p0 =	seq.s32 s5, $0x0;
	s5 =	sld [smem:$0x3FA5]  }
0x2b: {  	s6 =	sld [smem:$0x3FA6]  }
0x2c: {  	s7 =	sld [smem:$0x3FA7]  }
0x2d: {  	s3 =	simm.s32 $0x108;
	s8 =	sld [smem:$0x3FA8]  }
0x2e: {  	s3 =	simm.s32 @!p0 $0x1082;
	s9 =	sld [smem:$0x3FA9]  }
0x2f: {  	lr =	sadd.s32 s0, s3;
	s0 =	sld [smem:$0x3FA0]  }
0x30: {  	s3 =	sld [smem:$0x3FA3]  }
0x31: {  	[smem:$0x3FAC] =	sst s10  }
0x32: {  	s10 =	sld [smem:$0x3FAA];
	_ =	sdelay $0x3  }
0x33: {  	p0 =	seq.s32 s10, $0x1;
	s10 =	sld [smem:$0x3FAC];
	_ =	sdelay $0x3  }
0x34: {  	[smem:$0x3FAC] =	sst s10  }
0x35: {  	s10 =	sld [smem:$0x3FAB];
	_ =	sdelay $0x3  }
0x36: {  	p1 =	seq.s32 s10, $0x1;
	s10 =	sld [smem:$0x3FAC];
	_ =	sdelay $0x3  }
0x37: {  	[smem:$0x3FAC] =	sst s10  }
0x38: {  	s10 =	sld [smem:$0x3FAD]  }
0x39: {  	_ = 	snop;
	(pc) =	sbr.ind lr, $3  }
0x3a: {  	_ = 	snop  }
0x3b: {  	_ = 	snop  }
0x3c: {  	p2 =	seq.s32 s10, $0x1;
	s10 =	sld [smem:$0x3FAC]  }
0x3d: {  	_ =	shalt  }
0x3e: {  	_ =	shalt  }
0x3f: {  	_ =	shalt  }
0x40: {  	_ =	shalt  }
0x41: {  	_ =	shalt  }
0x42: {  	_ =	shalt  }
0x43: {  	_ =	shalt  }
0x44: {  	_ =	shalt  }
0x45: {  	_ =	shalt  }
0x46: {  	_ =	shalt  }
0x47: {  	_ =	shalt  }
0x48: {  	_ =	shalt  }
0x49: {  	_ =	shalt  }
0x4a: {  	_ =	shalt  }
0x4b: {  	_ =	shalt  }
0x4c: {  	_ =	shalt  }
0x4d: {  	_ =	shalt  }
0x4e: {  	_ =	shalt  }
0x4f: {  	_ =	shalt  }
0x50: {  	_ =	shalt  }
0x51: {  	_ =	shalt  }
0x52: {  	_ =	shalt  }
0x53: {  	_ =	shalt  }
0x54: {  	_ =	shalt  }
0x55: {  	_ =	shalt  }
0x56: {  	_ =	shalt  }
0x57: {  	_ =	shalt  }
0x58: {  	_ =	shalt  }
0x59: {  	_ =	shalt  }
0x5a: {  	_ =	shalt  }
0x5b: {  	_ =	shalt  }
0x5c: {  	_ =	shalt  }
0x5d: {  	_ =	shalt  }
0x5e: {  	_ =	shalt  }
0x5f: {  	_ =	shalt  }
0x60: {  	_ =	shalt  }
0x61: {  	_ =	shalt  }
0x62: {  	_ =	shalt  }
0x63: {  	_ =	shalt  }
0x64: {  	_ =	shalt  }
0x65: {  	_ =	shalt  }
0x66: {  	_ =	shalt  }
0x67: {  	_ =	shalt  }
0x68: {  	_ =	shalt  }
0x69: {  	_ =	shalt  }
0x6a: {  	_ =	shalt  }
0x6b: {  	_ =	shalt  }
0x6c: {  	_ =	shalt  }
0x6d: {  	_ =	shalt  }
0x6e: {  	_ =	shalt  }
0x6f: {  	_ =	shalt  }
0x70: {  	_ =	shalt  }
0x71: {  	_ =	shalt  }
0x72: {  	_ =	shalt  }
0x73: {  	_ =	shalt  }
0x74: {  	_ =	shalt  }
0x75: {  	_ =	shalt  }
0x76: {  	_ =	shalt  }
0x77: {  	_ =	shalt  }
0x78: {  	_ =	shalt  }
0x79: {  	_ =	shalt  }
0x7a: {  	_ =	shalt  }
0x7b: {  	_ =	shalt  }
0x7c: {  	_ =	shalt  }
0x7d: {  	_ =	shalt  }
0x7e: {  	_ =	shalt  }
0x7f: {  	_ =	shalt  }
0x80: {  	_ =	shalt  }
0x81: {  	_ =	shalt  }
0x82: {  	_ =	shalt  }
0x83: {  	_ =	shalt  }
0x84: {  	_ =	shalt  }
0x85: {  	_ =	shalt  }
0x86: {  	_ =	shalt  }
0x87: {  	_ =	shalt  }
.Lfunc_end0:
.L_simem_size_0:
called_computation.1_lowered:
.L_overlay_start_0:
0x88: {  	s2 =	sld [smem:$0x3FD9]  }
0x89: {  	s3 =	sld [smem:$0x3FFE];
	_ =	sdelay $0x1  }
0x8a: {  	s1 =	srdreg.scid  }
0x8b: {  	s0 =	sand.u32 $0x1, s1  }
0x8c: {  	s17 =	sshll.u32 s0, $0xA;
	s2 =	sadd.s32 s3, s2  }
0x8d: {  	s2 =	sadd.s32 s2, s17  }
0x8e: {  	[smem:$0x3FB8] =	sst s2  }
0x8f: {  	_ = 	snop  }
0x90: {  	s2 =	sld [smem:$0x3FD0];
	(tm) =	ssettm $0x1  }
0x91: {  	s18 =	sld [smem:$0x3FFB];
	_ =	sdelay $0x3  }
0x92: {  	_ =	strace s18  }
0x93: {  	s3 =	sld [smem:$0x3FFC];
	_ =	sdelay $0x3  }
0x94: {  	_ =	strace s3  }
0x95: {  	s3 =	sld [smem:$0x3FFD];
	_ =	sdelay $0x3  }
0x96: {  	_ =	strace s3  }
0x97: {  	_ =	strace $0x8FFFFFFF  }
0x98: {  	s19 =	sld [smem:$0x3FDB];
	_ =	sdelay $0x1  }
0x99: {  	s4 =	simm.s32 $_scs_section_size  }
0x9a: {  	s5 =	simm.s32 $_size__tile_overlayer_lowered;
	s6 =	simm.s32 $_tile_overlayer_lowered  }
0x9b: {  	s22 =	simm.s32 $0x1BFF;
	s21 =	sshll.u32 s6, $0x1;
	s3 =	sadd.s32 s4, s19  }
0x9c: {  	s7 =	simm.s32 $0x0;
	s20 =	sshll.u32 s5, $0x1;
	s5 =	sadd.s32 s21, s3  }
0x9d: {  	[timem:s7], [sflag:s22] =	dma.local [hbm:s5], s20  }
0x9e: {  	_ =	swait.ge [sflag:s22], s20  }
0x9f: {  	s4 =	ssub.s32 $0x0, s20;
	[sflag:s22] =	ssyncset.done $0x0  }
0xa0: {  	[sflag:s22] =	ssyncadd.s32 s4;
	_ =	sdelay $0x1  }
0xa1: {  	s23 =	simm.s32 $0x1B8B  }
0xa2: {  	_ =	swait.ge [sflag:s23], $0x1  }
0xa3: {  	[sflag:s23] =	ssyncset.done $0x0  }
0xa4: {  	s25 =	simm.s32 $0x1B8E;
	s24 =	sld [smem:$0x3FFE];
	[sflag:s23] =	ssyncadd.s32 $0xFFFFFFFF  }
0xa5: {  	s26 =	simm.s32 $execute0_lowered;
	[smem:$0x3FD2] =	sst s25  }
0xa6: {  	s5 =	sshll.u32 s26, $0x1;
	_ =	strace $0x80000049;
	[dreg:$0x1] =	wrdreg $0xFFFFFFFF  }
0xa7: {  	s28 =	simm.s32 $_size_execute0_lowered;
	s3 =	sadd.s32 s3, s5;
	[dreg:$0x0] =	wrdreg $0x0  }
0xa8: {  	s5 =	sshll.u32 s28, $0x1;
	[dreg:$0x2] =	wrdreg s3  }
0xa9: {  	[dreg:$0x3] =	wrdreg s5  }
0xaa: {  	[dreg:$0x4] =	wrdreg $0xC0  }
0xab: {  	_ =	task [dreg:s7], $0x5FFFF  }
0xac: {  	[dreg:$0x1] =	wrdreg $0xFFFFFFFF  }
0xad: {  	[dreg:$0x0] =	wrdreg $0x60  }
0xae: {  	[dreg:$0x2] =	wrdreg s24  }
0xaf: {  	[dreg:$0x3] =	wrdreg s2  }
0xb0: {  	[dreg:$0x4] =	wrdreg $0x12E400  }
0xb1: {  	[dreg:$0x5] =	wrdreg $0xE0000  }
0xb2: {  	[dreg:$0x6] =	wrdreg $0x9  }
0xb3: {  	_ =	task.clear_ibuf [dreg:s7], $0x7FFFF;
	_ =	strace $0x90000049  }
0xb4: {  	s29 =	simm.s32 $0x9;
	_ =	strace $0x8000004B  }
0xb5: {  	_ =	swait.ge [sflag:s29], $0x1  }
0xb6: {  	[sflag:s29] =	ssyncadd.s32 $0xFFFFFFFF  }
0xb7: {  	_ =	strace $0x9000004B  }
0xb8: {  	_ =	sfence  }
0xb9: {  	s30 =	sld [smem:$0x0];
	_ =	sdelay $0x2  }
0xba: {  	s31 =	sshll.u32 s1, $0xD;
	s1 =	sshrl.u32 s1, $0x2  }
0xbb: {  	s3 =	sand.u32 $0x4000, s31;
	s1 =	sadd.s32 s1, s30  }
0xbc: {  	s0 =	sor.u32 s3, s0;
	s1 =	sshll.u32 s1, $0x11  }
0xbd: {  	s0 =	sor.u32 s1, s0  }
0xbe: {  	s0 =	sadd.s32 $0x8F2B, s0  }
0xbf: {  	[sflag:s0] =	ssyncadd.remote.s32 $0x1  }
0xc0: {  	_ =	sfence.sel $0xFFFF  }
0xc1: {  	[dreg:$0x0] =	wrdreg $0xFFFFFFFF;
	(pc) =	sbr.abs _section_cstart, $3  }
0xc2: {  	[dreg:$0x1] =	wrdreg $0xFFFFFFFF  }
0xc3: {  	_ =	task.clear_ibuf [dreg:s7], $0x2FFFF;
	_ =	strace $0x9FFFFFFF  }
0xc4: {  	(tm) =	ssettm $0x7FFFFFFF  }
0xc5: {  	_ =	shalt  }
tec
execute0_lowered:
.L_overlay_start_1:
0x0: {  	(tag) =	ssettag $0x1  }
0x1: {  	s0 =	rddreg [dreg:$0x0]  }
0x2: {  	s1 =	rddreg [dreg:$0x1];
	s16 =	stileid.u32  }
0x3: {  	s2 =	srdreg.scid;
	s3 =	rddreg [dreg:$0x2]  }
0x4: {  	s4 =	rddreg [dreg:$0x3];
	s7 =	simm.s32 $0x0;
	s18 =	simm.s32 $0x100  }
0x5: {  	s19 =	simm.s32 $0xA000;
	s20 =	simm.s32 $0xC000;
	s21 =	simm.s32 $0x1  }
0x6: {  	s22 =	simm.s32 $0x2;
	s23 =	simm.s32 $0x3;
	s24 =	simm.s32 $0x4  }
0x7: {  	s28 =	simm.s32 $0x2800;
	s29 =	simm.s32 $0x2900;
	s30 =	simm.s32 $0x9E00  }
0x8: {  	s31 =	simm.s32 $0x9F00;
	s5 =	smul.u32 $0x5000, s16;
	s2 =	sand.u32 $0x1, s2  }
0x9: {  	s9 =	smul.u32 $0x4E40, s16;
	[smem:$0x7FF] =	sst s7;
	s8 =	sshll.u32 s16, $0x6  }
0xa: {  	s11 =	sadd.s32 $0x1FC00, s0;
	s12 =	sadd.s32 $0x29840, s0;
	p0 =	seq.s32 s16, $0xF  }
0xb: {  	s16 =	simm.s32 $0x5;
	s6 =	smul.u32 $0x4E400, s2;
	_ =	strace $0x8000004A  }
0xc: {  	s2 =	ssub.s32 $0x2, s2;
	s8 =	sor.u32 $0x1C05, s8;
	s5 =	sshrl.u32 s5, $0x3  }
0xd: {  	s26 =	sshrl.u32 s2, $0x1;
	s15 =	sadd.s32 s9, s3;
	s17 =	sadd.s32 s9, s4  }
0xe: {  	s6 =	sadd.s32 s9, s6;
	s5 =	sadd.s32 s5, s0;
	s2 =	ssub.s32 s2, s26  }
0xf: {  	s15 =	sshrl.u32 s15, $0x3;
	s17 =	sshrl.u32 s17, $0x3;
	s26 =	simm.s32 $0x7700  }
0x10: {  	s25 =	sshrl.u32 s6, $0x3;
	s6 =	sadd.s32 $0x2A000, s0;
	s9 =	sadd.s32 $0x16600, s5  }
0x11: {  	s10 =	sadd.s32 $0x20240, s5;
	s14 =	smax.u32 s2, $0x1;
	s13 =	sadd.s32 s25, s0  }
0x12: {  	s2 =	simm.s32 $0x0;
	s7 =	sadd.s32 $0x2C00, s13;
	s13 =	sadd.s32 $0x2B200, s13  }
.LBB2_1:
0x13: {  	[spmem:s15], [sflag:s8] =	dma.local [hbm:s7], $0x9C8  }
0x14: {  	_ =	swait.ge [sflag:s16], $0x9C8  }
0x15: {  	[sflag:s16] =	ssyncset.done $0x0  }
0x16: {  	[sflag:s16] =	ssyncadd.s32 $0xFFFFF638  }
0x17: {  	[spmem:s17], [sflag:s8] =	dma.local [hbm:s6], $0x9C8  }
0x18: {  	_ =	swait.ge [sflag:s16], $0x9C8  }
0x19: {  	[sflag:s16] =	ssyncset.done $0x0  }
0x1a: {  	s0 =	simm.s32 @p0 $0x0;
	s5 =	simm.s32 @p0 $0x5;
	[sflag:s16] =	ssyncadd.s32 $0xFFFFF638  }
0x1b: {  	[tilespmem:s0], [sflag:$0x5] =	stream.linear.gather @p0 [hbm4b:s11+s0], $0x3200, $0x38;
	[tilespmem:$0x17C80] =	vst v63  }
0x1c: {  	_ =	swait.ge @p0 [sflag:s5], $0x3200  }
0x1d: {  	[sflag:s5] =	ssyncset.done @p0 $0x0  }
0x1e: {  	s25 =	simm.s32 @p0 $0x5000;
	[sflag:s5] =	ssyncadd.s32 @p0 $0xFFFFCE00  }
0x1f: {  	[tilespmem:s25], [sflag:$0x5] =	stream.linear.gather @p0 [hbm4b:s12+s0], $0x3200, $0x38;
	[tilespmem:$0x17C80] =	vst v63  }
0x20: {  	_ =	swait.ge @p0 [sflag:s5], $0x3200  }
0x21: {  	[sflag:s5] =	ssyncset.done @p0 $0x0  }
0x22: {  	s25 =	simm.s32 @p0 $0x3200;
	[sflag:s5] =	ssyncadd.s32 @p0 $0xFFFFCE00  }
0x23: {  	[tilespmem:s25], [sflag:$0x5] =	stream.linear.gather @p0 [hbm4b:s1+s0], $0x1E00, $0x38;
	[tilespmem:$0x17C80] =	vst v63  }
0x24: {  	_ =	swait.ge @p0 [sflag:s5], $0x1E00  }
0x25: {  	[sflag:s5] =	ssyncset.done @p0 $0x0  }
0x26: {  	s25 =	simm.s32 @p0 $0x8200;
	[sflag:s5] =	ssyncadd.s32 @p0 $0xFFFFE200  }
0x27: {  	[tilespmem:s25], [sflag:$0x5] =	stream.linear.gather @p0 [hbm4b:s1+s0], $0x1E00, $0x38;
	[tilespmem:$0x17C80] =	vst v63  }
0x28: {  	_ =	swait.ge @p0 [sflag:s5], $0x1E00  }
0x29: {  	[sflag:s5] =	ssyncset.done @p0 $0x0  }
0x2a: {  	s0 =	simm.s32 @!p0 $0x0;
	[sflag:s5] =	ssyncadd.s32 @p0 $0xFFFFE200;
	s5 =	simm.s32 @!p0 $0x5  }
0x2b: {  	[tilespmem:s0], [sflag:$0x5] =	stream.linear.gather @!p0 [hbm4b:s9+s0], $0x5000, $0x38;
	[tilespmem:$0x17C80] =	vst v63  }
0x2c: {  	_ =	swait.ge @!p0 [sflag:s5], $0x5000  }
0x2d: {  	[sflag:s5] =	ssyncset.done @!p0 $0x0  }
0x2e: {  	s25 =	simm.s32 @!p0 $0x5000;
	[sflag:s5] =	ssyncadd.s32 @!p0 $0xFFFFB000  }
0x2f: {  	[tilespmem:s25], [sflag:$0x5] =	stream.linear.gather @!p0 [hbm4b:s10+s0], $0x5000, $0x38;
	[tilespmem:$0x17C80] =	vst v63  }
0x30: {  	_ =	swait.ge @!p0 [sflag:s5], $0x5000  }
0x31: {  	[sflag:s5] =	ssyncset.done @!p0 $0x0  }
0x32: {  	[sflag:s5] =	ssyncadd.s32 @!p0 $0xFFFFB000  }
0x33: {  	s5 =	simm.s32 $0x0;
	[bflag:$0x0] =	sbarrier.arrive $0xFFFF  }
0x34: {  	[tilespmem:s19], [sflag:$0x1] =	stream.indirect.gather [spmem:s3], $0x20, s5, s18, $0xb8;
	[tilespmem:$0x17C80] =	vst v63  }
0x35: {  	_ = 	snop  }
0x36: {  	[tilespmem:s20], [sflag:$0x2] =	stream.indirect.gather [spmem:s3], $0x20, s18, s18, $0xb8;
	[tilespmem:$0x17C80] =	vst v63  }
0x37: {  	_ =	swait.ge [sflag:s21], $0x2000  }
0x38: {  	[sflag:s21] =	ssyncset.done $0x0  }
0x39: {  	s25 =	simm.s32 $0x5000;
	[sflag:s21] =	ssyncadd.s32 $0xFFFFE000  }
0x3a: {  	[spmem:s4] =	stream.indirect.scatter.add.f32 [tilespmem:s19], [sflag:$0x3], $0x20, s25, s18, $0xb8;
	[tilespmem:$0x17C80] =	vst v63  }
0x3b: {  	_ =	swait.ge [sflag:s22], $0x2000  }
0x3c: {  	[sflag:s22] =	ssyncset.done $0x0  }
0x3d: {  	s5 =	simm.s32 $0x5100;
	[sflag:s22] =	ssyncadd.s32 $0xFFFFE000  }
0x3e: {  	[spmem:s4] =	stream.indirect.scatter.add.f32 [tilespmem:s20], [sflag:$0x4], $0x20, s5, s18, $0xb8;
	[tilespmem:$0x17C80] =	vst v63  }
0x3f: {  	_ =	swait.ge [sflag:s23], $0x2000  }
0x40: {  	[sflag:s23] =	ssyncset.done $0x0  }
0x41: {  	s25 =	simm.s32 $0x200;
	[sflag:s23] =	ssyncadd.s32 $0xFFFFE000  }
0x42: {  	[tilespmem:s19], [sflag:$0x1] =	stream.indirect.gather [spmem:s3], $0x20, s25, s18, $0xb8;
	[tilespmem:$0x17C80] =	vst v63  }
0x43: {  	_ =	swait.ge [sflag:s24], $0x2000  }
0x44: {  	[sflag:s24] =	ssyncset.done $0x0  }
0x45: {  	s0 =	simm.s32 $0x800;
	s5 =	simm.s32 $0x300;
	[sflag:s24] =	ssyncadd.s32 $0xFFFFE000  }
.LBB2_2:
0x46: {  	[tilespmem:s20], [sflag:$0x2] =	stream.indirect.gather [spmem:s3], $0x20, s5, s18, $0xb8;
	[tilespmem:$0x17C80] =	vst v63  }
0x47: {  	s5 =	smov.u32 s0  }
0x48: {  	p1 =	sne.s32 s0, $0x9000;
	s0 =	sadd.s32 $0x800, s0;
	_ =	swait.ge [sflag:s21], $0x2000  }
0x49: {  	s5 =	sshra.s32 s5, $0x2;
	[sflag:s21] =	ssyncset.done $0x0  }
0x4a: {  	s25 =	sadd.s32 $0x5000, s5;
	[sflag:s21] =	ssyncadd.s32 $0xFFFFE000  }
0x4b: {  	[spmem:s4] =	stream.indirect.scatter.add.f32 [tilespmem:s19], [sflag:$0x3], $0x20, s25, s18, $0xb8;
	[tilespmem:$0x17C80] =	vst v63  }
0x4c: {  	_ =	swait.ge [sflag:s22], $0x2000  }
0x4d: {  	[sflag:s22] =	ssyncset.done $0x0  }
0x4e: {  	s25 =	sadd.s32 $0x5100, s5;
	[sflag:s22] =	ssyncadd.s32 $0xFFFFE000  }
0x4f: {  	[spmem:s4] =	stream.indirect.scatter.add.f32 [tilespmem:s20], [sflag:$0x4], $0x20, s25, s18, $0xb8;
	[tilespmem:$0x17C80] =	vst v63  }
0x50: {  	_ =	swait.ge [sflag:s23], $0x2000  }
0x51: {  	[sflag:s23] =	ssyncset.done $0x0  }
.Ltmp0:
0x52: {  	s25 =	sadd.s32 $0x200, s5;
	[sflag:s23] =	ssyncadd.s32 $0xFFFFE000;
	(pc) =	sbr.rel @p1 .LBB2_2-.Ltmp0, $4  }
0x53: {  	[tilespmem:s19], [sflag:$0x1] =	stream.indirect.gather [spmem:s3], $0x20, s25, s18, $0xb8;
	[tilespmem:$0x17C80] =	vst v63  }
0x54: {  	_ =	swait.ge [sflag:s24], $0x2000  }
0x55: {  	[sflag:s24] =	ssyncset.done $0x0  }
0x56: {  	s5 =	sadd.s32 $0x300, s5;
	[sflag:s24] =	ssyncadd.s32 $0xFFFFE000  }
0x57: {  	[tilespmem:s20], [sflag:$0x2] =	stream.indirect.gather [spmem:s3], $0x20, s5, s18, $0xb8;
	[tilespmem:$0x17C80] =	vst v63  }
0x58: {  	_ =	swait.ge [sflag:s21], $0x2000  }
0x59: {  	[sflag:s21] =	ssyncset.done $0x0  }
0x5a: {  	s0 =	simm.s32 $0x7600;
	[sflag:s21] =	ssyncadd.s32 $0xFFFFE000  }
0x5b: {  	[spmem:s4] =	stream.indirect.scatter.add.f32 [tilespmem:s19], [sflag:$0x3], $0x20, s0, s18, $0xb8;
	[tilespmem:$0x17C80] =	vst v63  }
0x5c: {  	_ =	swait.ge [sflag:s22], $0x2000  }
0x5d: {  	[sflag:s22] =	ssyncset.done $0x0  }
0x5e: {  	[sflag:s22] =	ssyncadd.s32 $0xFFFFE000  }
0x5f: {  	[spmem:s4] =	stream.indirect.scatter.add.f32 [tilespmem:s20], [sflag:$0x4], $0x20, s26, s18, $0xb8;
	[tilespmem:$0x17C80] =	vst v63  }
0x60: {  	_ =	swait.ge [sflag:s23], $0x2000  }
0x61: {  	[sflag:s23] =	ssyncset.done $0x0  }
0x62: {  	[sflag:s23] =	ssyncadd.s32 $0xFFFFE000  }
0x63: {  	_ =	swait.ge [sflag:s24], $0x2000  }
0x64: {  	[sflag:s24] =	ssyncset.done $0x0  }
0x65: {  	[sflag:s24] =	ssyncadd.s32 $0xFFFFE000  }
0x66: {  	[tilespmem:s19], [sflag:$0x1] =	stream.indirect.gather [spmem:s3], $0x20, s28, s18, $0xb8;
	[tilespmem:$0x17C80] =	vst v63  }
0x67: {  	_ = 	snop  }
0x68: {  	[tilespmem:s20], [sflag:$0x2] =	stream.indirect.gather [spmem:s3], $0x20, s29, s18, $0xb8;
	[tilespmem:$0x17C80] =	vst v63  }
0x69: {  	_ =	swait.ge [sflag:s21], $0x2000  }
0x6a: {  	[sflag:s21] =	ssyncset.done $0x0  }
0x6b: {  	s25 =	simm.s32 $0x7800;
	[sflag:s21] =	ssyncadd.s32 $0xFFFFE000  }
0x6c: {  	[spmem:s4] =	stream.indirect.scatter.add.f32 [tilespmem:s19], [sflag:$0x3], $0x20, s25, s18, $0xb8;
	[tilespmem:$0x17C80] =	vst v63  }
0x6d: {  	_ =	swait.ge [sflag:s22], $0x2000  }
0x6e: {  	[sflag:s22] =	ssyncset.done $0x0  }
0x6f: {  	s5 =	simm.s32 $0x7900;
	[sflag:s22] =	ssyncadd.s32 $0xFFFFE000  }
0x70: {  	[spmem:s4] =	stream.indirect.scatter.add.f32 [tilespmem:s20], [sflag:$0x4], $0x20, s5, s18, $0xb8;
	[tilespmem:$0x17C80] =	vst v63  }
0x71: {  	_ =	swait.ge [sflag:s23], $0x2000  }
0x72: {  	[sflag:s23] =	ssyncset.done $0x0  }
0x73: {  	s25 =	simm.s32 $0x2A00;
	[sflag:s23] =	ssyncadd.s32 $0xFFFFE000  }
0x74: {  	[tilespmem:s19], [sflag:$0x1] =	stream.indirect.gather [spmem:s3], $0x20, s25, s18, $0xb8;
	[tilespmem:$0x17C80] =	vst v63  }
0x75: {  	_ =	swait.ge [sflag:s24], $0x2000  }
0x76: {  	[sflag:s24] =	ssyncset.done $0x0  }
0x77: {  	s0 =	simm.s32 $0xFFFF7000;
	s5 =	simm.s32 $0x2B00;
	[sflag:s24] =	ssyncadd.s32 $0xFFFFE000  }
.LBB2_4:
0x78: {  	[tilespmem:s20], [sflag:$0x2] =	stream.indirect.gather [spmem:s3], $0x20, s5, s18, $0xb8;
	[tilespmem:$0x17C80] =	vst v63  }
0x79: {  	s5 =	smov.u32 s0  }
0x7a: {  	p1 =	sne.s32 s0, $0xFFFFF800;
	s0 =	sadd.s32 $0x800, s0;
	_ =	swait.ge [sflag:s21], $0x2000  }
0x7b: {  	s5 =	sshra.s32 s5, $0x2;
	[sflag:s21] =	ssyncset.done $0x0  }
0x7c: {  	s25 =	sadd.s32 $0x9E00, s5;
	[sflag:s21] =	ssyncadd.s32 $0xFFFFE000  }
0x7d: {  	[spmem:s4] =	stream.indirect.scatter.add.f32 [tilespmem:s19], [sflag:$0x3], $0x20, s25, s18, $0xb8;
	[tilespmem:$0x17C80] =	vst v63  }
0x7e: {  	_ =	swait.ge [sflag:s22], $0x2000  }
0x7f: {  	[sflag:s22] =	ssyncset.done $0x0  }
0x80: {  	s25 =	sadd.s32 $0x9F00, s5;
	[sflag:s22] =	ssyncadd.s32 $0xFFFFE000  }
0x81: {  	[spmem:s4] =	stream.indirect.scatter.add.f32 [tilespmem:s20], [sflag:$0x4], $0x20, s25, s18, $0xb8;
	[tilespmem:$0x17C80] =	vst v63  }
0x82: {  	_ =	swait.ge [sflag:s23], $0x2000  }
0x83: {  	[sflag:s23] =	ssyncset.done $0x0  }
.Ltmp1:
0x84: {  	s25 =	sadd.s32 $0x5000, s5;
	[sflag:s23] =	ssyncadd.s32 $0xFFFFE000;
	(pc) =	sbr.rel @p1 .LBB2_4-.Ltmp1, $4  }
0x85: {  	[tilespmem:s19], [sflag:$0x1] =	stream.indirect.gather [spmem:s3], $0x20, s25, s18, $0xb8;
	[tilespmem:$0x17C80] =	vst v63  }
0x86: {  	_ =	swait.ge [sflag:s24], $0x2000  }
0x87: {  	[sflag:s24] =	ssyncset.done $0x0  }
0x88: {  	s5 =	sadd.s32 $0x5100, s5;
	[sflag:s24] =	ssyncadd.s32 $0xFFFFE000  }
0x89: {  	[tilespmem:s20], [sflag:$0x2] =	stream.indirect.gather [spmem:s3], $0x20, s5, s18, $0xb8;
	[tilespmem:$0x17C80] =	vst v63  }
0x8a: {  	_ =	swait.ge [sflag:s21], $0x2000  }
0x8b: {  	[sflag:s21] =	ssyncset.done $0x0  }
0x8c: {  	[sflag:s21] =	ssyncadd.s32 $0xFFFFE000  }
0x8d: {  	[spmem:s4] =	stream.indirect.scatter.add.f32 [tilespmem:s19], [sflag:$0x3], $0x20, s30, s18, $0xb8;
	[tilespmem:$0x17C80] =	vst v63  }
0x8e: {  	_ =	swait.ge [sflag:s22], $0x2000  }
0x8f: {  	[sflag:s22] =	ssyncset.done $0x0  }
0x90: {  	[sflag:s22] =	ssyncadd.s32 $0xFFFFE000  }
0x91: {  	[spmem:s4] =	stream.indirect.scatter.add.f32 [tilespmem:s20], [sflag:$0x4], $0x20, s31, s18, $0xb8;
	[tilespmem:$0x17C80] =	vst v63  }
0x92: {  	_ =	swait.ge [sflag:s23], $0x2000  }
0x93: {  	[sflag:s23] =	ssyncset.done $0x0  }
0x94: {  	[sflag:s23] =	ssyncadd.s32 $0xFFFFE000  }
0x95: {  	_ =	swait.ge [sflag:s24], $0x2000  }
0x96: {  	s2 =	sadd.s32 $0x1, s2;
	[sflag:s24] =	ssyncset.done $0x0  }
0x97: {  	p1 =	sne.s32 s2, s14;
	[sflag:s24] =	ssyncadd.s32 $0xFFFFE000  }
.Ltmp2:
0x98: {  	[bflag:$0x0] =	sbarrier.arrive $0xFFFF;
	(pc) =	sbr.rel @p1 .LBB2_1-.Ltmp2, $4  }
0x99: {  	[hbm:s13], [sflag:s8] =	dma.local [spmem:s17], $0x9C8  }
0x9a: {  	_ =	swait.ge [sflag:s16], $0x9C8  }
0x9b: {  	[sflag:s16] =	ssyncset.done $0x0  }
0x9c: {  	[sflag:s16] =	ssyncadd.s32 $0xFFFFF638  }
0x9d: {  	_ =	sfence.sel $0x180000  }
0x9e: {  	[bflag:$0x0] =	sbarrier.arrive $0xFFFF  }
0x9f: {  	_ =	strace $0x9000004A  }
0xa0: {  	s0 =	stileid.u32;
	[bflag:$0x2] =	sbarrier.arrive $0xFFFF  }
0xa1: {  	p0 =	sne.s32 s0, $0x0;
	s0 =	rddreg [dreg:$0x4]  }
0xa2: {  	s0 =	sadd.s32 @!p0 $0x100000, s0  }
0xa3: {  	[sflag:s0] =	ssyncadd.tile.s32 @!p0 $0x1;
	_ =	shalt  }
.Lfunc_end2:
_tile_overlayer_lowered:
.L_overlay_start_2:
0xa4: {  	(tag) =	ssettag $0x2  }
0xa5: {  	s0 =	rddreg [dreg:$0x0];
	s2 =	stileid.u32  }
0xa6: {  	s1 =	rddreg [dreg:$0x1];
	p0 =	sne.s32 s2, $0x0  }
0xa7: {  	s3 =	rddreg [dreg:$0x2];
	[bflag:$0x3] =	sbarrier.arrive $0xFFFF;
	s2 =	simm.s32 @!p0 $0x1C05  }
0xa8: {  	[timem:s3], [sflag:s2] =	dma.local @!p0 [hbm:s0], s1  }
0xa9: {  	s0 =	simm.s32 @!p0 $0x5  }
0xaa: {  	_ =	swait.ge @!p0 [sflag:s0], s1  }
0xab: {  	s1 =	ssub.s32 @!p0 $0x0, s1;
	[sflag:s0] =	ssyncset.done @!p0 $0x0  }
0xac: {  	[sflag:s0] =	ssyncadd.s32 @!p0 s1  }
0xad: {  	[bflag:$0x3] =	sbarrier.arrive $0xFFFF  }
0xae: {  	_ =	shalt  }

// kernel: kernel.7.cloned.1.call-start
scs
__scs_entry_jumppad:
0x0: {  	(pc) =	sbr.rel $0x88, $3  }
0x1: {  	(tag) =	ssettag $0x0;
	lr =	simm.s32 $0x1  }
0x2: {  	[smem:$0x3F91] =	sst lr;
	_ =	strace $0xD0000000  }
0x3: {  	_ = 	snop  }
0x4: {  	_ = 	snop  }
0x5: {  	_ = 	snop  }
0x6: {  	_ = 	snop  }
0x7: {  	_ = 	snop  }
__scs_overlays_trampoline_lowered:
0x8: {  	[smem:$0x3FA0] =	sst s0  }
0x9: {  	[smem:$0x3FA1] =	sst s1  }
0xa: {  	[smem:$0x3FA2] =	sst s2  }
0xb: {  	[smem:$0x3FA3] =	sst s3  }
0xc: {  	[smem:$0x3FA4] =	sst s4  }
0xd: {  	[smem:$0x3FA5] =	sst s5  }
0xe: {  	[smem:$0x3FA6] =	sst s6  }
0xf: {  	[smem:$0x3FA7] =	sst s7  }
0x10: {  	[smem:$0x3FA8] =	sst s8  }
0x11: {  	[smem:$0x3FA9] =	sst s9;
	s0 =	simm.s32 @!p0 $0x0  }
0x12: {  	s1 =	sld [smem:$0x3F8F];
	s0 =	simm.s32 @p0 $0x1  }
0x13: {  	[smem:$0x3FAA] =	sst s0;
	s0 =	simm.s32 @!p1 $0x0  }
0x14: {  	s2 =	sld [smem:$0x3F8E];
	s0 =	simm.s32 @p1 $0x1  }
0x15: {  	[smem:$0x3FAB] =	sst s0;
	s0 =	simm.s32 @!p2 $0x0  }
0x16: {  	s3 =	sld [smem:$0x3FDB];
	s0 =	simm.s32 @p2 $0x1  }
0x17: {  	s4 =	simm.s32 $0x1BF5;
	[smem:$0x3FAD] =	sst s0  }
0x18: {  	s0 =	sld [smem:$0x3F90];
	_ =	swait.ge [sflag:s4], $0x0  }
0x19: {  	s7 =	sld [smem:$0x3F91]  }
0x1a: {  	s8 =	sadd.s32 $0xFFFFE003, lr  }
0x1b: {  	s9 =	sadd.s32 $0xFFFFFEF7, lr;
	s5 =	simm.s32 $0xFFFFFFFF;
	p2 =	slt.u32 s8, $0xFFFFF086  }
0x1c: {  	p1 =	slt.u32 s9, $0xF7A;
	s5 =	simm.s32 @!p2 $0x0  }
0x1d: {  	s5 =	simm.s32 @p1 $0x1;
	p0 =	seq.s32 s7, s2  }
0x1e: {  	s7 =	smul.u32 @!p0 $0xF7A, s2;
	p2 =	seq.s32 @!p0 s5, $0x0  }
0x1f: {  	s9 =	smul.u32 $0xF7A, s1;
	s8 =	simm.s32 @!p0 $0x1BF5;
	p2 =	por !p2, p0  }
0x20: {  	[sflag:s8] =	ssyncset.s32 @!p0 $0xFFFFF086;
	s6 =	sadd.s32 @!p0 s3, s7;
	s7 =	simm.s32 @!p0 $0x108  }
0x21: {  	s3 =	sadd.s32 s3, s9;
	s6 =	sadd.s32 @!p0 $0x88, s6;
	s7 =	simm.s32 @p2 $0x1082  }
0x22: {  	[simem:s7], [sflag:s8] =	dma.local @!p0 [hbm:s6], $0xF7A  }
0x23: {  	s9 =	sor.u32 $0xD0000000, s2;
	s6 =	simm.s32 $0x108;
	_ =	swait.ge @!p0 [sflag:s8], $0x0  }
0x24: {  	s3 =	sadd.s32 $0x88, s3;
	s6 =	simm.s32 @!p1 $0x1082;
	[sflag:s4] =	ssyncset.s32 $0xFFFFF086  }
0x25: {  	[simem:s6], [sflag:s4] =	dma.local [hbm:s3], $0xF7A  }
0x26: {  	[smem:$0x3F91] =	sst s1;
	(tag) =	ssettag s2;
	_ =	strace s9  }
0x27: {  	s1 =	sld [smem:$0x3FA1]  }
0x28: {  	s2 =	sld [smem:$0x3FA2]  }
0x29: {  	s4 =	sld [smem:$0x3FA4]  }
0x2a: {  	p0 =	seq.s32 s5, $0x0;
	s5 =	sld [smem:$0x3FA5]  }
0x2b: {  	s6 =	sld [smem:$0x3FA6]  }
0x2c: {  	s7 =	sld [smem:$0x3FA7]  }
0x2d: {  	s3 =	simm.s32 $0x108;
	s8 =	sld [smem:$0x3FA8]  }
0x2e: {  	s3 =	simm.s32 @!p0 $0x1082;
	s9 =	sld [smem:$0x3FA9]  }
0x2f: {  	lr =	sadd.s32 s0, s3;
	s0 =	sld [smem:$0x3FA0]  }
0x30: {  	s3 =	sld [smem:$0x3FA3]  }
0x31: {  	[smem:$0x3FAC] =	sst s10  }
0x32: {  	s10 =	sld [smem:$0x3FAA];
	_ =	sdelay $0x3  }
0x33: {  	p0 =	seq.s32 s10, $0x1;
	s10 =	sld [smem:$0x3FAC];
	_ =	sdelay $0x3  }
0x34: {  	[smem:$0x3FAC] =	sst s10  }
0x35: {  	s10 =	sld [smem:$0x3FAB];
	_ =	sdelay $0x3  }
0x36: {  	p1 =	seq.s32 s10, $0x1;
	s10 =	sld [smem:$0x3FAC];
	_ =	sdelay $0x3  }
0x37: {  	[smem:$0x3FAC] =	sst s10  }
0x38: {  	s10 =	sld [smem:$0x3FAD]  }
0x39: {  	_ = 	snop;
	(pc) =	sbr.ind lr, $3  }
0x3a: {  	_ = 	snop  }
0x3b: {  	_ = 	snop  }
0x3c: {  	p2 =	seq.s32 s10, $0x1;
	s10 =	sld [smem:$0x3FAC]  }
0x3d: {  	_ =	shalt  }
0x3e: {  	_ =	shalt  }
0x3f: {  	_ =	shalt  }
0x40: {  	_ =	shalt  }
0x41: {  	_ =	shalt  }
0x42: {  	_ =	shalt  }
0x43: {  	_ =	shalt  }
0x44: {  	_ =	shalt  }
0x45: {  	_ =	shalt  }
0x46: {  	_ =	shalt  }
0x47: {  	_ =	shalt  }
0x48: {  	_ =	shalt  }
0x49: {  	_ =	shalt  }
0x4a: {  	_ =	shalt  }
0x4b: {  	_ =	shalt  }
0x4c: {  	_ =	shalt  }
0x4d: {  	_ =	shalt  }
0x4e: {  	_ =	shalt  }
0x4f: {  	_ =	shalt  }
0x50: {  	_ =	shalt  }
0x51: {  	_ =	shalt  }
0x52: {  	_ =	shalt  }
0x53: {  	_ =	shalt  }
0x54: {  	_ =	shalt  }
0x55: {  	_ =	shalt  }
0x56: {  	_ =	shalt  }
0x57: {  	_ =	shalt  }
0x58: {  	_ =	shalt  }
0x59: {  	_ =	shalt  }
0x5a: {  	_ =	shalt  }
0x5b: {  	_ =	shalt  }
0x5c: {  	_ =	shalt  }
0x5d: {  	_ =	shalt  }
0x5e: {  	_ =	shalt  }
0x5f: {  	_ =	shalt  }
0x60: {  	_ =	shalt  }
0x61: {  	_ =	shalt  }
0x62: {  	_ =	shalt  }
0x63: {  	_ =	shalt  }
0x64: {  	_ =	shalt  }
0x65: {  	_ =	shalt  }
0x66: {  	_ =	shalt  }
0x67: {  	_ =	shalt  }
0x68: {  	_ =	shalt  }
0x69: {  	_ =	shalt  }
0x6a: {  	_ =	shalt  }
0x6b: {  	_ =	shalt  }
0x6c: {  	_ =	shalt  }
0x6d: {  	_ =	shalt  }
0x6e: {  	_ =	shalt  }
0x6f: {  	_ =	shalt  }
0x70: {  	_ =	shalt  }
0x71: {  	_ =	shalt  }
0x72: {  	_ =	shalt  }
0x73: {  	_ =	shalt  }
0x74: {  	_ =	shalt  }
0x75: {  	_ =	shalt  }
0x76: {  	_ =	shalt  }
0x77: {  	_ =	shalt  }
0x78: {  	_ =	shalt  }
0x79: {  	_ =	shalt  }
0x7a: {  	_ =	shalt  }
0x7b: {  	_ =	shalt  }
0x7c: {  	_ =	shalt  }
0x7d: {  	_ =	shalt  }
0x7e: {  	_ =	shalt  }
0x7f: {  	_ =	shalt  }
0x80: {  	_ =	shalt  }
0x81: {  	_ =	shalt  }
0x82: {  	_ =	shalt  }
0x83: {  	_ =	shalt  }
0x84: {  	_ =	shalt  }
0x85: {  	_ =	shalt  }
0x86: {  	_ =	shalt  }
0x87: {  	_ =	shalt  }
.Lfunc_end0:
.L_simem_size_0:
called_computation_lowered:
.L_overlay_start_0:
0x88: {  	s2 =	sld [smem:$0x3FD9]  }
0x89: {  	s3 =	sld [smem:$0x3FFE];
	_ =	sdelay $0x1  }
0x8a: {  	s1 =	srdreg.scid  }
0x8b: {  	s0 =	sand.u32 $0x1, s1  }
0x8c: {  	s17 =	sshll.u32 s0, $0xA;
	s2 =	sadd.s32 s3, s2  }
0x8d: {  	s2 =	sadd.s32 s2, s17  }
0x8e: {  	[smem:$0x3FB8] =	sst s2  }
0x8f: {  	_ = 	snop  }
0x90: {  	s2 =	sld [smem:$0x3FD0];
	(tm) =	ssettm $0x1  }
0x91: {  	s18 =	sld [smem:$0x3FFB];
	_ =	sdelay $0x3  }
0x92: {  	_ =	strace s18  }
0x93: {  	s3 =	sld [smem:$0x3FFC];
	_ =	sdelay $0x3  }
0x94: {  	_ =	strace s3  }
0x95: {  	s3 =	sld [smem:$0x3FFD];
	_ =	sdelay $0x3  }
0x96: {  	_ =	strace s3  }
0x97: {  	_ =	strace $0x8FFFFFFF  }
0x98: {  	s19 =	sld [smem:$0x3FDB];
	_ =	sdelay $0x1  }
0x99: {  	s4 =	simm.s32 $_scs_section_size  }
0x9a: {  	s5 =	simm.s32 $_size__tile_overlayer_lowered;
	s6 =	simm.s32 $_tile_overlayer_lowered  }
0x9b: {  	s22 =	simm.s32 $0x1BFF;
	s21 =	sshll.u32 s6, $0x1;
	s3 =	sadd.s32 s4, s19  }
0x9c: {  	s7 =	simm.s32 $0x0;
	s20 =	sshll.u32 s5, $0x1;
	s5 =	sadd.s32 s21, s3  }
0x9d: {  	[timem:s7], [sflag:s22] =	dma.local [hbm:s5], s20  }
0x9e: {  	_ =	swait.ge [sflag:s22], s20  }
0x9f: {  	s4 =	ssub.s32 $0x0, s20;
	[sflag:s22] =	ssyncset.done $0x0  }
0xa0: {  	[sflag:s22] =	ssyncadd.s32 s4;
	_ =	sdelay $0x1  }
0xa1: {  	s23 =	simm.s32 $0x1B8B  }
0xa2: {  	_ =	swait.ge [sflag:s23], $0x1  }
0xa3: {  	[sflag:s23] =	ssyncset.done $0x0  }
0xa4: {  	s25 =	simm.s32 $0x1B8E;
	s24 =	sld [smem:$0x3FFE];
	[sflag:s23] =	ssyncadd.s32 $0xFFFFFFFF  }
0xa5: {  	s26 =	simm.s32 $execute0_lowered;
	[smem:$0x3FD2] =	sst s25  }
0xa6: {  	s5 =	sshll.u32 s26, $0x1;
	_ =	strace $0x80000046;
	[dreg:$0x1] =	wrdreg $0xFFFFFFFF  }
0xa7: {  	s28 =	simm.s32 $_size_execute0_lowered;
	s3 =	sadd.s32 s3, s5;
	[dreg:$0x0] =	wrdreg $0x0  }
0xa8: {  	s5 =	sshll.u32 s28, $0x1;
	[dreg:$0x2] =	wrdreg s3  }
0xa9: {  	[dreg:$0x3] =	wrdreg s5  }
0xaa: {  	[dreg:$0x4] =	wrdreg $0xC0  }
0xab: {  	_ =	task [dreg:s7], $0x5FFFF  }
0xac: {  	[dreg:$0x1] =	wrdreg $0xFFFFFFFF  }
0xad: {  	[dreg:$0x0] =	wrdreg $0x60  }
0xae: {  	[dreg:$0x2] =	wrdreg s24  }
0xaf: {  	[dreg:$0x3] =	wrdreg s2  }
0xb0: {  	[dreg:$0x4] =	wrdreg $0x12E400  }
0xb1: {  	[dreg:$0x5] =	wrdreg $0xE0000  }
0xb2: {  	[dreg:$0x6] =	wrdreg $0x18C800  }
0xb3: {  	[dreg:$0x7] =	wrdreg $0x9  }
0xb4: {  	_ =	task.clear_ibuf [dreg:s7], $0x8FFFF;
	_ =	strace $0x90000046  }
0xb5: {  	s29 =	simm.s32 $0x9;
	_ =	strace $0x80000048  }
0xb6: {  	_ =	swait.ge [sflag:s29], $0x1  }
0xb7: {  	[sflag:s29] =	ssyncadd.s32 $0xFFFFFFFF  }
0xb8: {  	_ =	strace $0x90000048  }
0xb9: {  	_ =	sfence  }
0xba: {  	s30 =	sld [smem:$0x0];
	_ =	sdelay $0x2  }
0xbb: {  	s31 =	sshll.u32 s1, $0xD;
	s1 =	sshrl.u32 s1, $0x2  }
0xbc: {  	s3 =	sand.u32 $0x4000, s31;
	s1 =	sadd.s32 s1, s30  }
0xbd: {  	s0 =	sor.u32 s3, s0;
	s1 =	sshll.u32 s1, $0x11  }
0xbe: {  	s0 =	sor.u32 s1, s0  }
0xbf: {  	s0 =	sadd.s32 $0x8F2B, s0  }
0xc0: {  	[sflag:s0] =	ssyncadd.remote.s32 $0x1  }
0xc1: {  	_ =	sfence.sel $0xFFFF  }
0xc2: {  	[dreg:$0x0] =	wrdreg $0xFFFFFFFF;
	(pc) =	sbr.abs _section_cstart, $3  }
0xc3: {  	[dreg:$0x1] =	wrdreg $0xFFFFFFFF  }
0xc4: {  	_ =	task.clear_ibuf [dreg:s7], $0x2FFFF;
	_ =	strace $0x9FFFFFFF  }
0xc5: {  	(tm) =	ssettm $0x7FFFFFFF  }
tec
execute0_lowered:
.L_overlay_start_1:
0x0: {  	(tag) =	ssettag $0x1  }
0x1: {  	s0 =	rddreg [dreg:$0x0]  }
0x2: {  	s2 =	rddreg [dreg:$0x2];
	s13 =	stileid.u32  }
0x3: {  	s1 =	srdreg.scid;
	s4 =	rddreg [dreg:$0x3]  }
0x4: {  	s5 =	rddreg [dreg:$0x4];
	s8 =	simm.s32 $0x0;
	s3 =	smul.u32 $0x5000, s13  }
0x5: {  	s28 =	simm.s32 $0x1;
	s29 =	simm.s32 $0x4;
	s7 =	smul.u32 $0x4E40, s13  }
0x6: {  	s1 =	sand.u32 $0x1, s1;
	[smem:$0x7FF] =	sst s8;
	s19 =	smul.u32 $0x2720, s13  }
0x7: {  	s10 =	sadd.s32 $0x2A000, s0;
	s20 =	sadd.s32 $0x2AA00, s0;
	s21 =	sadd.s32 $0x2B000, s0  }
0x8: {  	s24 =	sshll.u32 s13, $0x6;
	_ =	strace $0x80000047;
	[dreg:$0x6] =	wrdreg s10  }
0x9: {  	s26 =	sadd.s32 $0x1FC00, s0;
	s6 =	smul.u32 $0x4E400, s1;
	[dreg:$0x7] =	wrdreg s20  }
0xa: {  	p0 =	seq.s32 s13, $0xF;
	s9 =	smul.u32 $0x27200, s1;
	[dreg:$0x8] =	wrdreg s21  }
0xb: {  	s22 =	ssub.s32 $0x2, s1;
	[dreg:$0xd] =	wrdreg s26;
	s21 =	simm.s32 $0x7  }
0xc: {  	p1 =	sne.s32 s1, $0x0;
	p2 =	seq.s32 s1, $0x0;
	s26 =	simm.s32 $0xC000  }
0xd: {  	s3 =	sshrl.u32 s3, $0x3;
	s11 =	sshrl.u32 s22, $0x1;
	s12 =	sadd.s32 s7, s2  }
0xe: {  	s8 =	sadd.s32 s19, s5;
	s3 =	sadd.s32 s3, s0;
	s6 =	sadd.s32 s7, s6  }
0xf: {  	s9 =	sadd.s32 s19, s9;
	s10 =	ssub.s32 s22, s11;
	s11 =	sor.u32 $0x1C07, s24  }
0x10: {  	s7 =	sadd.s32 s7, s4;
	[dreg:$0xa] =	wrdreg s8;
	s20 =	sshrl.u32 s12, $0x3  }
0x11: {  	s6 =	sshrl.u32 s6, $0x3;
	s9 =	sshrl.u32 s9, $0x3;
	s25 =	sadd.s32 $0x16600, s3  }
0x12: {  	s3 =	sadd.s32 $0x20240, s3;
	s6 =	sadd.s32 s6, s0;
	[dreg:$0xb] =	wrdreg s25  }
0x13: {  	s9 =	sadd.s32 s9, s0;
	[dreg:$0xc] =	wrdreg s3;
	s0 =	sadd.s32 $0x29840, s0  }
0x14: {  	s24 =	simm.s32 $0x100;
	s23 =	sadd.s32 $0x2C00, s6;
	[dreg:$0xe] =	wrdreg s0  }
0x15: {  	s19 =	smax.u32 s10, $0x1;
	s30 =	sadd.s32 $0x35000, s6;
	[dreg:$0x9] =	wrdreg s23  }
0x16: {  	s22 =	sshrl.u32 s7, $0x3;
	s31 =	sadd.s32 $0x2B200, s9;
	[dreg:$0xf] =	wrdreg s30  }
0x17: {  	s25 =	simm.s32 $0xA000;
	[dreg:$0x10] =	wrdreg s31;
	s23 =	simm.s32 $0x0  }
.LBB2_1:
0x18: {  	s0 =	rddreg [dreg:$0x9]  }
0x19: {  	[spmem:s20], [sflag:s11] =	dma.local [hbm:s0], $0x9C8  }
0x1a: {  	_ =	swait.ge [sflag:s21], $0x9C8  }
0x1b: {  	[sflag:s21] =	ssyncset.done $0x0  }
0x1c: {  	s15 =	rddreg [dreg:$0x6];
	[sflag:s21] =	ssyncadd.s32 $0xFFFFF638  }
0x1d: {  	[spmem:s22], [sflag:s11] =	dma.local [hbm:s15], $0x9C8  }
0x1e: {  	_ =	swait.ge [sflag:s21], $0x9C8  }
0x1f: {  	[sflag:s21] =	ssyncset.done $0x0;
	s16 =	rddreg [dreg:$0xa]  }
0x20: {  	s17 =	rddreg [dreg:$0x7];
	[sflag:s21] =	ssyncadd.s32 $0xFFFFF638;
	s30 =	sshrl.u32 s16, $0x3  }
0x21: {  	[spmem:s30], [sflag:s11] =	dma.local [hbm:s17], $0x4E4  }
0x22: {  	_ =	swait.ge [sflag:s21], $0x4E4  }
0x23: {  	s7 =	simm.s32 $0x0;
	[sflag:s21] =	ssyncset.done $0x0  }
0x24: {  	s1 =	simm.s32 $0x17C80;
	s18 =	rddreg [dreg:$0x8];
	[sflag:s21] =	ssyncadd.s32 $0xFFFFFB1C  }
0x25: {  	[tilespmem:s1], [sflag:$0x7] =	stream.linear.gather [hbm4b:s18+s7], $0x1000, $0x38;
	[tilespmem:$0x1B3A0] =	vst v63  }
0x26: {  	_ =	swait.ge [sflag:s21], $0x1000  }
0x27: {  	[sflag:s21] =	ssyncset.done $0x0  }
0x28: {  	s0 =	simm.s32 @p0 $0x0;
	s1 =	rddreg [dreg:$0xd];
	[sflag:s21] =	ssyncadd.s32 $0xFFFFF000  }
0x29: {  	[tilespmem:s0], [sflag:$0x7] =	stream.linear.gather @p0 [hbm4b:s1+s0], $0x3200, $0x38;
	[tilespmem:$0x1B3A0] =	vst v63  }
0x2a: {  	s1 =	simm.s32 @p0 $0x7  }
0x2b: {  	_ =	swait.ge @p0 [sflag:s1], $0x3200  }
0x2c: {  	[sflag:s1] =	ssyncset.done @p0 $0x0  }
0x2d: {  	s3 =	simm.s32 @p0 $0x5000;
	s6 =	rddreg [dreg:$0xe];
	[sflag:s1] =	ssyncadd.s32 @p0 $0xFFFFCE00  }
0x2e: {  	[tilespmem:s3], [sflag:$0x7] =	stream.linear.gather @p0 [hbm4b:s6+s0], $0x3200, $0x38;
	[tilespmem:$0x1B3A0] =	vst v63  }
0x2f: {  	_ =	swait.ge @p0 [sflag:s1], $0x3200  }
0x30: {  	[sflag:s1] =	ssyncset.done @p0 $0x0  }
0x31: {  	[sflag:s1] =	ssyncadd.s32 @p0 $0xFFFFCE00  }
0x32: {  	s3 =	simm.s32 @p0 $0x3200;
	s6 =	rddreg [dreg:$0x1]  }
0x33: {  	[tilespmem:s3], [sflag:$0x7] =	stream.linear.gather @p0 [hbm4b:s6+s0], $0x1E00, $0x38;
	[tilespmem:$0x1B3A0] =	vst v63  }
0x34: {  	_ =	swait.ge @p0 [sflag:s1], $0x1E00  }
0x35: {  	[sflag:s1] =	ssyncset.done @p0 $0x0  }
0x36: {  	s3 =	simm.s32 @p0 $0x8200;
	[sflag:s1] =	ssyncadd.s32 @p0 $0xFFFFE200  }
0x37: {  	[tilespmem:s3], [sflag:$0x7] =	stream.linear.gather @p0 [hbm4b:s6+s0], $0x1E00, $0x38;
	[tilespmem:$0x1B3A0] =	vst v63  }
0x38: {  	_ =	swait.ge @p0 [sflag:s1], $0x1E00  }
0x39: {  	[sflag:s1] =	ssyncset.done @p0 $0x0  }
0x3a: {  	s0 =	simm.s32 @!p0 $0x0;
	[sflag:s1] =	ssyncadd.s32 @p0 $0xFFFFE200;
	s1 =	rddreg [dreg:$0xb]  }
0x3b: {  	[tilespmem:s0], [sflag:$0x7] =	stream.linear.gather @!p0 [hbm4b:s1+s0], $0x5000, $0x38;
	[tilespmem:$0x1B3A0] =	vst v63  }
0x3c: {  	s1 =	simm.s32 @!p0 $0x7  }
0x3d: {  	_ =	swait.ge @!p0 [sflag:s1], $0x5000  }
0x3e: {  	[sflag:s1] =	ssyncset.done @!p0 $0x0  }
0x3f: {  	s3 =	simm.s32 @!p0 $0x5000;
	s6 =	rddreg [dreg:$0xc];
	[sflag:s1] =	ssyncadd.s32 @!p0 $0xFFFFB000  }
0x40: {  	[tilespmem:s3], [sflag:$0x7] =	stream.linear.gather @!p0 [hbm4b:s6+s0], $0x5000, $0x38;
	[tilespmem:$0x1B3A0] =	vst v63  }
0x41: {  	_ =	swait.ge @!p0 [sflag:s1], $0x5000  }
0x42: {  	[sflag:s1] =	ssyncset.done @!p0 $0x0  }
0x43: {  	[sflag:s1] =	ssyncadd.s32 @!p0 $0xFFFFB000  }
0x44: {  	[bflag:$0x0] =	sbarrier.arrive $0xFFFF  }
0x45: {  	[tilespmem:s25], [sflag:$0x1] =	stream.indirect.gather [spmem:s2], $0x20, s7, s24, $0xb8;
	[tilespmem:$0x1B3A0] =	vst v63  }
0x46: {  	_ = 	snop  }
0x47: {  	[tilespmem:s26], [sflag:$0x2] =	stream.indirect.gather [spmem:s2], $0x20, s24, s24, $0xb8;
	[tilespmem:$0x1B3A0] =	vst v63  }
0x48: {  	_ =	swait.ge [sflag:s28], $0x2000  }
0x49: {  	[sflag:s28] =	ssyncset.done $0x0  }
0x4a: {  	s10 =	simm.s32 $0x5000;
	s0 =	simm.s32 @p1 $0x2;
	[sflag:s28] =	ssyncadd.s32 $0xFFFFE000  }
0x4b: {  	[spmem:s4] =	stream.indirect.scatter.add.f32 [tilespmem:s25], [sflag:$0x3], $0x20, s10, s24, $0xb8;
	[tilespmem:$0x1B3A0] =	vst v63  }
0x4c: {  	_ =	swait.ge @p1 [sflag:s0], $0x2000  }
0x4d: {  	s3 =	simm.s32 @p1 $0xC000;
	s6 =	simm.s32 @p1 $0x100;
	[sflag:s0] =	ssyncset.done @p1 $0x0  }
0x4e: {  	s1 =	simm.s32 @p1 $0x3;
	s7 =	simm.s32 @p1 $0x5100;
	[sflag:s0] =	ssyncadd.s32 @p1 $0xFFFFE000  }
0x4f: {  	[spmem:s4] =	stream.indirect.scatter.add.f32 @p1 [tilespmem:s3], [sflag:$0x4], $0x20, s7, s6, $0xb8;
	[tilespmem:$0x1B3A0] =	vst v63  }
0x50: {  	_ =	swait.ge @p1 [sflag:s1], $0x2000  }
0x51: {  	s8 =	simm.s32 @!p1 $0x100;
	[sflag:s1] =	ssyncset.done @p1 $0x0  }
0x52: {  	s9 =	simm.s32 @!p1 $0x17C80;
	s7 =	simm.s32 @!p1 $0x2;
	[sflag:s1] =	ssyncadd.s32 @p1 $0xFFFFE000  }
0x53: {  	[spmem:s5] =	stream.indirect.scatter.add.f32 @!p1 [tilespmem:s9], [sflag:$0x5], $0x10, s10, s8, $0xb8;
	[tilespmem:$0x1B3A0] =	vst v63  }
0x54: {  	_ =	swait.ge @!p1 [sflag:s7], $0x2000  }
0x55: {  	[sflag:s7] =	ssyncset.done @!p1 $0x0  }
0x56: {  	s12 =	simm.s32 @!p1 $0x5100;
	s10 =	simm.s32 @!p1 $0xC000;
	[sflag:s7] =	ssyncadd.s32 @!p1 $0xFFFFE000  }
0x57: {  	[spmem:s4] =	stream.indirect.scatter.add.f32 @!p1 [tilespmem:s10], [sflag:$0x4], $0x20, s12, s8, $0xb8;
	[tilespmem:$0x1B3A0] =	vst v63  }
0x58: {  	s31 =	simm.s32 @!p1 $0x3  }
0x59: {  	[spmem:s5] =	stream.indirect.scatter.add.f32 @!p1 [tilespmem:s9], [sflag:$0x6], $0x10, s12, s8, $0xb8;
	[tilespmem:$0x1B3A0] =	vst v63  }
0x5a: {  	_ =	swait.ge @!p1 [sflag:s31], $0x2000  }
0x5b: {  	[sflag:s31] =	ssyncset.done @!p1 $0x0  }
0x5c: {  	s12 =	simm.s32 @!p1 $0x5;
	[sflag:s31] =	ssyncadd.s32 @!p1 $0xFFFFE000  }
0x5d: {  	_ =	swait.ge @!p1 [sflag:s12], $0x1000  }
0x5e: {  	[sflag:s12] =	ssyncset.done @!p1 $0x0  }
0x5f: {  	s13 =	simm.s32 $0x200;
	[sflag:s12] =	ssyncadd.s32 @!p1 $0xFFFFF000  }
0x60: {  	[tilespmem:s25], [sflag:$0x1] =	stream.indirect.gather [spmem:s2], $0x20, s13, s24, $0xb8;
	[tilespmem:$0x1B3A0] =	vst v63  }
0x61: {  	_ =	swait.ge [sflag:s29], $0x2000  }
0x62: {  	[sflag:s29] =	ssyncset.done $0x0  }
0x63: {  	s13 =	simm.s32 @!p1 $0x6;
	[sflag:s29] =	ssyncadd.s32 $0xFFFFE000  }
0x64: {  	_ =	swait.ge @!p1 [sflag:s13], $0x1000  }
0x65: {  	[sflag:s13] =	ssyncset.done @!p1 $0x0  }
0x66: {  	s14 =	simm.s32 $0x800;
	s15 =	simm.s32 $0x300;
	[sflag:s13] =	ssyncadd.s32 @!p1 $0xFFFFF000  }
.LBB2_2:
0x67: {  	[tilespmem:s26], [sflag:$0x2] =	stream.indirect.gather [spmem:s2], $0x20, s15, s24, $0xb8;
	[tilespmem:$0x1B3A0] =	vst v63  }
0x68: {  	s16 =	smov.u32 s14;
	s14 =	sadd.s32 $0x800, s14;
	_ =	swait.ge [sflag:s28], $0x2000  }
0x69: {  	s15 =	sshra.s32 s16, $0x2;
	p3 =	sne.s32 s14, $0x9800;
	[sflag:s28] =	ssyncset.done $0x0  }
0x6a: {  	s17 =	sadd.s32 $0x5000, s15;
	[sflag:s28] =	ssyncadd.s32 $0xFFFFE000  }
0x6b: {  	[spmem:s4] =	stream.indirect.scatter.add.f32 [tilespmem:s25], [sflag:$0x3], $0x20, s17, s24, $0xb8;
	[tilespmem:$0x1B3A0] =	vst v63  }
0x6c: {  	_ =	swait.ge @p1 [sflag:s0], $0x2000  }
0x6d: {  	s18 =	sshra.s32 @p1 s16, $0x2;
	[sflag:s0] =	ssyncset.done @p1 $0x0  }
0x6e: {  	s18 =	sadd.s32 @p1 $0x5100, s18;
	[sflag:s0] =	ssyncadd.s32 @p1 $0xFFFFE000  }
0x6f: {  	[spmem:s4] =	stream.indirect.scatter.add.f32 @p1 [tilespmem:s3], [sflag:$0x4], $0x20, s18, s6, $0xb8;
	[tilespmem:$0x1B3A0] =	vst v63  }
0x70: {  	_ =	swait.ge @p1 [sflag:s1], $0x2000  }
0x71: {  	[sflag:s1] =	ssyncset.done @p1 $0x0  }
0x72: {  	[sflag:s1] =	ssyncadd.s32 @p1 $0xFFFFE000  }
0x73: {  	[spmem:s5] =	stream.indirect.scatter.add.f32 @!p1 [tilespmem:s9], [sflag:$0x5], $0x10, s17, s8, $0xb8;
	[tilespmem:$0x1B3A0] =	vst v63  }
0x74: {  	_ =	swait.ge @!p1 [sflag:s7], $0x2000  }
0x75: {  	s16 =	sshra.s32 @!p1 s16, $0x2;
	[sflag:s7] =	ssyncset.done @!p1 $0x0  }
0x76: {  	s16 =	sadd.s32 @!p1 $0x5100, s16;
	[sflag:s7] =	ssyncadd.s32 @!p1 $0xFFFFE000  }
0x77: {  	[spmem:s4] =	stream.indirect.scatter.add.f32 @!p1 [tilespmem:s10], [sflag:$0x4], $0x20, s16, s8, $0xb8;
	[tilespmem:$0x1B3A0] =	vst v63  }
0x78: {  	_ = 	snop  }
0x79: {  	[spmem:s5] =	stream.indirect.scatter.add.f32 @!p1 [tilespmem:s9], [sflag:$0x6], $0x10, s16, s8, $0xb8;
	[tilespmem:$0x1B3A0] =	vst v63  }
0x7a: {  	_ =	swait.ge @!p1 [sflag:s31], $0x2000  }
0x7b: {  	[sflag:s31] =	ssyncset.done @!p1 $0x0  }
0x7c: {  	[sflag:s31] =	ssyncadd.s32 @!p1 $0xFFFFE000  }
0x7d: {  	_ =	swait.ge @!p1 [sflag:s12], $0x1000  }
0x7e: {  	[sflag:s12] =	ssyncset.done @!p1 $0x0  }
0x7f: {  	s16 =	sadd.s32 $0x200, s15;
	[sflag:s12] =	ssyncadd.s32 @!p1 $0xFFFFF000  }
0x80: {  	[tilespmem:s25], [sflag:$0x1] =	stream.indirect.gather [spmem:s2], $0x20, s16, s24, $0xb8;
	[tilespmem:$0x1B3A0] =	vst v63  }
0x81: {  	_ =	swait.ge [sflag:s29], $0x2000  }
.Ltmp0:
0x82: {  	[sflag:s29] =	ssyncset.done $0x0;
	(pc) =	sbr.rel @p3 .LBB2_2-.Ltmp0, $4  }
0x83: {  	[sflag:s29] =	ssyncadd.s32 $0xFFFFE000  }
0x84: {  	_ =	swait.ge @!p1 [sflag:s13], $0x1000  }
0x85: {  	[sflag:s13] =	ssyncset.done @!p1 $0x0  }
0x86: {  	s15 =	sadd.s32 $0x300, s15;
	[sflag:s13] =	ssyncadd.s32 @!p1 $0xFFFFF000  }
0x87: {  	[tilespmem:s26], [sflag:$0x2] =	stream.indirect.gather [spmem:s2], $0x20, s15, s24, $0xb8;
	[tilespmem:$0x1B3A0] =	vst v63  }
0x88: {  	_ =	swait.ge [sflag:s28], $0x2000  }
0x89: {  	[sflag:s28] =	ssyncset.done $0x0  }
0x8a: {  	s0 =	simm.s32 $0x7600;
	s31 =	simm.s32 @p2 $0x100;
	[sflag:s28] =	ssyncadd.s32 $0xFFFFE000  }
0x8b: {  	[spmem:s4] =	stream.indirect.scatter.add.f32 [tilespmem:s25], [sflag:$0x3], $0x20, s0, s24, $0xb8;
	[tilespmem:$0x1B3A0] =	vst v63  }
0x8c: {  	s1 =	simm.s32 @p2 $0x17C80;
	s3 =	simm.s32 @p2 $0x2;
	s0 =	simm.s32 @p2 $0x7600  }
0x8d: {  	[spmem:s5] =	stream.indirect.scatter.add.f32 @p2 [tilespmem:s1], [sflag:$0x5], $0x10, s0, s31, $0xb8;
	[tilespmem:$0x1B3A0] =	vst v63  }
0x8e: {  	_ =	swait.ge @p2 [sflag:s3], $0x2000  }
0x8f: {  	[sflag:s3] =	ssyncset.done @p2 $0x0  }
0x90: {  	s6 =	simm.s32 @p2 $0x7700;
	s0 =	simm.s32 @p2 $0xC000;
	[sflag:s3] =	ssyncadd.s32 @p2 $0xFFFFE000  }
0x91: {  	[spmem:s4] =	stream.indirect.scatter.add.f32 @p2 [tilespmem:s0], [sflag:$0x4], $0x20, s6, s31, $0xb8;
	[tilespmem:$0x1B3A0] =	vst v63  }
0x92: {  	_ = 	snop  }
0x93: {  	[spmem:s5] =	stream.indirect.scatter.add.f32 @p2 [tilespmem:s1], [sflag:$0x6], $0x10, s6, s31, $0xb8;
	[tilespmem:$0x1B3A0] =	vst v63  }
0x94: {  	s1 =	simm.s32 @p2 $0x3  }
0x95: {  	_ =	swait.ge @p2 [sflag:s1], $0x2000  }
0x96: {  	[sflag:s1] =	ssyncset.done @p2 $0x0  }
0x97: {  	s6 =	simm.s32 @p2 $0x5;
	[sflag:s1] =	ssyncadd.s32 @p2 $0xFFFFE000  }
0x98: {  	_ =	swait.ge @p2 [sflag:s6], $0x1000  }
0x99: {  	[sflag:s6] =	ssyncset.done @p2 $0x0  }
0x9a: {  	[sflag:s6] =	ssyncadd.s32 @p2 $0xFFFFF000;
	s6 =	simm.s32 @p2 $0x4  }
0x9b: {  	_ =	swait.ge @p2 [sflag:s6], $0x2000  }
0x9c: {  	[sflag:s6] =	ssyncset.done @p2 $0x0  }
0x9d: {  	[sflag:s6] =	ssyncadd.s32 @p2 $0xFFFFE000;
	s6 =	simm.s32 @p2 $0x6  }
0x9e: {  	_ =	swait.ge @p2 [sflag:s6], $0x1000  }
0x9f: {  	[sflag:s6] =	ssyncset.done @p2 $0x0  }
0xa0: {  	[sflag:s6] =	ssyncadd.s32 @p2 $0xFFFFF000;
	s6 =	simm.s32 @!p2 $0x2  }
0xa1: {  	_ =	swait.ge @!p2 [sflag:s6], $0x2000  }
0xa2: {  	s7 =	simm.s32 @!p2 $0x100;
	[sflag:s6] =	ssyncset.done @!p2 $0x0  }
0xa3: {  	s9 =	simm.s32 @!p2 $0x7700;
	s8 =	simm.s32 @!p2 $0xC000;
	[sflag:s6] =	ssyncadd.s32 @!p2 $0xFFFFE000  }
0xa4: {  	[spmem:s4] =	stream.indirect.scatter.add.f32 @!p2 [tilespmem:s8], [sflag:$0x4], $0x20, s9, s7, $0xb8;
	[tilespmem:$0x1B3A0] =	vst v63  }
0xa5: {  	s9 =	simm.s32 @!p2 $0x3  }
0xa6: {  	_ =	swait.ge @!p2 [sflag:s9], $0x2000  }
0xa7: {  	[sflag:s9] =	ssyncset.done @!p2 $0x0  }
0xa8: {  	s10 =	simm.s32 @!p2 $0x4;
	[sflag:s9] =	ssyncadd.s32 @!p2 $0xFFFFE000  }
0xa9: {  	_ =	swait.ge @!p2 [sflag:s10], $0x2000  }
0xaa: {  	[sflag:s10] =	ssyncset.done @!p2 $0x0  }
0xab: {  	s17 =	simm.s32 $0x2800;
	[sflag:s10] =	ssyncadd.s32 @!p2 $0xFFFFE000  }
0xac: {  	[tilespmem:s25], [sflag:$0x1] =	stream.indirect.gather [spmem:s2], $0x20, s17, s24, $0xb8;
	[tilespmem:$0x1B3A0] =	vst v63  }
0xad: {  	s18 =	simm.s32 $0x2900  }
0xae: {  	[tilespmem:s26], [sflag:$0x2] =	stream.indirect.gather [spmem:s2], $0x20, s18, s24, $0xb8;
	[tilespmem:$0x1B3A0] =	vst v63  }
0xaf: {  	_ =	swait.ge [sflag:s28], $0x2000  }
0xb0: {  	[sflag:s28] =	ssyncset.done $0x0  }
0xb1: {  	s12 =	simm.s32 $0x7800;
	[sflag:s28] =	ssyncadd.s32 $0xFFFFE000  }
0xb2: {  	[spmem:s4] =	stream.indirect.scatter.add.f32 [tilespmem:s25], [sflag:$0x3], $0x20, s12, s24, $0xb8;
	[tilespmem:$0x1B3A0] =	vst v63  }
0xb3: {  	_ =	swait.ge @p2 [sflag:s3], $0x2000  }
0xb4: {  	[sflag:s3] =	ssyncset.done @p2 $0x0  }
0xb5: {  	s10 =	simm.s32 @p2 $0x7900;
	[sflag:s3] =	ssyncadd.s32 @p2 $0xFFFFE000  }
0xb6: {  	[spmem:s4] =	stream.indirect.scatter.add.f32 @p2 [tilespmem:s0], [sflag:$0x4], $0x20, s10, s31, $0xb8;
	[tilespmem:$0x1B3A0] =	vst v63  }
0xb7: {  	_ =	swait.ge @p2 [sflag:s1], $0x2000  }
0xb8: {  	[sflag:s1] =	ssyncset.done @p2 $0x0  }
0xb9: {  	s10 =	simm.s32 @!p2 $0x17C80;
	[sflag:s1] =	ssyncadd.s32 @p2 $0xFFFFE000  }
0xba: {  	[spmem:s5] =	stream.indirect.scatter.add.f32 @!p2 [tilespmem:s10], [sflag:$0x5], $0x10, s12, s7, $0xb8;
	[tilespmem:$0x1B3A0] =	vst v63  }
0xbb: {  	_ =	swait.ge @!p2 [sflag:s6], $0x2000  }
0xbc: {  	[sflag:s6] =	ssyncset.done @!p2 $0x0  }
0xbd: {  	s12 =	simm.s32 @!p2 $0x7900;
	[sflag:s6] =	ssyncadd.s32 @!p2 $0xFFFFE000  }
0xbe: {  	[spmem:s4] =	stream.indirect.scatter.add.f32 @!p2 [tilespmem:s8], [sflag:$0x4], $0x20, s12, s7, $0xb8;
	[tilespmem:$0x1B3A0] =	vst v63  }
0xbf: {  	_ = 	snop  }
0xc0: {  	[spmem:s5] =	stream.indirect.scatter.add.f32 @!p2 [tilespmem:s10], [sflag:$0x6], $0x10, s12, s7, $0xb8;
	[tilespmem:$0x1B3A0] =	vst v63  }
0xc1: {  	_ =	swait.ge @!p2 [sflag:s9], $0x2000  }
0xc2: {  	[sflag:s9] =	ssyncset.done @!p2 $0x0  }
0xc3: {  	s12 =	simm.s32 @!p2 $0x5;
	[sflag:s9] =	ssyncadd.s32 @!p2 $0xFFFFE000  }
0xc4: {  	_ =	swait.ge @!p2 [sflag:s12], $0x1000  }
0xc5: {  	[sflag:s12] =	ssyncset.done @!p2 $0x0  }
0xc6: {  	s13 =	simm.s32 $0x2A00;
	[sflag:s12] =	ssyncadd.s32 @!p2 $0xFFFFF000  }
0xc7: {  	[tilespmem:s25], [sflag:$0x1] =	stream.indirect.gather [spmem:s2], $0x20, s13, s24, $0xb8;
	[tilespmem:$0x1B3A0] =	vst v63  }
0xc8: {  	_ =	swait.ge [sflag:s29], $0x2000  }
0xc9: {  	[sflag:s29] =	ssyncset.done $0x0  }
0xca: {  	s13 =	simm.s32 @!p2 $0x6;
	[sflag:s29] =	ssyncadd.s32 $0xFFFFE000  }
0xcb: {  	_ =	swait.ge @!p2 [sflag:s13], $0x1000  }
0xcc: {  	[sflag:s13] =	ssyncset.done @!p2 $0x0  }
0xcd: {  	s14 =	simm.s32 $0xFFFF7000;
	s15 =	simm.s32 $0x2B00;
	[sflag:s13] =	ssyncadd.s32 @!p2 $0xFFFFF000  }
.LBB2_4:
0xce: {  	[tilespmem:s26], [sflag:$0x2] =	stream.indirect.gather [spmem:s2], $0x20, s15, s24, $0xb8;
	[tilespmem:$0x1B3A0] =	vst v63  }
0xcf: {  	s16 =	smov.u32 s14;
	s14 =	sadd.s32 $0x800, s14;
	_ =	swait.ge [sflag:s28], $0x2000  }
0xd0: {  	s15 =	sshra.s32 s16, $0x2;
	p3 =	sne.s32 s14, $0x0;
	[sflag:s28] =	ssyncset.done $0x0  }
0xd1: {  	s17 =	sadd.s32 $0x9E00, s15;
	[sflag:s28] =	ssyncadd.s32 $0xFFFFE000  }
0xd2: {  	[spmem:s4] =	stream.indirect.scatter.add.f32 [tilespmem:s25], [sflag:$0x3], $0x20, s17, s24, $0xb8;
	[tilespmem:$0x1B3A0] =	vst v63  }
0xd3: {  	_ =	swait.ge @p2 [sflag:s3], $0x2000  }
0xd4: {  	s18 =	sshra.s32 @p2 s16, $0x2;
	[sflag:s3] =	ssyncset.done @p2 $0x0  }
0xd5: {  	s18 =	sadd.s32 @p2 $0x9F00, s18;
	[sflag:s3] =	ssyncadd.s32 @p2 $0xFFFFE000  }
0xd6: {  	[spmem:s4] =	stream.indirect.scatter.add.f32 @p2 [tilespmem:s0], [sflag:$0x4], $0x20, s18, s31, $0xb8;
	[tilespmem:$0x1B3A0] =	vst v63  }
0xd7: {  	_ =	swait.ge @p2 [sflag:s1], $0x2000  }
0xd8: {  	[sflag:s1] =	ssyncset.done @p2 $0x0  }
0xd9: {  	[sflag:s1] =	ssyncadd.s32 @p2 $0xFFFFE000  }
0xda: {  	[spmem:s5] =	stream.indirect.scatter.add.f32 @!p2 [tilespmem:s10], [sflag:$0x5], $0x10, s17, s7, $0xb8;
	[tilespmem:$0x1B3A0] =	vst v63  }
0xdb: {  	_ =	swait.ge @!p2 [sflag:s6], $0x2000  }
0xdc: {  	s16 =	sshra.s32 @!p2 s16, $0x2;
	[sflag:s6] =	ssyncset.done @!p2 $0x0  }
0xdd: {  	s16 =	sadd.s32 @!p2 $0x9F00, s16;
	[sflag:s6] =	ssyncadd.s32 @!p2 $0xFFFFE000  }
0xde: {  	[spmem:s4] =	stream.indirect.scatter.add.f32 @!p2 [tilespmem:s8], [sflag:$0x4], $0x20, s16, s7, $0xb8;
	[tilespmem:$0x1B3A0] =	vst v63  }
0xdf: {  	_ = 	snop  }
0xe0: {  	[spmem:s5] =	stream.indirect.scatter.add.f32 @!p2 [tilespmem:s10], [sflag:$0x6], $0x10, s16, s7, $0xb8;
	[tilespmem:$0x1B3A0] =	vst v63  }
0xe1: {  	_ =	swait.ge @!p2 [sflag:s9], $0x2000  }
0xe2: {  	[sflag:s9] =	ssyncset.done @!p2 $0x0  }
0xe3: {  	[sflag:s9] =	ssyncadd.s32 @!p2 $0xFFFFE000  }
0xe4: {  	_ =	swait.ge @!p2 [sflag:s12], $0x1000  }
0xe5: {  	[sflag:s12] =	ssyncset.done @!p2 $0x0  }
0xe6: {  	s16 =	sadd.s32 $0x5000, s15;
	[sflag:s12] =	ssyncadd.s32 @!p2 $0xFFFFF000  }
0xe7: {  	[tilespmem:s25], [sflag:$0x1] =	stream.indirect.gather [spmem:s2], $0x20, s16, s24, $0xb8;
	[tilespmem:$0x1B3A0] =	vst v63  }
0xe8: {  	_ =	swait.ge [sflag:s29], $0x2000  }
.Ltmp1:
0xe9: {  	[sflag:s29] =	ssyncset.done $0x0;
	(pc) =	sbr.rel @p3 .LBB2_4-.Ltmp1, $4  }
0xea: {  	[sflag:s29] =	ssyncadd.s32 $0xFFFFE000  }
0xeb: {  	_ =	swait.ge @!p2 [sflag:s13], $0x1000  }
0xec: {  	[sflag:s13] =	ssyncset.done @!p2 $0x0  }
0xed: {  	s15 =	sadd.s32 $0x5100, s15;
	[sflag:s13] =	ssyncadd.s32 @!p2 $0xFFFFF000  }
0xee: {  	[tilespmem:s26], [sflag:$0x2] =	stream.indirect.gather [spmem:s2], $0x20, s15, s24, $0xb8;
	[tilespmem:$0x1B3A0] =	vst v63  }
0xef: {  	_ =	swait.ge [sflag:s28], $0x2000  }
0xf0: {  	[sflag:s28] =	ssyncset.done $0x0  }
0xf1: {  	s0 =	simm.s32 $0x9E00;
	[sflag:s28] =	ssyncadd.s32 $0xFFFFE000  }
0xf2: {  	[spmem:s4] =	stream.indirect.scatter.add.f32 [tilespmem:s25], [sflag:$0x3], $0x20, s0, s24, $0xb8;
	[tilespmem:$0x1B3A0] =	vst v63  }
0xf3: {  	s1 =	simm.s32 @p1 $0x9E00;
	s3 =	simm.s32 @p1 $0x17C80;
	s0 =	simm.s32 @p1 $0x100  }
0xf4: {  	[spmem:s5] =	stream.indirect.scatter.add.f32 @p1 [tilespmem:s3], [sflag:$0x5], $0x10, s1, s0, $0xb8;
	[tilespmem:$0x1B3A0] =	vst v63  }
0xf5: {  	s1 =	simm.s32 @p1 $0x2  }
0xf6: {  	_ =	swait.ge @p1 [sflag:s1], $0x2000  }
0xf7: {  	[sflag:s1] =	ssyncset.done @p1 $0x0  }
0xf8: {  	s6 =	simm.s32 @p1 $0xC000;
	[sflag:s1] =	ssyncadd.s32 @p1 $0xFFFFE000;
	s1 =	simm.s32 @p1 $0x9F00  }
0xf9: {  	[spmem:s4] =	stream.indirect.scatter.add.f32 @p1 [tilespmem:s6], [sflag:$0x4], $0x20, s1, s0, $0xb8;
	[tilespmem:$0x1B3A0] =	vst v63  }
0xfa: {  	_ = 	snop  }
0xfb: {  	[spmem:s5] =	stream.indirect.scatter.add.f32 @p1 [tilespmem:s3], [sflag:$0x6], $0x10, s1, s0, $0xb8;
	[tilespmem:$0x1B3A0] =	vst v63  }
0xfc: {  	s0 =	simm.s32 @p1 $0x3  }
0xfd: {  	_ =	swait.ge @p1 [sflag:s0], $0x2000  }
0xfe: {  	[sflag:s0] =	ssyncset.done @p1 $0x0  }
0xff: {  	[sflag:s0] =	ssyncadd.s32 @p1 $0xFFFFE000;
	s0 =	simm.s32 @p1 $0x5  }
0x100: {  	_ =	swait.ge @p1 [sflag:s0], $0x1000  }
0x101: {  	[sflag:s0] =	ssyncset.done @p1 $0x0  }
0x102: {  	[sflag:s0] =	ssyncadd.s32 @p1 $0xFFFFF000;
	s0 =	simm.s32 @p1 $0x4  }
0x103: {  	_ =	swait.ge @p1 [sflag:s0], $0x2000  }
0x104: {  	[sflag:s0] =	ssyncset.done @p1 $0x0  }
0x105: {  	[sflag:s0] =	ssyncadd.s32 @p1 $0xFFFFE000;
	s0 =	simm.s32 @p1 $0x6  }
0x106: {  	_ =	swait.ge @p1 [sflag:s0], $0x1000  }
0x107: {  	[sflag:s0] =	ssyncset.done @p1 $0x0  }
0x108: {  	[sflag:s0] =	ssyncadd.s32 @p1 $0xFFFFF000;
	s0 =	simm.s32 @!p1 $0x2  }
0x109: {  	_ =	swait.ge @!p1 [sflag:s0], $0x2000  }
0x10a: {  	s1 =	simm.s32 @!p1 $0x9F00;
	[sflag:s0] =	ssyncset.done @!p1 $0x0  }
0x10b: {  	s3 =	simm.s32 @!p1 $0xC000;
	[sflag:s0] =	ssyncadd.s32 @!p1 $0xFFFFE000;
	s0 =	simm.s32 @!p1 $0x100  }
0x10c: {  	[spmem:s4] =	stream.indirect.scatter.add.f32 @!p1 [tilespmem:s3], [sflag:$0x4], $0x20, s1, s0, $0xb8;
	[tilespmem:$0x1B3A0] =	vst v63  }
0x10d: {  	s0 =	simm.s32 @!p1 $0x3  }
0x10e: {  	_ =	swait.ge @!p1 [sflag:s0], $0x2000  }
0x10f: {  	[sflag:s0] =	ssyncset.done @!p1 $0x0  }
0x110: {  	[sflag:s0] =	ssyncadd.s32 @!p1 $0xFFFFE000;
	s0 =	simm.s32 @!p1 $0x4  }
0x111: {  	_ =	swait.ge @!p1 [sflag:s0], $0x2000  }
0x112: {  	[sflag:s0] =	ssyncset.done @!p1 $0x0  }
0x113: {  	[sflag:s0] =	ssyncadd.s32 @!p1 $0xFFFFE000  }
0x114: {  	[bflag:$0x0] =	sbarrier.arrive $0xFFFF  }
0x115: {  	s18 =	rddreg [dreg:$0xf]  }
0x116: {  	[hbm:s18], [sflag:s11] =	dma.local [spmem:s22], $0x9C8  }
0x117: {  	s23 =	sadd.s32 $0x1, s23;
	_ =	swait.ge [sflag:s21], $0x9C8  }
0x118: {  	p3 =	sne.s32 s23, s19;
	[sflag:s21] =	ssyncset.done $0x0  }
.Ltmp2:
0x119: {  	s31 =	rddreg [dreg:$0x10];
	[sflag:s21] =	ssyncadd.s32 $0xFFFFF638;
	(pc) =	sbr.rel @p3 .LBB2_1-.Ltmp2, $4  }
0x11a: {  	[hbm:s31], [sflag:s11] =	dma.local [spmem:s30], $0x4E4  }
0x11b: {  	_ =	swait.ge [sflag:s21], $0x4E4  }
0x11c: {  	[sflag:s21] =	ssyncset.done $0x0  }
0x11d: {  	[sflag:s21] =	ssyncadd.s32 $0xFFFFFB1C  }
0x11e: {  	_ =	sfence.sel $0x180000  }
0x11f: {  	[bflag:$0x0] =	sbarrier.arrive $0xFFFF  }
0x120: {  	_ =	strace $0x90000047  }
0x121: {  	s0 =	stileid.u32;
	[bflag:$0x2] =	sbarrier.arrive $0xFFFF  }
0x122: {  	p0 =	sne.s32 s0, $0x0;
	s0 =	rddreg [dreg:$0x5]  }
0x123: {  	s0 =	sadd.s32 @!p0 $0x100000, s0  }
0x124: {  	[sflag:s0] =	ssyncadd.tile.s32 @!p0 $0x1;
	_ =	shalt  }
.Lfunc_end2:
_tile_overlayer_lowered:
.L_overlay_start_2:
0x125: {  	(tag) =	ssettag $0x2  }
0x126: {  	s0 =	rddreg [dreg:$0x0];
	s2 =	stileid.u32  }
0x127: {  	s1 =	rddreg [dreg:$0x1];
	p0 =	sne.s32 s2, $0x0  }
0x128: {  	s3 =	rddreg [dreg:$0x2];
	[bflag:$0x3] =	sbarrier.arrive $0xFFFF;
	s2 =	simm.s32 @!p0 $0x1C07  }
0x129: {  	[timem:s3], [sflag:s2] =	dma.local @!p0 [hbm:s0], s1  }
0x12a: {  	s0 =	simm.s32 @!p0 $0x7  }
0x12b: {  	_ =	swait.ge @!p0 [sflag:s0], s1  }
0x12c: {  	s1 =	ssub.s32 @!p0 $0x0, s1;
	[sflag:s0] =	ssyncset.done @!p0 $0x0  }
0x12d: {  	[sflag:s0] =	ssyncadd.s32 @!p0 s1  }
0x12e: {  	[bflag:$0x3] =	sbarrier.arrive $0xFFFF  }
0x12f: {  	_ =	shalt  }

</sc_bundles>
